<compile_context>
chip_gen: v7x
topology: tpu7x:2x2x1
jax: 0.10.2.dev20260603
libtpu: 0.0.44.dev20260713+nightly
codegen_flags: <defaults>
</compile_context>

<pallas_src>
import functools

import jax
import jax.numpy as jnp
from jax import lax
from jax.experimental import pallas as pl
from jax.experimental.pallas import tpu as pltpu
from jax.experimental.pallas import tpu_sc as plsc

_MAX_LENGTH = 2048
_SEQ = 2048
_NROWS = 2 * _MAX_LENGTH - 1
_D = 32
_NC = 2
_NS = 16
_NW = _NC * _NS
_ROWS_PER_W = _SEQ // _NW
_DEPTH = 4


def _sc_expand(revT8, bt):
    mesh = plsc.VectorSubcoreMesh(core_axis_name="c", subcore_axis_name="s")

    @functools.partial(
        pl.kernel,
        mesh=mesh,
        out_type=[
            jax.ShapeDtypeStruct((_SEQ, 4, 16, 8, 128), jnp.float32),
            jax.ShapeDtypeStruct((_SEQ // 8, 16, 8, 128), jnp.float32),
        ],
        scratch_types=[
            pltpu.VMEM_SHARED((8, _D, 4096), jnp.float32),
            pltpu.VMEM_SHARED((16, 31, 8, 128), jnp.float32),
            pltpu.SemaphoreType.DMA,
            pltpu.SemaphoreType.DMA,
        ],
        compiler_params=pltpu.CompilerParams(use_tc_tiling_on_sc=False),
    )
    def k(revT8_hbm, bt_hbm, out_emb, out_bias, sh_revT8, sh_bt, sem_e, sem_b):
        c = lax.axis_index("c")
        s = lax.axis_index("s")
        wid = s * _NC + c
        base = wid * _ROWS_PER_W

        @pl.when(s == 0)
        def _fill():
            pltpu.sync_copy(revT8_hbm, sh_revT8)
            pltpu.sync_copy(bt_hbm, sh_bt)

        plsc.subcore_barrier()

        def _start_plane(i):
            off = (_SEQ - 1) - i
            p = lax.rem(off, 8)
            m = off - p
            for td in range(4):
                for tj in range(16):
                    src = sh_revT8.at[
                        p, pl.ds(8 * td, 8),
                        pl.ds(pl.multiple_of(m + 128 * tj, 8), 128)]
                    pltpu.make_async_copy(src, out_emb.at[i, td, tj],
                                          sem_e).start()

        def _wait_plane():
            def w(j, _):
                pltpu.make_async_copy(
                    sh_revT8.at[0, pl.ds(0, 8), pl.ds(0, 128)],
                    out_emb.at[0, 0, 0], sem_e).wait()
                return 0
            lax.fori_loop(0, 64, w, 0, unroll=8)

        def _bias_cp(tr):
            a = lax.div(tr, 16)
            b = lax.rem(tr, 16)
            return pltpu.make_async_copy(
                sh_bt.at[b, pl.ds(15 - a, 16)], out_bias.at[tr], sem_b)

        tr_base = wid * (_ROWS_PER_W // 8)

        def body(i, _):
            _start_plane(i)

            @pl.when(lax.rem(i, 8) == 0)
            def _bias_start():
                _bias_cp(tr_base + lax.div(i - base, 8)).start()

            @pl.when(i >= base + 2)
            def _drain_prev():
                _wait_plane()

            return 0

        lax.fori_loop(base, base + _ROWS_PER_W, body, 0)
        _wait_plane()
        _wait_plane()

        def tail(tr, _):
            _bias_cp(tr).wait()
            return 0

        lax.fori_loop(tr_base, tr_base + _ROWS_PER_W // 8, tail, 0)

    return k(revT8, bt)


def kernel(rel_pos_emb, rel_pos_bias, seq_length):
    shift = jnp.asarray(seq_length, jnp.int32) - _SEQ
    emb = jnp.roll(rel_pos_emb, -shift, axis=0)
    bias = jnp.roll(rel_pos_bias, -shift, axis=0)

    revT = jnp.flip(emb, axis=0).T
    revTpad = jnp.pad(revT, ((0, 0), (0, 9)))
    revT8 = jnp.stack(
        [lax.dynamic_slice_in_dim(revTpad, p, 4096, axis=1) for p in range(8)])

    bt = jnp.stack(
        [jnp.stack([lax.dynamic_slice_in_dim(bias, 8 * b + s, 3968)
                    for s in range(8)]) for b in range(16)])
    bt = jnp.flip(bt, axis=2)
    bt = jnp.transpose(bt.reshape(16, 8, 31, 128), (0, 2, 1, 3))

    out5, outb4 = _sc_expand(revT8, bt)
    x = jnp.transpose(out5, (0, 1, 3, 2, 4)).reshape(_SEQ, _D, _SEQ)
    y = jnp.transpose(outb4, (0, 2, 1, 3)).reshape(_SEQ, _SEQ)
    return (jnp.transpose(x, (0, 2, 1)), y)

# --- scband reference (transcript-rebuilt; emitter-appended) ---
"""Pipeline reference for scband-relative-position-embedding-34316788695296 (READ-ONLY COPY).

The authoritative reference and input builder live on the scoring server;
editing this copy changes nothing except your own understanding.
"""

import jax, jax.numpy as jnp
import numpy as np

MAX_LENGTH = 2048
EMBED_DIM = 32
SEQ_LENGTH = 2048


def setup_inputs(seed: int = 0) -> dict:
    key = jax.random.key(seed)
    k1, k2 = jax.random.split(key)
    n_rows = 2 * MAX_LENGTH - 1
    # glorot_uniform init for the embedding table
    limit = float(np.sqrt(6.0 / (n_rows + EMBED_DIM)))
    rel_pos_emb = jax.random.uniform(k1, (n_rows, EMBED_DIM), minval=-limit, maxval=limit, dtype=jnp.float32)
    rel_pos_bias = jnp.zeros((n_rows,), dtype=jnp.float32)
    return {"rel_pos_emb": rel_pos_emb, "rel_pos_bias": rel_pos_bias, "seq_length": SEQ_LENGTH}


def reference(rel_pos_emb, rel_pos_bias, seq_length):
    # pos_ids[i, j] = i - j + max_length - 1, values in [0, 2*max_length-2]
    pos_ids = jnp.arange(SEQ_LENGTH)[:, None] - jnp.arange(SEQ_LENGTH)[None, :]
    pos_ids = pos_ids + MAX_LENGTH - 1 + (seq_length - SEQ_LENGTH)
    rel_emb = jnp.take(rel_pos_emb, pos_ids, axis=0)   # [S, S, D]
    rel_bias = jnp.take(rel_pos_bias, pos_ids, axis=0)  # [S, S]
    return (rel_emb, rel_bias)

if __name__ == "__main__":
    import jax
    _d = setup_inputs()
    print(jax.jit(kernel)(*tuple(_d.values())))

</pallas_src>

<mosaic_0001>
#map = affine_map<(d0, d1) -> (0, 0, 0)>
#map1 = affine_map<(d0, d1) -> (0, 0, 0, 0)>
#map2 = affine_map<(d0, d1) -> (0, 0, 0, 0, 0)>
module attributes {stable_mosaic.version = 14 : i64} {
  func.func @k(%arg0: i32, %arg1: i32, %arg2: memref<8x32x4096xf32, #tpu.memory_space<hbm>>, %arg3: memref<16x31x8x128xf32, #tpu.memory_space<hbm>>, %arg4: memref<2048x4x16x8x128xf32, #tpu.memory_space<hbm>>, %arg5: memref<256x16x8x128xf32, #tpu.memory_space<hbm>>, %arg6: memref<8x32x4096xf32, #tpu.memory_space<vmem_shared>>, %arg7: memref<16x31x8x128xf32, #tpu.memory_space<vmem_shared>>, %arg8: memref<!tpu.dma_semaphore, #tpu.memory_space<semaphore_mem>>, %arg9: memref<!tpu.dma_semaphore, #tpu.memory_space<semaphore_mem>>) attributes {dimension_semantics = [#tpu.dimension_semantics<core_parallel>, #tpu.dimension_semantics<subcore_parallel>], iteration_bounds = array<i64: 2, 16>, scalar_prefetch = 0 : i64, scratch_operands = 4 : i64, tpu.core_type = #tpu.core_type<sc_vector_subcore>, window_params = [{transform_indices = #map}, {transform_indices = #map1}, {transform_indices = #map2}, {transform_indices = #map1}]} {
    %mul3A = arith.constant 2 : i32
    %mul3A_0 = arith.muli %arg1, %mul3A : i32
    %add3A = arith.addi %mul3A_0, %arg0 : i32
    %mul3A_1 = arith.constant 64 : i32
    %mul3A_2 = arith.muli %add3A, %mul3A_1 : i32
    %eq3A = arith.constant 0 : i32
    %eq3A_3 = arith.cmpi eq, %arg1, %eq3A : i32
    %convert_element_type3A = arith.extui %eq3A_3 : i1 to i32
    %cond3A = arith.constant 0 : i32
    %cond3A_4 = arith.cmpi ne, %convert_element_type3A, %cond3A : i32
    scf.if %cond3A_4 {
      "tpu.region"() ({
        %run_scoped3A = tpu.sem_alloc : memref<!tpu.dma_semaphore, #tpu.memory_space<semaphore_mem>>
        tpu.enqueue_dma source(%arg2 : memref<8x32x4096xf32, #tpu.memory_space<hbm>>) target(%arg6 : memref<8x32x4096xf32, #tpu.memory_space<vmem_shared>>) target_semaphore(%run_scoped3A : memref<!tpu.dma_semaphore, #tpu.memory_space<semaphore_mem>>)
        tpu.wait_dma2 semaphore(%run_scoped3A : memref<!tpu.dma_semaphore, #tpu.memory_space<semaphore_mem>>) src(%arg2 : memref<8x32x4096xf32, #tpu.memory_space<hbm>>) dst(%arg6 : memref<8x32x4096xf32, #tpu.memory_space<vmem_shared>>)
        tpu.yield
      }) : () -> ()
      "tpu.region"() ({
        %run_scoped3A = tpu.sem_alloc : memref<!tpu.dma_semaphore, #tpu.memory_space<semaphore_mem>>
        tpu.enqueue_dma source(%arg3 : memref<16x31x8x128xf32, #tpu.memory_space<hbm>>) target(%arg7 : memref<16x31x8x128xf32, #tpu.memory_space<vmem_shared>>) target_semaphore(%run_scoped3A : memref<!tpu.dma_semaphore, #tpu.memory_space<semaphore_mem>>)
        tpu.wait_dma2 semaphore(%run_scoped3A : memref<!tpu.dma_semaphore, #tpu.memory_space<semaphore_mem>>) src(%arg3 : memref<16x31x8x128xf32, #tpu.memory_space<hbm>>) dst(%arg7 : memref<16x31x8x128xf32, #tpu.memory_space<vmem_shared>>)
        tpu.yield
      }) : () -> ()
    } else {
    }
    %barrier3A = arith.constant 0 : index
    tpu.barrier barrier_id(%barrier3A)
    %mul3A_5 = arith.constant 8 : i32
    %mul3A_6 = arith.muli %add3A, %mul3A_5 : i32
    %add3A_7 = arith.constant 64 : i32
    %add3A_8 = arith.addi %mul3A_2, %add3A_7 : i32
    %while3A = arith.constant 0 : i32
    %while3A_9 = arith.subi %add3A_8, %mul3A_2 : i32
    %while3A_10 = arith.addi %mul3A_2, %while3A_9 : i32
    %while3A_11 = arith.constant 1 : i32
    %while3A_12 = arith.divsi %while3A_9, %while3A_11 : i32
    %while3A_13 = arith.muli %while3A_12, %while3A_11 : i32
    %while3A_14 = arith.addi %mul3A_2, %while3A_13 : i32
    %while3A_15 = arith.constant 1 : i32
    %while3A_16 = scf.for %while3A_45 = %mul3A_2 to %while3A_14 step %while3A_15 iter_args(%while3A_46 = %while3A) -> (i32)  : i32 {
      %sub3A = arith.constant 2047 : i32
      %sub3A_47 = arith.subi %sub3A, %while3A_45 : i32
      %rem3A = arith.constant 8 : i32
      %rem3A_48 = arith.remsi %sub3A_47, %rem3A : i32
      %sub3A_49 = arith.subi %sub3A_47, %rem3A_48 : i32
      %add3A_50 = arith.constant 0 : i32
      %add3A_51 = arith.addi %sub3A_49, %add3A_50 : i32
      %multiple_of3A = tpu.assume_multiple %add3A_51, 8 : i32
      %dma_start3A = arith.constant 0 : i32
      %dma_start3A_52 = arith.constant 0 : i32
      %dma_start3A_53 = arith.constant 0 : i32
      %dma_start3A_54 = arith.constant 0 : i32
      %dma_start3A_55 = tpu.memref_slice %arg4[%while3A_45, %dma_start3A, %dma_start3A_52, %dma_start3A_53, %dma_start3A_54] : memref<2048x4x16x8x128xf32, #tpu.memory_space<hbm>> -> memref<1x1x1x8x128xf32, #tpu.memory_space<hbm>>
      %dma_start3A_56 = tpu.memref_squeeze %dma_start3A_55 : memref<1x1x1x8x128xf32, #tpu.memory_space<hbm>> -> memref<8x128xf32, #tpu.memory_space<hbm>>
      %dma_start3A_57 = arith.constant 0 : i32
      %dma_start3A_58 = tpu.memref_slice %arg6[%rem3A_48, %dma_start3A_57, %multiple_of3A] : memref<8x32x4096xf32, #tpu.memory_space<vmem_shared>> -> memref<1x8x128xf32, #tpu.memory_space<vmem_shared>>
      %dma_start3A_59 = tpu.memref_squeeze %dma_start3A_58 : memref<1x8x128xf32, #tpu.memory_space<vmem_shared>> -> memref<8x128xf32, #tpu.memory_space<vmem_shared>>
      tpu.enqueue_dma source(%dma_start3A_59 : memref<8x128xf32, #tpu.memory_space<vmem_shared>>) target(%dma_start3A_56 : memref<8x128xf32, #tpu.memory_space<hbm>>) target_semaphore(%arg8 : memref<!tpu.dma_semaphore, #tpu.memory_space<semaphore_mem>>)
      %add3A_60 = arith.constant 128 : i32
      %add3A_61 = arith.addi %sub3A_49, %add3A_60 : i32
      %multiple_of3A_62 = tpu.assume_multiple %add3A_61, 8 : i32
      %dma_start3A_63 = arith.constant 0 : i32
      %dma_start3A_64 = arith.constant 1 : i32
      %dma_start3A_65 = arith.constant 0 : i32
      %dma_start3A_66 = arith.constant 0 : i32
      %dma_start3A_67 = tpu.memref_slice %arg4[%while3A_45, %dma_start3A_63, %dma_start3A_64, %dma_start3A_65, %dma_start3A_66] : memref<2048x4x16x8x128xf32, #tpu.memory_space<hbm>> -> memref<1x1x1x8x128xf32, #tpu.memory_space<hbm>>
      %dma_start3A_68 = tpu.memref_squeeze %dma_start3A_67 : memref<1x1x1x8x128xf32, #tpu.memory_space<hbm>> -> memref<8x128xf32, #tpu.memory_space<hbm>>
      %dma_start3A_69 = arith.constant 0 : i32
      %dma_start3A_70 = tpu.memref_slice %arg6[%rem3A_48, %dma_start3A_69, %multiple_of3A_62] : memref<8x32x4096xf32, #tpu.memory_space<vmem_shared>> -> memref<1x8x128xf32, #tpu.memory_space<vmem_shared>>
      %dma_start3A_71 = tpu.memref_squeeze %dma_start3A_70 : memref<1x8x128xf32, #tpu.memory_space<vmem_shared>> -> memref<8x128xf32, #tpu.memory_space<vmem_shared>>
      tpu.enqueue_dma source(%dma_start3A_71 : memref<8x128xf32, #tpu.memory_space<vmem_shared>>) target(%dma_start3A_68 : memref<8x128xf32, #tpu.memory_space<hbm>>) target_semaphore(%arg8 : memref<!tpu.dma_semaphore, #tpu.memory_space<semaphore_mem>>)
      %add3A_72 = arith.constant 256 : i32
      %add3A_73 = arith.addi %sub3A_49, %add3A_72 : i32
      %multiple_of3A_74 = tpu.assume_multiple %add3A_73, 8 : i32
      %dma_start3A_75 = arith.constant 0 : i32
      %dma_start3A_76 = arith.constant 2 : i32
      %dma_start3A_77 = arith.constant 0 : i32
      %dma_start3A_78 = arith.constant 0 : i32
      %dma_start3A_79 = tpu.memref_slice %arg4[%while3A_45, %dma_start3A_75, %dma_start3A_76, %dma_start3A_77, %dma_start3A_78] : memref<2048x4x16x8x128xf32, #tpu.memory_space<hbm>> -> memref<1x1x1x8x128xf32, #tpu.memory_space<hbm>>
      %dma_start3A_80 = tpu.memref_squeeze %dma_start3A_79 : memref<1x1x1x8x128xf32, #tpu.memory_space<hbm>> -> memref<8x128xf32, #tpu.memory_space<hbm>>
      %dma_start3A_81 = arith.constant 0 : i32
      %dma_start3A_82 = tpu.memref_slice %arg6[%rem3A_48, %dma_start3A_81, %multiple_of3A_74] : memref<8x32x4096xf32, #tpu.memory_space<vmem_shared>> -> memref<1x8x128xf32, #tpu.memory_space<vmem_shared>>
      %dma_start3A_83 = tpu.memref_squeeze %dma_start3A_82 : memref<1x8x128xf32, #tpu.memory_space<vmem_shared>> -> memref<8x128xf32, #tpu.memory_space<vmem_shared>>
      tpu.enqueue_dma source(%dma_start3A_83 : memref<8x128xf32, #tpu.memory_space<vmem_shared>>) target(%dma_start3A_80 : memref<8x128xf32, #tpu.memory_space<hbm>>) target_semaphore(%arg8 : memref<!tpu.dma_semaphore, #tpu.memory_space<semaphore_mem>>)
      %add3A_84 = arith.constant 384 : i32
      %add3A_85 = arith.addi %sub3A_49, %add3A_84 : i32
      %multiple_of3A_86 = tpu.assume_multiple %add3A_85, 8 : i32
      %dma_start3A_87 = arith.constant 0 : i32
      %dma_start3A_88 = arith.constant 3 : i32
      %dma_start3A_89 = arith.constant 0 : i32
      %dma_start3A_90 = arith.constant 0 : i32
      %dma_start3A_91 = tpu.memref_slice %arg4[%while3A_45, %dma_start3A_87, %dma_start3A_88, %dma_start3A_89, %dma_start3A_90] : memref<2048x4x16x8x128xf32, #tpu.memory_space<hbm>> -> memref<1x1x1x8x128xf32, #tpu.memory_space<hbm>>
      %dma_start3A_92 = tpu.memref_squeeze %dma_start3A_91 : memref<1x1x1x8x128xf32, #tpu.memory_space<hbm>> -> memref<8x128xf32, #tpu.memory_space<hbm>>
      %dma_start3A_93 = arith.constant 0 : i32
      %dma_start3A_94 = tpu.memref_slice %arg6[%rem3A_48, %dma_start3A_93, %multiple_of3A_86] : memref<8x32x4096xf32, #tpu.memory_space<vmem_shared>> -> memref<1x8x128xf32, #tpu.memory_space<vmem_shared>>
      %dma_start3A_95 = tpu.memref_squeeze %dma_start3A_94 : memref<1x8x128xf32, #tpu.memory_space<vmem_shared>> -> memref<8x128xf32, #tpu.memory_space<vmem_shared>>
      tpu.enqueue_dma source(%dma_start3A_95 : memref<8x128xf32, #tpu.memory_space<vmem_shared>>) target(%dma_start3A_92 : memref<8x128xf32, #tpu.memory_space<hbm>>) target_semaphore(%arg8 : memref<!tpu.dma_semaphore, #tpu.memory_space<semaphore_mem>>)
      %add3A_96 = arith.constant 512 : i32
      %add3A_97 = arith.addi %sub3A_49, %add3A_96 : i32
      %multiple_of3A_98 = tpu.assume_multiple %add3A_97, 8 : i32
      %dma_start3A_99 = arith.constant 0 : i32
      %dma_start3A_100 = arith.constant 4 : i32
      %dma_start3A_101 = arith.constant 0 : i32
      %dma_start3A_102 = arith.constant 0 : i32
      %dma_start3A_103 = tpu.memref_slice %arg4[%while3A_45, %dma_start3A_99, %dma_start3A_100, %dma_start3A_101, %dma_start3A_102] : memref<2048x4x16x8x128xf32, #tpu.memory_space<hbm>> -> memref<1x1x1x8x128xf32, #tpu.memory_space<hbm>>
      %dma_start3A_104 = tpu.memref_squeeze %dma_start3A_103 : memref<1x1x1x8x128xf32, #tpu.memory_space<hbm>> -> memref<8x128xf32, #tpu.memory_space<hbm>>
      %dma_start3A_105 = arith.constant 0 : i32
      %dma_start3A_106 = tpu.memref_slice %arg6[%rem3A_48, %dma_start3A_105, %multiple_of3A_98] : memref<8x32x4096xf32, #tpu.memory_space<vmem_shared>> -> memref<1x8x128xf32, #tpu.memory_space<vmem_shared>>
      %dma_start3A_107 = tpu.memref_squeeze %dma_start3A_106 : memref<1x8x128xf32, #tpu.memory_space<vmem_shared>> -> memref<8x128xf32, #tpu.memory_space<vmem_shared>>
      tpu.enqueue_dma source(%dma_start3A_107 : memref<8x128xf32, #tpu.memory_space<vmem_shared>>) target(%dma_start3A_104 : memref<8x128xf32, #tpu.memory_space<hbm>>) target_semaphore(%arg8 : memref<!tpu.dma_semaphore, #tpu.memory_space<semaphore_mem>>)
      %add3A_108 = arith.constant 640 : i32
      %add3A_109 = arith.addi %sub3A_49, %add3A_108 : i32
      %multiple_of3A_110 = tpu.assume_multiple %add3A_109, 8 : i32
      %dma_start3A_111 = arith.constant 0 : i32
      %dma_start3A_112 = arith.constant 5 : i32
      %dma_start3A_113 = arith.constant 0 : i32
      %dma_start3A_114 = arith.constant 0 : i32
      %dma_start3A_115 = tpu.memref_slice %arg4[%while3A_45, %dma_start3A_111, %dma_start3A_112, %dma_start3A_113, %dma_start3A_114] : memref<2048x4x16x8x128xf32, #tpu.memory_space<hbm>> -> memref<1x1x1x8x128xf32, #tpu.memory_space<hbm>>
      %dma_start3A_116 = tpu.memref_squeeze %dma_start3A_115 : memref<1x1x1x8x128xf32, #tpu.memory_space<hbm>> -> memref<8x128xf32, #tpu.memory_space<hbm>>
      %dma_start3A_117 = arith.constant 0 : i32
      %dma_start3A_118 = tpu.memref_slice %arg6[%rem3A_48, %dma_start3A_117, %multiple_of3A_110] : memref<8x32x4096xf32, #tpu.memory_space<vmem_shared>> -> memref<1x8x128xf32, #tpu.memory_space<vmem_shared>>
      %dma_start3A_119 = tpu.memref_squeeze %dma_start3A_118 : memref<1x8x128xf32, #tpu.memory_space<vmem_shared>> -> memref<8x128xf32, #tpu.memory_space<vmem_shared>>
      tpu.enqueue_dma source(%dma_start3A_119 : memref<8x128xf32, #tpu.memory_space<vmem_shared>>) target(%dma_start3A_116 : memref<8x128xf32, #tpu.memory_space<hbm>>) target_semaphore(%arg8 : memref<!tpu.dma_semaphore, #tpu.memory_space<semaphore_mem>>)
      %add3A_120 = arith.constant 768 : i32
      %add3A_121 = arith.addi %sub3A_49, %add3A_120 : i32
      %multiple_of3A_122 = tpu.assume_multiple %add3A_121, 8 : i32
      %dma_start3A_123 = arith.constant 0 : i32
      %dma_start3A_124 = arith.constant 6 : i32
      %dma_start3A_125 = arith.constant 0 : i32
      %dma_start3A_126 = arith.constant 0 : i32
      %dma_start3A_127 = tpu.memref_slice %arg4[%while3A_45, %dma_start3A_123, %dma_start3A_124, %dma_start3A_125, %dma_start3A_126] : memref<2048x4x16x8x128xf32, #tpu.memory_space<hbm>> -> memref<1x1x1x8x128xf32, #tpu.memory_space<hbm>>
      %dma_start3A_128 = tpu.memref_squeeze %dma_start3A_127 : memref<1x1x1x8x128xf32, #tpu.memory_space<hbm>> -> memref<8x128xf32, #tpu.memory_space<hbm>>
      %dma_start3A_129 = arith.constant 0 : i32
      %dma_start3A_130 = tpu.memref_slice %arg6[%rem3A_48, %dma_start3A_129, %multiple_of3A_122] : memref<8x32x4096xf32, #tpu.memory_space<vmem_shared>> -> memref<1x8x128xf32, #tpu.memory_space<vmem_shared>>
      %dma_start3A_131 = tpu.memref_squeeze %dma_start3A_130 : memref<1x8x128xf32, #tpu.memory_space<vmem_shared>> -> memref<8x128xf32, #tpu.memory_space<vmem_shared>>
      tpu.enqueue_dma source(%dma_start3A_131 : memref<8x128xf32, #tpu.memory_space<vmem_shared>>) target(%dma_start3A_128 : memref<8x128xf32, #tpu.memory_space<hbm>>) target_semaphore(%arg8 : memref<!tpu.dma_semaphore, #tpu.memory_space<semaphore_mem>>)
      %add3A_132 = arith.constant 896 : i32
      %add3A_133 = arith.addi %sub3A_49, %add3A_132 : i32
      %multiple_of3A_134 = tpu.assume_multiple %add3A_133, 8 : i32
      %dma_start3A_135 = arith.constant 0 : i32
      %dma_start3A_136 = arith.constant 7 : i32
      %dma_start3A_137 = arith.constant 0 : i32
      %dma_start3A_138 = arith.constant 0 : i32
      %dma_start3A_139 = tpu.memref_slice %arg4[%while3A_45, %dma_start3A_135, %dma_start3A_136, %dma_start3A_137, %dma_start3A_138] : memref<2048x4x16x8x128xf32, #tpu.memory_space<hbm>> -> memref<1x1x1x8x128xf32, #tpu.memory_space<hbm>>
      %dma_start3A_140 = tpu.memref_squeeze %dma_start3A_139 : memref<1x1x1x8x128xf32, #tpu.memory_space<hbm>> -> memref<8x128xf32, #tpu.memory_space<hbm>>
      %dma_start3A_141 = arith.constant 0 : i32
      %dma_start3A_142 = tpu.memref_slice %arg6[%rem3A_48, %dma_start3A_141, %multiple_of3A_134] : memref<8x32x4096xf32, #tpu.memory_space<vmem_shared>> -> memref<1x8x128xf32, #tpu.memory_space<vmem_shared>>
      %dma_start3A_143 = tpu.memref_squeeze %dma_start3A_142 : memref<1x8x128xf32, #tpu.memory_space<vmem_shared>> -> memref<8x128xf32, #tpu.memory_space<vmem_shared>>
      tpu.enqueue_dma source(%dma_start3A_143 : memref<8x128xf32, #tpu.memory_space<vmem_shared>>) target(%dma_start3A_140 : memref<8x128xf32, #tpu.memory_space<hbm>>) target_semaphore(%arg8 : memref<!tpu.dma_semaphore, #tpu.memory_space<semaphore_mem>>)
      %add3A_144 = arith.constant 1024 : i32
      %add3A_145 = arith.addi %sub3A_49, %add3A_144 : i32
      %multiple_of3A_146 = tpu.assume_multiple %add3A_145, 8 : i32
      %dma_start3A_147 = arith.constant 0 : i32
      %dma_start3A_148 = arith.constant 8 : i32
      %dma_start3A_149 = arith.constant 0 : i32
      %dma_start3A_150 = arith.constant 0 : i32
      %dma_start3A_151 = tpu.memref_slice %arg4[%while3A_45, %dma_start3A_147, %dma_start3A_148, %dma_start3A_149, %dma_start3A_150] : memref<2048x4x16x8x128xf32, #tpu.memory_space<hbm>> -> memref<1x1x1x8x128xf32, #tpu.memory_space<hbm>>
      %dma_start3A_152 = tpu.memref_squeeze %dma_start3A_151 : memref<1x1x1x8x128xf32, #tpu.memory_space<hbm>> -> memref<8x128xf32, #tpu.memory_space<hbm>>
      %dma_start3A_153 = arith.constant 0 : i32
      %dma_start3A_154 = tpu.memref_slice %arg6[%rem3A_48, %dma_start3A_153, %multiple_of3A_146] : memref<8x32x4096xf32, #tpu.memory_space<vmem_shared>> -> memref<1x8x128xf32, #tpu.memory_space<vmem_shared>>
      %dma_start3A_155 = tpu.memref_squeeze %dma_start3A_154 : memref<1x8x128xf32, #tpu.memory_space<vmem_shared>> -> memref<8x128xf32, #tpu.memory_space<vmem_shared>>
      tpu.enqueue_dma source(%dma_start3A_155 : memref<8x128xf32, #tpu.memory_space<vmem_shared>>) target(%dma_start3A_152 : memref<8x128xf32, #tpu.memory_space<hbm>>) target_semaphore(%arg8 : memref<!tpu.dma_semaphore, #tpu.memory_space<semaphore_mem>>)
      %add3A_156 = arith.constant 1152 : i32
      %add3A_157 = arith.addi %sub3A_49, %add3A_156 : i32
      %multiple_of3A_158 = tpu.assume_multiple %add3A_157, 8 : i32
      %dma_start3A_159 = arith.constant 0 : i32
      %dma_start3A_160 = arith.constant 9 : i32
      %dma_start3A_161 = arith.constant 0 : i32
      %dma_start3A_162 = arith.constant 0 : i32
      %dma_start3A_163 = tpu.memref_slice %arg4[%while3A_45, %dma_start3A_159, %dma_start3A_160, %dma_start3A_161, %dma_start3A_162] : memref<2048x4x16x8x128xf32, #tpu.memory_space<hbm>> -> memref<1x1x1x8x128xf32, #tpu.memory_space<hbm>>
      %dma_start3A_164 = tpu.memref_squeeze %dma_start3A_163 : memref<1x1x1x8x128xf32, #tpu.memory_space<hbm>> -> memref<8x128xf32, #tpu.memory_space<hbm>>
      %dma_start3A_165 = arith.constant 0 : i32
      %dma_start3A_166 = tpu.memref_slice %arg6[%rem3A_48, %dma_start3A_165, %multiple_of3A_158] : memref<8x32x4096xf32, #tpu.memory_space<vmem_shared>> -> memref<1x8x128xf32, #tpu.memory_space<vmem_shared>>
      %dma_start3A_167 = tpu.memref_squeeze %dma_start3A_166 : memref<1x8x128xf32, #tpu.memory_space<vmem_shared>> -> memref<8x128xf32, #tpu.memory_space<vmem_shared>>
      tpu.enqueue_dma source(%dma_start3A_167 : memref<8x128xf32, #tpu.memory_space<vmem_shared>>) target(%dma_start3A_164 : memref<8x128xf32, #tpu.memory_space<hbm>>) target_semaphore(%arg8 : memref<!tpu.dma_semaphore, #tpu.memory_space<semaphore_mem>>)
      %add3A_168 = arith.constant 1280 : i32
      %add3A_169 = arith.addi %sub3A_49, %add3A_168 : i32
      %multiple_of3A_170 = tpu.assume_multiple %add3A_169, 8 : i32
      %dma_start3A_171 = arith.constant 0 : i32
      %dma_start3A_172 = arith.constant 10 : i32
      %dma_start3A_173 = arith.constant 0 : i32
      %dma_start3A_174 = arith.constant 0 : i32
      %dma_start3A_175 = tpu.memref_slice %arg4[%while3A_45, %dma_start3A_171, %dma_start3A_172, %dma_start3A_173, %dma_start3A_174] : memref<2048x4x16x8x128xf32, #tpu.memory_space<hbm>> -> memref<1x1x1x8x128xf32, #tpu.memory_space<hbm>>
      %dma_start3A_176 = tpu.memref_squeeze %dma_start3A_175 : memref<1x1x1x8x128xf32, #tpu.memory_space<hbm>> -> memref<8x128xf32, #tpu.memory_space<hbm>>
      %dma_start3A_177 = arith.constant 0 : i32
      %dma_start3A_178 = tpu.memref_slice %arg6[%rem3A_48, %dma_start3A_177, %multiple_of3A_170] : memref<8x32x4096xf32, #tpu.memory_space<vmem_shared>> -> memref<1x8x128xf32, #tpu.memory_space<vmem_shared>>
      %dma_start3A_179 = tpu.memref_squeeze %dma_start3A_178 : memref<1x8x128xf32, #tpu.memory_space<vmem_shared>> -> memref<8x128xf32, #tpu.memory_space<vmem_shared>>
      tpu.enqueue_dma source(%dma_start3A_179 : memref<8x128xf32, #tpu.memory_space<vmem_shared>>) target(%dma_start3A_176 : memref<8x128xf32, #tpu.memory_space<hbm>>) target_semaphore(%arg8 : memref<!tpu.dma_semaphore, #tpu.memory_space<semaphore_mem>>)
      %add3A_180 = arith.constant 1408 : i32
      %add3A_181 = arith.addi %sub3A_49, %add3A_180 : i32
      %multiple_of3A_182 = tpu.assume_multiple %add3A_181, 8 : i32
      %dma_start3A_183 = arith.constant 0 : i32
      %dma_start3A_184 = arith.constant 11 : i32
      %dma_start3A_185 = arith.constant 0 : i32
      %dma_start3A_186 = arith.constant 0 : i32
      %dma_start3A_187 = tpu.memref_slice %arg4[%while3A_45, %dma_start3A_183, %dma_start3A_184, %dma_start3A_185, %dma_start3A_186] : memref<2048x4x16x8x128xf32, #tpu.memory_space<hbm>> -> memref<1x1x1x8x128xf32, #tpu.memory_space<hbm>>
      %dma_start3A_188 = tpu.memref_squeeze %dma_start3A_187 : memref<1x1x1x8x128xf32, #tpu.memory_space<hbm>> -> memref<8x128xf32, #tpu.memory_space<hbm>>
      %dma_start3A_189 = arith.constant 0 : i32
      %dma_start3A_190 = tpu.memref_slice %arg6[%rem3A_48, %dma_start3A_189, %multiple_of3A_182] : memref<8x32x4096xf32, #tpu.memory_space<vmem_shared>> -> memref<1x8x128xf32, #tpu.memory_space<vmem_shared>>
      %dma_start3A_191 = tpu.memref_squeeze %dma_start3A_190 : memref<1x8x128xf32, #tpu.memory_space<vmem_shared>> -> memref<8x128xf32, #tpu.memory_space<vmem_shared>>
      tpu.enqueue_dma source(%dma_start3A_191 : memref<8x128xf32, #tpu.memory_space<vmem_shared>>) target(%dma_start3A_188 : memref<8x128xf32, #tpu.memory_space<hbm>>) target_semaphore(%arg8 : memref<!tpu.dma_semaphore, #tpu.memory_space<semaphore_mem>>)
      %add3A_192 = arith.constant 1536 : i32
      %add3A_193 = arith.addi %sub3A_49, %add3A_192 : i32
      %multiple_of3A_194 = tpu.assume_multiple %add3A_193, 8 : i32
      %dma_start3A_195 = arith.constant 0 : i32
      %dma_start3A_196 = arith.constant 12 : i32
      %dma_start3A_197 = arith.constant 0 : i32
      %dma_start3A_198 = arith.constant 0 : i32
      %dma_start3A_199 = tpu.memref_slice %arg4[%while3A_45, %dma_start3A_195, %dma_start3A_196, %dma_start3A_197, %dma_start3A_198] : memref<2048x4x16x8x128xf32, #tpu.memory_space<hbm>> -> memref<1x1x1x8x128xf32, #tpu.memory_space<hbm>>
      %dma_start3A_200 = tpu.memref_squeeze %dma_start3A_199 : memref<1x1x1x8x128xf32, #tpu.memory_space<hbm>> -> memref<8x128xf32, #tpu.memory_space<hbm>>
      %dma_start3A_201 = arith.constant 0 : i32
      %dma_start3A_202 = tpu.memref_slice %arg6[%rem3A_48, %dma_start3A_201, %multiple_of3A_194] : memref<8x32x4096xf32, #tpu.memory_space<vmem_shared>> -> memref<1x8x128xf32, #tpu.memory_space<vmem_shared>>
      %dma_start3A_203 = tpu.memref_squeeze %dma_start3A_202 : memref<1x8x128xf32, #tpu.memory_space<vmem_shared>> -> memref<8x128xf32, #tpu.memory_space<vmem_shared>>
      tpu.enqueue_dma source(%dma_start3A_203 : memref<8x128xf32, #tpu.memory_space<vmem_shared>>) target(%dma_start3A_200 : memref<8x128xf32, #tpu.memory_space<hbm>>) target_semaphore(%arg8 : memref<!tpu.dma_semaphore, #tpu.memory_space<semaphore_mem>>)
      %add3A_204 = arith.constant 1664 : i32
      %add3A_205 = arith.addi %sub3A_49, %add3A_204 : i32
      %multiple_of3A_206 = tpu.assume_multiple %add3A_205, 8 : i32
      %dma_start3A_207 = arith.constant 0 : i32
      %dma_start3A_208 = arith.constant 13 : i32
      %dma_start3A_209 = arith.constant 0 : i32
      %dma_start3A_210 = arith.constant 0 : i32
      %dma_start3A_211 = tpu.memref_slice %arg4[%while3A_45, %dma_start3A_207, %dma_start3A_208, %dma_start3A_209, %dma_start3A_210] : memref<2048x4x16x8x128xf32, #tpu.memory_space<hbm>> -> memref<1x1x1x8x128xf32, #tpu.memory_space<hbm>>
      %dma_start3A_212 = tpu.memref_squeeze %dma_start3A_211 : memref<1x1x1x8x128xf32, #tpu.memory_space<hbm>> -> memref<8x128xf32, #tpu.memory_space<hbm>>
      %dma_start3A_213 = arith.constant 0 : i32
      %dma_start3A_214 = tpu.memref_slice %arg6[%rem3A_48, %dma_start3A_213, %multiple_of3A_206] : memref<8x32x4096xf32, #tpu.memory_space<vmem_shared>> -> memref<1x8x128xf32, #tpu.memory_space<vmem_shared>>
      %dma_start3A_215 = tpu.memref_squeeze %dma_start3A_214 : memref<1x8x128xf32, #tpu.memory_space<vmem_shared>> -> memref<8x128xf32, #tpu.memory_space<vmem_shared>>
      tpu.enqueue_dma source(%dma_start3A_215 : memref<8x128xf32, #tpu.memory_space<vmem_shared>>) target(%dma_start3A_212 : memref<8x128xf32, #tpu.memory_space<hbm>>) target_semaphore(%arg8 : memref<!tpu.dma_semaphore, #tpu.memory_space<semaphore_mem>>)
      %add3A_216 = arith.constant 1792 : i32
      %add3A_217 = arith.addi %sub3A_49, %add3A_216 : i32
      %multiple_of3A_218 = tpu.assume_multiple %add3A_217, 8 : i32
      %dma_start3A_219 = arith.constant 0 : i32
      %dma_start3A_220 = arith.constant 14 : i32
      %dma_start3A_221 = arith.constant 0 : i32
      %dma_start3A_222 = arith.constant 0 : i32
      %dma_start3A_223 = tpu.memref_slice %arg4[%while3A_45, %dma_start3A_219, %dma_start3A_220, %dma_start3A_221, %dma_start3A_222] : memref<2048x4x16x8x128xf32, #tpu.memory_space<hbm>> -> memref<1x1x1x8x128xf32, #tpu.memory_space<hbm>>
      %dma_start3A_224 = tpu.memref_squeeze %dma_start3A_223 : memref<1x1x1x8x128xf32, #tpu.memory_space<hbm>> -> memref<8x128xf32, #tpu.memory_space<hbm>>
      %dma_start3A_225 = arith.constant 0 : i32
      %dma_start3A_226 = tpu.memref_slice %arg6[%rem3A_48, %dma_start3A_225, %multiple_of3A_218] : memref<8x32x4096xf32, #tpu.memory_space<vmem_shared>> -> memref<1x8x128xf32, #tpu.memory_space<vmem_shared>>
      %dma_start3A_227 = tpu.memref_squeeze %dma_start3A_226 : memref<1x8x128xf32, #tpu.memory_space<vmem_shared>> -> memref<8x128xf32, #tpu.memory_space<vmem_shared>>
      tpu.enqueue_dma source(%dma_start3A_227 : memref<8x128xf32, #tpu.memory_space<vmem_shared>>) target(%dma_start3A_224 : memref<8x128xf32, #tpu.memory_space<hbm>>) target_semaphore(%arg8 : memref<!tpu.dma_semaphore, #tpu.memory_space<semaphore_mem>>)
      %add3A_228 = arith.constant 1920 : i32
      %add3A_229 = arith.addi %sub3A_49, %add3A_228 : i32
      %multiple_of3A_230 = tpu.assume_multiple %add3A_229, 8 : i32
      %dma_start3A_231 = arith.constant 0 : i32
      %dma_start3A_232 = arith.constant 15 : i32
      %dma_start3A_233 = arith.constant 0 : i32
      %dma_start3A_234 = arith.constant 0 : i32
      %dma_start3A_235 = tpu.memref_slice %arg4[%while3A_45, %dma_start3A_231, %dma_start3A_232, %dma_start3A_233, %dma_start3A_234] : memref<2048x4x16x8x128xf32, #tpu.memory_space<hbm>> -> memref<1x1x1x8x128xf32, #tpu.memory_space<hbm>>
      %dma_start3A_236 = tpu.memref_squeeze %dma_start3A_235 : memref<1x1x1x8x128xf32, #tpu.memory_space<hbm>> -> memref<8x128xf32, #tpu.memory_space<hbm>>
      %dma_start3A_237 = arith.constant 0 : i32
      %dma_start3A_238 = tpu.memref_slice %arg6[%rem3A_48, %dma_start3A_237, %multiple_of3A_230] : memref<8x32x4096xf32, #tpu.memory_space<vmem_shared>> -> memref<1x8x128xf32, #tpu.memory_space<vmem_shared>>
      %dma_start3A_239 = tpu.memref_squeeze %dma_start3A_238 : memref<1x8x128xf32, #tpu.memory_space<vmem_shared>> -> memref<8x128xf32, #tpu.memory_space<vmem_shared>>
      tpu.enqueue_dma source(%dma_start3A_239 : memref<8x128xf32, #tpu.memory_space<vmem_shared>>) target(%dma_start3A_236 : memref<8x128xf32, #tpu.memory_space<hbm>>) target_semaphore(%arg8 : memref<!tpu.dma_semaphore, #tpu.memory_space<semaphore_mem>>)
      %add3A_240 = arith.constant 0 : i32
      %add3A_241 = arith.addi %sub3A_49, %add3A_240 : i32
      %multiple_of3A_242 = tpu.assume_multiple %add3A_241, 8 : i32
      %dma_start3A_243 = arith.constant 1 : i32
      %dma_start3A_244 = arith.constant 0 : i32
      %dma_start3A_245 = arith.constant 0 : i32
      %dma_start3A_246 = arith.constant 0 : i32
      %dma_start3A_247 = tpu.memref_slice %arg4[%while3A_45, %dma_start3A_243, %dma_start3A_244, %dma_start3A_245, %dma_start3A_246] : memref<2048x4x16x8x128xf32, #tpu.memory_space<hbm>> -> memref<1x1x1x8x128xf32, #tpu.memory_space<hbm>>
      %dma_start3A_248 = tpu.memref_squeeze %dma_start3A_247 : memref<1x1x1x8x128xf32, #tpu.memory_space<hbm>> -> memref<8x128xf32, #tpu.memory_space<hbm>>
      %dma_start3A_249 = arith.constant 8 : i32
      %dma_start3A_250 = tpu.memref_slice %arg6[%rem3A_48, %dma_start3A_249, %multiple_of3A_242] : memref<8x32x4096xf32, #tpu.memory_space<vmem_shared>> -> memref<1x8x128xf32, #tpu.memory_space<vmem_shared>>
      %dma_start3A_251 = tpu.memref_squeeze %dma_start3A_250 : memref<1x8x128xf32, #tpu.memory_space<vmem_shared>> -> memref<8x128xf32, #tpu.memory_space<vmem_shared>>
      tpu.enqueue_dma source(%dma_start3A_251 : memref<8x128xf32, #tpu.memory_space<vmem_shared>>) target(%dma_start3A_248 : memref<8x128xf32, #tpu.memory_space<hbm>>) target_semaphore(%arg8 : memref<!tpu.dma_semaphore, #tpu.memory_space<semaphore_mem>>)
      %add3A_252 = arith.constant 128 : i32
      %add3A_253 = arith.addi %sub3A_49, %add3A_252 : i32
      %multiple_of3A_254 = tpu.assume_multiple %add3A_253, 8 : i32
      %dma_start3A_255 = arith.constant 1 : i32
      %dma_start3A_256 = arith.constant 1 : i32
      %dma_start3A_257 = arith.constant 0 : i32
      %dma_start3A_258 = arith.constant 0 : i32
      %dma_start3A_259 = tpu.memref_slice %arg4[%while3A_45, %dma_start3A_255, %dma_start3A_256, %dma_start3A_257, %dma_start3A_258] : memref<2048x4x16x8x128xf32, #tpu.memory_space<hbm>> -> memref<1x1x1x8x128xf32, #tpu.memory_space<hbm>>
      %dma_start3A_260 = tpu.memref_squeeze %dma_start3A_259 : memref<1x1x1x8x128xf32, #tpu.memory_space<hbm>> -> memref<8x128xf32, #tpu.memory_space<hbm>>
      %dma_start3A_261 = arith.constant 8 : i32
      %dma_start3A_262 = tpu.memref_slice %arg6[%rem3A_48, %dma_start3A_261, %multiple_of3A_254] : memref<8x32x4096xf32, #tpu.memory_space<vmem_shared>> -> memref<1x8x128xf32, #tpu.memory_space<vmem_shared>>
      %dma_start3A_263 = tpu.memref_squeeze %dma_start3A_262 : memref<1x8x128xf32, #tpu.memory_space<vmem_shared>> -> memref<8x128xf32, #tpu.memory_space<vmem_shared>>
      tpu.enqueue_dma source(%dma_start3A_263 : memref<8x128xf32, #tpu.memory_space<vmem_shared>>) target(%dma_start3A_260 : memref<8x128xf32, #tpu.memory_space<hbm>>) target_semaphore(%arg8 : memref<!tpu.dma_semaphore, #tpu.memory_space<semaphore_mem>>)
      %add3A_264 = arith.constant 256 : i32
      %add3A_265 = arith.addi %sub3A_49, %add3A_264 : i32
      %multiple_of3A_266 = tpu.assume_multiple %add3A_265, 8 : i32
      %dma_start3A_267 = arith.constant 1 : i32
      %dma_start3A_268 = arith.constant 2 : i32
      %dma_start3A_269 = arith.constant 0 : i32
      %dma_start3A_270 = arith.constant 0 : i32
      %dma_start3A_271 = tpu.memref_slice %arg4[%while3A_45, %dma_start3A_267, %dma_start3A_268, %dma_start3A_269, %dma_start3A_270] : memref<2048x4x16x8x128xf32, #tpu.memory_space<hbm>> -> memref<1x1x1x8x128xf32, #tpu.memory_space<hbm>>
      %dma_start3A_272 = tpu.memref_squeeze %dma_start3A_271 : memref<1x1x1x8x128xf32, #tpu.memory_space<hbm>> -> memref<8x128xf32, #tpu.memory_space<hbm>>
      %dma_start3A_273 = arith.constant 8 : i32
      %dma_start3A_274 = tpu.memref_slice %arg6[%rem3A_48, %dma_start3A_273, %multiple_of3A_266] : memref<8x32x4096xf32, #tpu.memory_space<vmem_shared>> -> memref<1x8x128xf32, #tpu.memory_space<vmem_shared>>
      %dma_start3A_275 = tpu.memref_squeeze %dma_start3A_274 : memref<1x8x128xf32, #tpu.memory_space<vmem_shared>> -> memref<8x128xf32, #tpu.memory_space<vmem_shared>>
      tpu.enqueue_dma source(%dma_start3A_275 : memref<8x128xf32, #tpu.memory_space<vmem_shared>>) target(%dma_start3A_272 : memref<8x128xf32, #tpu.memory_space<hbm>>) target_semaphore(%arg8 : memref<!tpu.dma_semaphore, #tpu.memory_space<semaphore_mem>>)
      %add3A_276 = arith.constant 384 : i32
      %add3A_277 = arith.addi %sub3A_49, %add3A_276 : i32
      %multiple_of3A_278 = tpu.assume_multiple %add3A_277, 8 : i32
      %dma_start3A_279 = arith.constant 1 : i32
      %dma_start3A_280 = arith.constant 3 : i32
      %dma_start3A_281 = arith.constant 0 : i32
      %dma_start3A_282 = arith.constant 0 : i32
      %dma_start3A_283 = tpu.memref_slice %arg4[%while3A_45, %dma_start3A_279, %dma_start3A_280, %dma_start3A_281, %dma_start3A_282] : memref<2048x4x16x8x128xf32, #tpu.memory_space<hbm>> -> memref<1x1x1x8x128xf32, #tpu.memory_space<hbm>>
      %dma_start3A_284 = tpu.memref_squeeze %dma_start3A_283 : memref<1x1x1x8x128xf32, #tpu.memory_space<hbm>> -> memref<8x128xf32, #tpu.memory_space<hbm>>
      %dma_start3A_285 = arith.constant 8 : i32
      %dma_start3A_286 = tpu.memref_slice %arg6[%rem3A_48, %dma_start3A_285, %multiple_of3A_278] : memref<8x32x4096xf32, #tpu.memory_space<vmem_shared>> -> memref<1x8x128xf32, #tpu.memory_space<vmem_shared>>
      %dma_start3A_287 = tpu.memref_squeeze %dma_start3A_286 : memref<1x8x128xf32, #tpu.memory_space<vmem_shared>> -> memref<8x128xf32, #tpu.memory_space<vmem_shared>>
      tpu.enqueue_dma source(%dma_start3A_287 : memref<8x128xf32, #tpu.memory_space<vmem_shared>>) target(%dma_start3A_284 : memref<8x128xf32, #tpu.memory_space<hbm>>) target_semaphore(%arg8 : memref<!tpu.dma_semaphore, #tpu.memory_space<semaphore_mem>>)
      %add3A_288 = arith.constant 512 : i32
      %add3A_289 = arith.addi %sub3A_49, %add3A_288 : i32
      %multiple_of3A_290 = tpu.assume_multiple %add3A_289, 8 : i32
      %dma_start3A_291 = arith.constant 1 : i32
      %dma_start3A_292 = arith.constant 4 : i32
      %dma_start3A_293 = arith.constant 0 : i32
      %dma_start3A_294 = arith.constant 0 : i32
      %dma_start3A_295 = tpu.memref_slice %arg4[%while3A_45, %dma_start3A_291, %dma_start3A_292, %dma_start3A_293, %dma_start3A_294] : memref<2048x4x16x8x128xf32, #tpu.memory_space<hbm>> -> memref<1x1x1x8x128xf32, #tpu.memory_space<hbm>>
      %dma_start3A_296 = tpu.memref_squeeze %dma_start3A_295 : memref<1x1x1x8x128xf32, #tpu.memory_space<hbm>> -> memref<8x128xf32, #tpu.memory_space<hbm>>
      %dma_start3A_297 = arith.constant 8 : i32
      %dma_start3A_298 = tpu.memref_slice %arg6[%rem3A_48, %dma_start3A_297, %multiple_of3A_290] : memref<8x32x4096xf32, #tpu.memory_space<vmem_shared>> -> memref<1x8x128xf32, #tpu.memory_space<vmem_shared>>
      %dma_start3A_299 = tpu.memref_squeeze %dma_start3A_298 : memref<1x8x128xf32, #tpu.memory_space<vmem_shared>> -> memref<8x128xf32, #tpu.memory_space<vmem_shared>>
      tpu.enqueue_dma source(%dma_start3A_299 : memref<8x128xf32, #tpu.memory_space<vmem_shared>>) target(%dma_start3A_296 : memref<8x128xf32, #tpu.memory_space<hbm>>) target_semaphore(%arg8 : memref<!tpu.dma_semaphore, #tpu.memory_space<semaphore_mem>>)
      %add3A_300 = arith.constant 640 : i32
      %add3A_301 = arith.addi %sub3A_49, %add3A_300 : i32
      %multiple_of3A_302 = tpu.assume_multiple %add3A_301, 8 : i32
      %dma_start3A_303 = arith.constant 1 : i32
      %dma_start3A_304 = arith.constant 5 : i32
      %dma_start3A_305 = arith.constant 0 : i32
      %dma_start3A_306 = arith.constant 0 : i32
      %dma_start3A_307 = tpu.memref_slice %arg4[%while3A_45, %dma_start3A_303, %dma_start3A_304, %dma_start3A_305, %dma_start3A_306] : memref<2048x4x16x8x128xf32, #tpu.memory_space<hbm>> -> memref<1x1x1x8x128xf32, #tpu.memory_space<hbm>>
      %dma_start3A_308 = tpu.memref_squeeze %dma_start3A_307 : memref<1x1x1x8x128xf32, #tpu.memory_space<hbm>> -> memref<8x128xf32, #tpu.memory_space<hbm>>
      %dma_start3A_309 = arith.constant 8 : i32
      %dma_start3A_310 = tpu.memref_slice %arg6[%rem3A_48, %dma_start3A_309, %multiple_of3A_302] : memref<8x32x4096xf32, #tpu.memory_space<vmem_shared>> -> memref<1x8x128xf32, #tpu.memory_space<vmem_shared>>
      %dma_start3A_311 = tpu.memref_squeeze %dma_start3A_310 : memref<1x8x128xf32, #tpu.memory_space<vmem_shared>> -> memref<8x128xf32, #tpu.memory_space<vmem_shared>>
      tpu.enqueue_dma source(%dma_start3A_311 : memref<8x128xf32, #tpu.memory_space<vmem_shared>>) target(%dma_start3A_308 : memref<8x128xf32, #tpu.memory_space<hbm>>) target_semaphore(%arg8 : memref<!tpu.dma_semaphore, #tpu.memory_space<semaphore_mem>>)
      %add3A_312 = arith.constant 768 : i32
      %add3A_313 = arith.addi %sub3A_49, %add3A_312 : i32
      %multiple_of3A_314 = tpu.assume_multiple %add3A_313, 8 : i32
      %dma_start3A_315 = arith.constant 1 : i32
      %dma_start3A_316 = arith.constant 6 : i32
      %dma_start3A_317 = arith.constant 0 : i32
      %dma_start3A_318 = arith.constant 0 : i32
      %dma_start3A_319 = tpu.memref_slice %arg4[%while3A_45, %dma_start3A_315, %dma_start3A_316, %dma_start3A_317, %dma_start3A_318] : memref<2048x4x16x8x128xf32, #tpu.memory_space<hbm>> -> memref<1x1x1x8x128xf32, #tpu.memory_space<hbm>>
      %dma_start3A_320 = tpu.memref_squeeze %dma_start3A_319 : memref<1x1x1x8x128xf32, #tpu.memory_space<hbm>> -> memref<8x128xf32, #tpu.memory_space<hbm>>
      %dma_start3A_321 = arith.constant 8 : i32
      %dma_start3A_322 = tpu.memref_slice %arg6[%rem3A_48, %dma_start3A_321, %multiple_of3A_314] : memref<8x32x4096xf32, #tpu.memory_space<vmem_shared>> -> memref<1x8x128xf32, #tpu.memory_space<vmem_shared>>
      %dma_start3A_323 = tpu.memref_squeeze %dma_start3A_322 : memref<1x8x128xf32, #tpu.memory_space<vmem_shared>> -> memref<8x128xf32, #tpu.memory_space<vmem_shared>>
      tpu.enqueue_dma source(%dma_start3A_323 : memref<8x128xf32, #tpu.memory_space<vmem_shared>>) target(%dma_start3A_320 : memref<8x128xf32, #tpu.memory_space<hbm>>) target_semaphore(%arg8 : memref<!tpu.dma_semaphore, #tpu.memory_space<semaphore_mem>>)
      %add3A_324 = arith.constant 896 : i32
      %add3A_325 = arith.addi %sub3A_49, %add3A_324 : i32
      %multiple_of3A_326 = tpu.assume_multiple %add3A_325, 8 : i32
      %dma_start3A_327 = arith.constant 1 : i32
      %dma_start3A_328 = arith.constant 7 : i32
      %dma_start3A_329 = arith.constant 0 : i32
      %dma_start3A_330 = arith.constant 0 : i32
      %dma_start3A_331 = tpu.memref_slice %arg4[%while3A_45, %dma_start3A_327, %dma_start3A_328, %dma_start3A_329, %dma_start3A_330] : memref<2048x4x16x8x128xf32, #tpu.memory_space<hbm>> -> memref<1x1x1x8x128xf32, #tpu.memory_space<hbm>>
      %dma_start3A_332 = tpu.memref_squeeze %dma_start3A_331 : memref<1x1x1x8x128xf32, #tpu.memory_space<hbm>> -> memref<8x128xf32, #tpu.memory_space<hbm>>
      %dma_start3A_333 = arith.constant 8 : i32
      %dma_start3A_334 = tpu.memref_slice %arg6[%rem3A_48, %dma_start3A_333, %multiple_of3A_326] : memref<8x32x4096xf32, #tpu.memory_space<vmem_shared>> -> memref<1x8x128xf32, #tpu.memory_space<vmem_shared>>
      %dma_start3A_335 = tpu.memref_squeeze %dma_start3A_334 : memref<1x8x128xf32, #tpu.memory_space<vmem_shared>> -> memref<8x128xf32, #tpu.memory_space<vmem_shared>>
      tpu.enqueue_dma source(%dma_start3A_335 : memref<8x128xf32, #tpu.memory_space<vmem_shared>>) target(%dma_start3A_332 : memref<8x128xf32, #tpu.memory_space<hbm>>) target_semaphore(%arg8 : memref<!tpu.dma_semaphore, #tpu.memory_space<semaphore_mem>>)
      %add3A_336 = arith.constant 1024 : i32
      %add3A_337 = arith.addi %sub3A_49, %add3A_336 : i32
      %multiple_of3A_338 = tpu.assume_multiple %add3A_337, 8 : i32
      %dma_start3A_339 = arith.constant 1 : i32
      %dma_start3A_340 = arith.constant 8 : i32
      %dma_start3A_341 = arith.constant 0 : i32
      %dma_start3A_342 = arith.constant 0 : i32
      %dma_start3A_343 = tpu.memref_slice %arg4[%while3A_45, %dma_start3A_339, %dma_start3A_340, %dma_start3A_341, %dma_start3A_342] : memref<2048x4x16x8x128xf32, #tpu.memory_space<hbm>> -> memref<1x1x1x8x128xf32, #tpu.memory_space<hbm>>
      %dma_start3A_344 = tpu.memref_squeeze %dma_start3A_343 : memref<1x1x1x8x128xf32, #tpu.memory_space<hbm>> -> memref<8x128xf32, #tpu.memory_space<hbm>>
      %dma_start3A_345 = arith.constant 8 : i32
      %dma_start3A_346 = tpu.memref_slice %arg6[%rem3A_48, %dma_start3A_345, %multiple_of3A_338] : memref<8x32x4096xf32, #tpu.memory_space<vmem_shared>> -> memref<1x8x128xf32, #tpu.memory_space<vmem_shared>>
      %dma_start3A_347 = tpu.memref_squeeze %dma_start3A_346 : memref<1x8x128xf32, #tpu.memory_space<vmem_shared>> -> memref<8x128xf32, #tpu.memory_space<vmem_shared>>
      tpu.enqueue_dma source(%dma_start3A_347 : memref<8x128xf32, #tpu.memory_space<vmem_shared>>) target(%dma_start3A_344 : memref<8x128xf32, #tpu.memory_space<hbm>>) target_semaphore(%arg8 : memref<!tpu.dma_semaphore, #tpu.memory_space<semaphore_mem>>)
      %add3A_348 = arith.constant 1152 : i32
      %add3A_349 = arith.addi %sub3A_49, %add3A_348 : i32
      %multiple_of3A_350 = tpu.assume_multiple %add3A_349, 8 : i32
      %dma_start3A_351 = arith.constant 1 : i32
      %dma_start3A_352 = arith.constant 9 : i32
      %dma_start3A_353 = arith.constant 0 : i32
      %dma_start3A_354 = arith.constant 0 : i32
      %dma_start3A_355 = tpu.memref_slice %arg4[%while3A_45, %dma_start3A_351, %dma_start3A_352, %dma_start3A_353, %dma_start3A_354] : memref<2048x4x16x8x128xf32, #tpu.memory_space<hbm>> -> memref<1x1x1x8x128xf32, #tpu.memory_space<hbm>>
      %dma_start3A_356 = tpu.memref_squeeze %dma_start3A_355 : memref<1x1x1x8x128xf32, #tpu.memory_space<hbm>> -> memref<8x128xf32, #tpu.memory_space<hbm>>
      %dma_start3A_357 = arith.constant 8 : i32
      %dma_start3A_358 = tpu.memref_slice %arg6[%rem3A_48, %dma_start3A_357, %multiple_of3A_350] : memref<8x32x4096xf32, #tpu.memory_space<vmem_shared>> -> memref<1x8x128xf32, #tpu.memory_space<vmem_shared>>
      %dma_start3A_359 = tpu.memref_squeeze %dma_start3A_358 : memref<1x8x128xf32, #tpu.memory_space<vmem_shared>> -> memref<8x128xf32, #tpu.memory_space<vmem_shared>>
      tpu.enqueue_dma source(%dma_start3A_359 : memref<8x128xf32, #tpu.memory_space<vmem_shared>>) target(%dma_start3A_356 : memref<8x128xf32, #tpu.memory_space<hbm>>) target_semaphore(%arg8 : memref<!tpu.dma_semaphore, #tpu.memory_space<semaphore_mem>>)
      %add3A_360 = arith.constant 1280 : i32
      %add3A_361 = arith.addi %sub3A_49, %add3A_360 : i32
      %multiple_of3A_362 = tpu.assume_multiple %add3A_361, 8 : i32
      %dma_start3A_363 = arith.constant 1 : i32
      %dma_start3A_364 = arith.constant 10 : i32
      %dma_start3A_365 = arith.constant 0 : i32
      %dma_start3A_366 = arith.constant 0 : i32
      %dma_start3A_367 = tpu.memref_slice %arg4[%while3A_45, %dma_start3A_363, %dma_start3A_364, %dma_start3A_365, %dma_start3A_366] : memref<2048x4x16x8x128xf32, #tpu.memory_space<hbm>> -> memref<1x1x1x8x128xf32, #tpu.memory_space<hbm>>
      %dma_start3A_368 = tpu.memref_squeeze %dma_start3A_367 : memref<1x1x1x8x128xf32, #tpu.memory_space<hbm>> -> memref<8x128xf32, #tpu.memory_space<hbm>>
      %dma_start3A_369 = arith.constant 8 : i32
      %dma_start3A_370 = tpu.memref_slice %arg6[%rem3A_48, %dma_start3A_369, %multiple_of3A_362] : memref<8x32x4096xf32, #tpu.memory_space<vmem_shared>> -> memref<1x8x128xf32, #tpu.memory_space<vmem_shared>>
      %dma_start3A_371 = tpu.memref_squeeze %dma_start3A_370 : memref<1x8x128xf32, #tpu.memory_space<vmem_shared>> -> memref<8x128xf32, #tpu.memory_space<vmem_shared>>
      tpu.enqueue_dma source(%dma_start3A_371 : memref<8x128xf32, #tpu.memory_space<vmem_shared>>) target(%dma_start3A_368 : memref<8x128xf32, #tpu.memory_space<hbm>>) target_semaphore(%arg8 : memref<!tpu.dma_semaphore, #tpu.memory_space<semaphore_mem>>)
      %add3A_372 = arith.constant 1408 : i32
      %add3A_373 = arith.addi %sub3A_49, %add3A_372 : i32
      %multiple_of3A_374 = tpu.assume_multiple %add3A_373, 8 : i32
      %dma_start3A_375 = arith.constant 1 : i32
      %dma_start3A_376 = arith.constant 11 : i32
      %dma_start3A_377 = arith.constant 0 : i32
      %dma_start3A_378 = arith.constant 0 : i32
      %dma_start3A_379 = tpu.memref_slice %arg4[%while3A_45, %dma_start3A_375, %dma_start3A_376, %dma_start3A_377, %dma_start3A_378] : memref<2048x4x16x8x128xf32, #tpu.memory_space<hbm>> -> memref<1x1x1x8x128xf32, #tpu.memory_space<hbm>>
      %dma_start3A_380 = tpu.memref_squeeze %dma_start3A_379 : memref<1x1x1x8x128xf32, #tpu.memory_space<hbm>> -> memref<8x128xf32, #tpu.memory_space<hbm>>
      %dma_start3A_381 = arith.constant 8 : i32
      %dma_start3A_382 = tpu.memref_slice %arg6[%rem3A_48, %dma_start3A_381, %multiple_of3A_374] : memref<8x32x4096xf32, #tpu.memory_space<vmem_shared>> -> memref<1x8x128xf32, #tpu.memory_space<vmem_shared>>
      %dma_start3A_383 = tpu.memref_squeeze %dma_start3A_382 : memref<1x8x128xf32, #tpu.memory_space<vmem_shared>> -> memref<8x128xf32, #tpu.memory_space<vmem_shared>>
      tpu.enqueue_dma source(%dma_start3A_383 : memref<8x128xf32, #tpu.memory_space<vmem_shared>>) target(%dma_start3A_380 : memref<8x128xf32, #tpu.memory_space<hbm>>) target_semaphore(%arg8 : memref<!tpu.dma_semaphore, #tpu.memory_space<semaphore_mem>>)
      %add3A_384 = arith.constant 1536 : i32
      %add3A_385 = arith.addi %sub3A_49, %add3A_384 : i32
      %multiple_of3A_386 = tpu.assume_multiple %add3A_385, 8 : i32
      %dma_start3A_387 = arith.constant 1 : i32
      %dma_start3A_388 = arith.constant 12 : i32
      %dma_start3A_389 = arith.constant 0 : i32
      %dma_start3A_390 = arith.constant 0 : i32
      %dma_start3A_391 = tpu.memref_slice %arg4[%while3A_45, %dma_start3A_387, %dma_start3A_388, %dma_start3A_389, %dma_start3A_390] : memref<2048x4x16x8x128xf32, #tpu.memory_space<hbm>> -> memref<1x1x1x8x128xf32, #tpu.memory_space<hbm>>
      %dma_start3A_392 = tpu.memref_squeeze %dma_start3A_391 : memref<1x1x1x8x128xf32, #tpu.memory_space<hbm>> -> memref<8x128xf32, #tpu.memory_space<hbm>>
      %dma_start3A_393 = arith.constant 8 : i32
      %dma_start3A_394 = tpu.memref_slice %arg6[%rem3A_48, %dma_start3A_393, %multiple_of3A_386] : memref<8x32x4096xf32, #tpu.memory_space<vmem_shared>> -> memref<1x8x128xf32, #tpu.memory_space<vmem_shared>>
      %dma_start3A_395 = tpu.memref_squeeze %dma_start3A_394 : memref<1x8x128xf32, #tpu.memory_space<vmem_shared>> -> memref<8x128xf32, #tpu.memory_space<vmem_shared>>
      tpu.enqueue_dma source(%dma_start3A_395 : memref<8x128xf32, #tpu.memory_space<vmem_shared>>) target(%dma_start3A_392 : memref<8x128xf32, #tpu.memory_space<hbm>>) target_semaphore(%arg8 : memref<!tpu.dma_semaphore, #tpu.memory_space<semaphore_mem>>)
      %add3A_396 = arith.constant 1664 : i32
      %add3A_397 = arith.addi %sub3A_49, %add3A_396 : i32
      %multiple_of3A_398 = tpu.assume_multiple %add3A_397, 8 : i32
      %dma_start3A_399 = arith.constant 1 : i32
      %dma_start3A_400 = arith.constant 13 : i32
      %dma_start3A_401 = arith.constant 0 : i32
      %dma_start3A_402 = arith.constant 0 : i32
      %dma_start3A_403 = tpu.memref_slice %arg4[%while3A_45, %dma_start3A_399, %dma_start3A_400, %dma_start3A_401, %dma_start3A_402] : memref<2048x4x16x8x128xf32, #tpu.memory_space<hbm>> -> memref<1x1x1x8x128xf32, #tpu.memory_space<hbm>>
      %dma_start3A_404 = tpu.memref_squeeze %dma_start3A_403 : memref<1x1x1x8x128xf32, #tpu.memory_space<hbm>> -> memref<8x128xf32, #tpu.memory_space<hbm>>
      %dma_start3A_405 = arith.constant 8 : i32
      %dma_start3A_406 = tpu.memref_slice %arg6[%rem3A_48, %dma_start3A_405, %multiple_of3A_398] : memref<8x32x4096xf32, #tpu.memory_space<vmem_shared>> -> memref<1x8x128xf32, #tpu.memory_space<vmem_shared>>
      %dma_start3A_407 = tpu.memref_squeeze %dma_start3A_406 : memref<1x8x128xf32, #tpu.memory_space<vmem_shared>> -> memref<8x128xf32, #tpu.memory_space<vmem_shared>>
      tpu.enqueue_dma source(%dma_start3A_407 : memref<8x128xf32, #tpu.memory_space<vmem_shared>>) target(%dma_start3A_404 : memref<8x128xf32, #tpu.memory_space<hbm>>) target_semaphore(%arg8 : memref<!tpu.dma_semaphore, #tpu.memory_space<semaphore_mem>>)
      %add3A_408 = arith.constant 1792 : i32
      %add3A_409 = arith.addi %sub3A_49, %add3A_408 : i32
      %multiple_of3A_410 = tpu.assume_multiple %add3A_409, 8 : i32
      %dma_start3A_411 = arith.constant 1 : i32
      %dma_start3A_412 = arith.constant 14 : i32
      %dma_start3A_413 = arith.constant 0 : i32
      %dma_start3A_414 = arith.constant 0 : i32
      %dma_start3A_415 = tpu.memref_slice %arg4[%while3A_45, %dma_start3A_411, %dma_start3A_412, %dma_start3A_413, %dma_start3A_414] : memref<2048x4x16x8x128xf32, #tpu.memory_space<hbm>> -> memref<1x1x1x8x128xf32, #tpu.memory_space<hbm>>
      %dma_start3A_416 = tpu.memref_squeeze %dma_start3A_415 : memref<1x1x1x8x128xf32, #tpu.memory_space<hbm>> -> memref<8x128xf32, #tpu.memory_space<hbm>>
      %dma_start3A_417 = arith.constant 8 : i32
      %dma_start3A_418 = tpu.memref_slice %arg6[%rem3A_48, %dma_start3A_417, %multiple_of3A_410] : memref<8x32x4096xf32, #tpu.memory_space<vmem_shared>> -> memref<1x8x128xf32, #tpu.memory_space<vmem_shared>>
      %dma_start3A_419 = tpu.memref_squeeze %dma_start3A_418 : memref<1x8x128xf32, #tpu.memory_space<vmem_shared>> -> memref<8x128xf32, #tpu.memory_space<vmem_shared>>
      tpu.enqueue_dma source(%dma_start3A_419 : memref<8x128xf32, #tpu.memory_space<vmem_shared>>) target(%dma_start3A_416 : memref<8x128xf32, #tpu.memory_space<hbm>>) target_semaphore(%arg8 : memref<!tpu.dma_semaphore, #tpu.memory_space<semaphore_mem>>)
      %add3A_420 = arith.constant 1920 : i32
      %add3A_421 = arith.addi %sub3A_49, %add3A_420 : i32
      %multiple_of3A_422 = tpu.assume_multiple %add3A_421, 8 : i32
      %dma_start3A_423 = arith.constant 1 : i32
      %dma_start3A_424 = arith.constant 15 : i32
      %dma_start3A_425 = arith.constant 0 : i32
      %dma_start3A_426 = arith.constant 0 : i32
      %dma_start3A_427 = tpu.memref_slice %arg4[%while3A_45, %dma_start3A_423, %dma_start3A_424, %dma_start3A_425, %dma_start3A_426] : memref<2048x4x16x8x128xf32, #tpu.memory_space<hbm>> -> memref<1x1x1x8x128xf32, #tpu.memory_space<hbm>>
      %dma_start3A_428 = tpu.memref_squeeze %dma_start3A_427 : memref<1x1x1x8x128xf32, #tpu.memory_space<hbm>> -> memref<8x128xf32, #tpu.memory_space<hbm>>
      %dma_start3A_429 = arith.constant 8 : i32
      %dma_start3A_430 = tpu.memref_slice %arg6[%rem3A_48, %dma_start3A_429, %multiple_of3A_422] : memref<8x32x4096xf32, #tpu.memory_space<vmem_shared>> -> memref<1x8x128xf32, #tpu.memory_space<vmem_shared>>
      %dma_start3A_431 = tpu.memref_squeeze %dma_start3A_430 : memref<1x8x128xf32, #tpu.memory_space<vmem_shared>> -> memref<8x128xf32, #tpu.memory_space<vmem_shared>>
      tpu.enqueue_dma source(%dma_start3A_431 : memref<8x128xf32, #tpu.memory_space<vmem_shared>>) target(%dma_start3A_428 : memref<8x128xf32, #tpu.memory_space<hbm>>) target_semaphore(%arg8 : memref<!tpu.dma_semaphore, #tpu.memory_space<semaphore_mem>>)
      %add3A_432 = arith.constant 0 : i32
      %add3A_433 = arith.addi %sub3A_49, %add3A_432 : i32
      %multiple_of3A_434 = tpu.assume_multiple %add3A_433, 8 : i32
      %dma_start3A_435 = arith.constant 2 : i32
      %dma_start3A_436 = arith.constant 0 : i32
      %dma_start3A_437 = arith.constant 0 : i32
      %dma_start3A_438 = arith.constant 0 : i32
      %dma_start3A_439 = tpu.memref_slice %arg4[%while3A_45, %dma_start3A_435, %dma_start3A_436, %dma_start3A_437, %dma_start3A_438] : memref<2048x4x16x8x128xf32, #tpu.memory_space<hbm>> -> memref<1x1x1x8x128xf32, #tpu.memory_space<hbm>>
      %dma_start3A_440 = tpu.memref_squeeze %dma_start3A_439 : memref<1x1x1x8x128xf32, #tpu.memory_space<hbm>> -> memref<8x128xf32, #tpu.memory_space<hbm>>
      %dma_start3A_441 = arith.constant 16 : i32
      %dma_start3A_442 = tpu.memref_slice %arg6[%rem3A_48, %dma_start3A_441, %multiple_of3A_434] : memref<8x32x4096xf32, #tpu.memory_space<vmem_shared>> -> memref<1x8x128xf32, #tpu.memory_space<vmem_shared>>
      %dma_start3A_443 = tpu.memref_squeeze %dma_start3A_442 : memref<1x8x128xf32, #tpu.memory_space<vmem_shared>> -> memref<8x128xf32, #tpu.memory_space<vmem_shared>>
      tpu.enqueue_dma source(%dma_start3A_443 : memref<8x128xf32, #tpu.memory_space<vmem_shared>>) target(%dma_start3A_440 : memref<8x128xf32, #tpu.memory_space<hbm>>) target_semaphore(%arg8 : memref<!tpu.dma_semaphore, #tpu.memory_space<semaphore_mem>>)
      %add3A_444 = arith.constant 128 : i32
      %add3A_445 = arith.addi %sub3A_49, %add3A_444 : i32
      %multiple_of3A_446 = tpu.assume_multiple %add3A_445, 8 : i32
      %dma_start3A_447 = arith.constant 2 : i32
      %dma_start3A_448 = arith.constant 1 : i32
      %dma_start3A_449 = arith.constant 0 : i32
      %dma_start3A_450 = arith.constant 0 : i32
      %dma_start3A_451 = tpu.memref_slice %arg4[%while3A_45, %dma_start3A_447, %dma_start3A_448, %dma_start3A_449, %dma_start3A_450] : memref<2048x4x16x8x128xf32, #tpu.memory_space<hbm>> -> memref<1x1x1x8x128xf32, #tpu.memory_space<hbm>>
      %dma_start3A_452 = tpu.memref_squeeze %dma_start3A_451 : memref<1x1x1x8x128xf32, #tpu.memory_space<hbm>> -> memref<8x128xf32, #tpu.memory_space<hbm>>
      %dma_start3A_453 = arith.constant 16 : i32
      %dma_start3A_454 = tpu.memref_slice %arg6[%rem3A_48, %dma_start3A_453, %multiple_of3A_446] : memref<8x32x4096xf32, #tpu.memory_space<vmem_shared>> -> memref<1x8x128xf32, #tpu.memory_space<vmem_shared>>
      %dma_start3A_455 = tpu.memref_squeeze %dma_start3A_454 : memref<1x8x128xf32, #tpu.memory_space<vmem_shared>> -> memref<8x128xf32, #tpu.memory_space<vmem_shared>>
      tpu.enqueue_dma source(%dma_start3A_455 : memref<8x128xf32, #tpu.memory_space<vmem_shared>>) target(%dma_start3A_452 : memref<8x128xf32, #tpu.memory_space<hbm>>) target_semaphore(%arg8 : memref<!tpu.dma_semaphore, #tpu.memory_space<semaphore_mem>>)
      %add3A_456 = arith.constant 256 : i32
      %add3A_457 = arith.addi %sub3A_49, %add3A_456 : i32
      %multiple_of3A_458 = tpu.assume_multiple %add3A_457, 8 : i32
      %dma_start3A_459 = arith.constant 2 : i32
      %dma_start3A_460 = arith.constant 2 : i32
      %dma_start3A_461 = arith.constant 0 : i32
      %dma_start3A_462 = arith.constant 0 : i32
      %dma_start3A_463 = tpu.memref_slice %arg4[%while3A_45, %dma_start3A_459, %dma_start3A_460, %dma_start3A_461, %dma_start3A_462] : memref<2048x4x16x8x128xf32, #tpu.memory_space<hbm>> -> memref<1x1x1x8x128xf32, #tpu.memory_space<hbm>>
      %dma_start3A_464 = tpu.memref_squeeze %dma_start3A_463 : memref<1x1x1x8x128xf32, #tpu.memory_space<hbm>> -> memref<8x128xf32, #tpu.memory_space<hbm>>
      %dma_start3A_465 = arith.constant 16 : i32
      %dma_start3A_466 = tpu.memref_slice %arg6[%rem3A_48, %dma_start3A_465, %multiple_of3A_458] : memref<8x32x4096xf32, #tpu.memory_space<vmem_shared>> -> memref<1x8x128xf32, #tpu.memory_space<vmem_shared>>
      %dma_start3A_467 = tpu.memref_squeeze %dma_start3A_466 : memref<1x8x128xf32, #tpu.memory_space<vmem_shared>> -> memref<8x128xf32, #tpu.memory_space<vmem_shared>>
      tpu.enqueue_dma source(%dma_start3A_467 : memref<8x128xf32, #tpu.memory_space<vmem_shared>>) target(%dma_start3A_464 : memref<8x128xf32, #tpu.memory_space<hbm>>) target_semaphore(%arg8 : memref<!tpu.dma_semaphore, #tpu.memory_space<semaphore_mem>>)
      %add3A_468 = arith.constant 384 : i32
      %add3A_469 = arith.addi %sub3A_49, %add3A_468 : i32
      %multiple_of3A_470 = tpu.assume_multiple %add3A_469, 8 : i32
      %dma_start3A_471 = arith.constant 2 : i32
      %dma_start3A_472 = arith.constant 3 : i32
      %dma_start3A_473 = arith.constant 0 : i32
      %dma_start3A_474 = arith.constant 0 : i32
      %dma_start3A_475 = tpu.memref_slice %arg4[%while3A_45, %dma_start3A_471, %dma_start3A_472, %dma_start3A_473, %dma_start3A_474] : memref<2048x4x16x8x128xf32, #tpu.memory_space<hbm>> -> memref<1x1x1x8x128xf32, #tpu.memory_space<hbm>>
      %dma_start3A_476 = tpu.memref_squeeze %dma_start3A_475 : memref<1x1x1x8x128xf32, #tpu.memory_space<hbm>> -> memref<8x128xf32, #tpu.memory_space<hbm>>
      %dma_start3A_477 = arith.constant 16 : i32
      %dma_start3A_478 = tpu.memref_slice %arg6[%rem3A_48, %dma_start3A_477, %multiple_of3A_470] : memref<8x32x4096xf32, #tpu.memory_space<vmem_shared>> -> memref<1x8x128xf32, #tpu.memory_space<vmem_shared>>
      %dma_start3A_479 = tpu.memref_squeeze %dma_start3A_478 : memref<1x8x128xf32, #tpu.memory_space<vmem_shared>> -> memref<8x128xf32, #tpu.memory_space<vmem_shared>>
      tpu.enqueue_dma source(%dma_start3A_479 : memref<8x128xf32, #tpu.memory_space<vmem_shared>>) target(%dma_start3A_476 : memref<8x128xf32, #tpu.memory_space<hbm>>) target_semaphore(%arg8 : memref<!tpu.dma_semaphore, #tpu.memory_space<semaphore_mem>>)
      %add3A_480 = arith.constant 512 : i32
      %add3A_481 = arith.addi %sub3A_49, %add3A_480 : i32
      %multiple_of3A_482 = tpu.assume_multiple %add3A_481, 8 : i32
      %dma_start3A_483 = arith.constant 2 : i32
      %dma_start3A_484 = arith.constant 4 : i32
      %dma_start3A_485 = arith.constant 0 : i32
      %dma_start3A_486 = arith.constant 0 : i32
      %dma_start3A_487 = tpu.memref_slice %arg4[%while3A_45, %dma_start3A_483, %dma_start3A_484, %dma_start3A_485, %dma_start3A_486] : memref<2048x4x16x8x128xf32, #tpu.memory_space<hbm>> -> memref<1x1x1x8x128xf32, #tpu.memory_space<hbm>>
      %dma_start3A_488 = tpu.memref_squeeze %dma_start3A_487 : memref<1x1x1x8x128xf32, #tpu.memory_space<hbm>> -> memref<8x128xf32, #tpu.memory_space<hbm>>
      %dma_start3A_489 = arith.constant 16 : i32
      %dma_start3A_490 = tpu.memref_slice %arg6[%rem3A_48, %dma_start3A_489, %multiple_of3A_482] : memref<8x32x4096xf32, #tpu.memory_space<vmem_shared>> -> memref<1x8x128xf32, #tpu.memory_space<vmem_shared>>
      %dma_start3A_491 = tpu.memref_squeeze %dma_start3A_490 : memref<1x8x128xf32, #tpu.memory_space<vmem_shared>> -> memref<8x128xf32, #tpu.memory_space<vmem_shared>>
      tpu.enqueue_dma source(%dma_start3A_491 : memref<8x128xf32, #tpu.memory_space<vmem_shared>>) target(%dma_start3A_488 : memref<8x128xf32, #tpu.memory_space<hbm>>) target_semaphore(%arg8 : memref<!tpu.dma_semaphore, #tpu.memory_space<semaphore_mem>>)
      %add3A_492 = arith.constant 640 : i32
      %add3A_493 = arith.addi %sub3A_49, %add3A_492 : i32
      %multiple_of3A_494 = tpu.assume_multiple %add3A_493, 8 : i32
      %dma_start3A_495 = arith.constant 2 : i32
      %dma_start3A_496 = arith.constant 5 : i32
      %dma_start3A_497 = arith.constant 0 : i32
      %dma_start3A_498 = arith.constant 0 : i32
      %dma_start3A_499 = tpu.memref_slice %arg4[%while3A_45, %dma_start3A_495, %dma_start3A_496, %dma_start3A_497, %dma_start3A_498] : memref<2048x4x16x8x128xf32, #tpu.memory_space<hbm>> -> memref<1x1x1x8x128xf32, #tpu.memory_space<hbm>>
      %dma_start3A_500 = tpu.memref_squeeze %dma_start3A_499 : memref<1x1x1x8x128xf32, #tpu.memory_space<hbm>> -> memref<8x128xf32, #tpu.memory_space<hbm>>
      %dma_start3A_501 = arith.constant 16 : i32
      %dma_start3A_502 = tpu.memref_slice %arg6[%rem3A_48, %dma_start3A_501, %multiple_of3A_494] : memref<8x32x4096xf32, #tpu.memory_space<vmem_shared>> -> memref<1x8x128xf32, #tpu.memory_space<vmem_shared>>
      %dma_start3A_503 = tpu.memref_squeeze %dma_start3A_502 : memref<1x8x128xf32, #tpu.memory_space<vmem_shared>> -> memref<8x128xf32, #tpu.memory_space<vmem_shared>>
      tpu.enqueue_dma source(%dma_start3A_503 : memref<8x128xf32, #tpu.memory_space<vmem_shared>>) target(%dma_start3A_500 : memref<8x128xf32, #tpu.memory_space<hbm>>) target_semaphore(%arg8 : memref<!tpu.dma_semaphore, #tpu.memory_space<semaphore_mem>>)
      %add3A_504 = arith.constant 768 : i32
      %add3A_505 = arith.addi %sub3A_49, %add3A_504 : i32
      %multiple_of3A_506 = tpu.assume_multiple %add3A_505, 8 : i32
      %dma_start3A_507 = arith.constant 2 : i32
      %dma_start3A_508 = arith.constant 6 : i32
      %dma_start3A_509 = arith.constant 0 : i32
      %dma_start3A_510 = arith.constant 0 : i32
      %dma_start3A_511 = tpu.memref_slice %arg4[%while3A_45, %dma_start3A_507, %dma_start3A_508, %dma_start3A_509, %dma_start3A_510] : memref<2048x4x16x8x128xf32, #tpu.memory_space<hbm>> -> memref<1x1x1x8x128xf32, #tpu.memory_space<hbm>>
      %dma_start3A_512 = tpu.memref_squeeze %dma_start3A_511 : memref<1x1x1x8x128xf32, #tpu.memory_space<hbm>> -> memref<8x128xf32, #tpu.memory_space<hbm>>
      %dma_start3A_513 = arith.constant 16 : i32
      %dma_start3A_514 = tpu.memref_slice %arg6[%rem3A_48, %dma_start3A_513, %multiple_of3A_506] : memref<8x32x4096xf32, #tpu.memory_space<vmem_shared>> -> memref<1x8x128xf32, #tpu.memory_space<vmem_shared>>
      %dma_start3A_515 = tpu.memref_squeeze %dma_start3A_514 : memref<1x8x128xf32, #tpu.memory_space<vmem_shared>> -> memref<8x128xf32, #tpu.memory_space<vmem_shared>>
      tpu.enqueue_dma source(%dma_start3A_515 : memref<8x128xf32, #tpu.memory_space<vmem_shared>>) target(%dma_start3A_512 : memref<8x128xf32, #tpu.memory_space<hbm>>) target_semaphore(%arg8 : memref<!tpu.dma_semaphore, #tpu.memory_space<semaphore_mem>>)
      %add3A_516 = arith.constant 896 : i32
      %add3A_517 = arith.addi %sub3A_49, %add3A_516 : i32
      %multiple_of3A_518 = tpu.assume_multiple %add3A_517, 8 : i32
      %dma_start3A_519 = arith.constant 2 : i32
      %dma_start3A_520 = arith.constant 7 : i32
      %dma_start3A_521 = arith.constant 0 : i32
      %dma_start3A_522 = arith.constant 0 : i32
      %dma_start3A_523 = tpu.memref_slice %arg4[%while3A_45, %dma_start3A_519, %dma_start3A_520, %dma_start3A_521, %dma_start3A_522] : memref<2048x4x16x8x128xf32, #tpu.memory_space<hbm>> -> memref<1x1x1x8x128xf32, #tpu.memory_space<hbm>>
      %dma_start3A_524 = tpu.memref_squeeze %dma_start3A_523 : memref<1x1x1x8x128xf32, #tpu.memory_space<hbm>> -> memref<8x128xf32, #tpu.memory_space<hbm>>
      %dma_start3A_525 = arith.constant 16 : i32
      %dma_start3A_526 = tpu.memref_slice %arg6[%rem3A_48, %dma_start3A_525, %multiple_of3A_518] : memref<8x32x4096xf32, #tpu.memory_space<vmem_shared>> -> memref<1x8x128xf32, #tpu.memory_space<vmem_shared>>
      %dma_start3A_527 = tpu.memref_squeeze %dma_start3A_526 : memref<1x8x128xf32, #tpu.memory_space<vmem_shared>> -> memref<8x128xf32, #tpu.memory_space<vmem_shared>>
      tpu.enqueue_dma source(%dma_start3A_527 : memref<8x128xf32, #tpu.memory_space<vmem_shared>>) target(%dma_start3A_524 : memref<8x128xf32, #tpu.memory_space<hbm>>) target_semaphore(%arg8 : memref<!tpu.dma_semaphore, #tpu.memory_space<semaphore_mem>>)
      %add3A_528 = arith.constant 1024 : i32
      %add3A_529 = arith.addi %sub3A_49, %add3A_528 : i32
      %multiple_of3A_530 = tpu.assume_multiple %add3A_529, 8 : i32
      %dma_start3A_531 = arith.constant 2 : i32
      %dma_start3A_532 = arith.constant 8 : i32
      %dma_start3A_533 = arith.constant 0 : i32
      %dma_start3A_534 = arith.constant 0 : i32
      %dma_start3A_535 = tpu.memref_slice %arg4[%while3A_45, %dma_start3A_531, %dma_start3A_532, %dma_start3A_533, %dma_start3A_534] : memref<2048x4x16x8x128xf32, #tpu.memory_space<hbm>> -> memref<1x1x1x8x128xf32, #tpu.memory_space<hbm>>
      %dma_start3A_536 = tpu.memref_squeeze %dma_start3A_535 : memref<1x1x1x8x128xf32, #tpu.memory_space<hbm>> -> memref<8x128xf32, #tpu.memory_space<hbm>>
      %dma_start3A_537 = arith.constant 16 : i32
      %dma_start3A_538 = tpu.memref_slice %arg6[%rem3A_48, %dma_start3A_537, %multiple_of3A_530] : memref<8x32x4096xf32, #tpu.memory_space<vmem_shared>> -> memref<1x8x128xf32, #tpu.memory_space<vmem_shared>>
      %dma_start3A_539 = tpu.memref_squeeze %dma_start3A_538 : memref<1x8x128xf32, #tpu.memory_space<vmem_shared>> -> memref<8x128xf32, #tpu.memory_space<vmem_shared>>
      tpu.enqueue_dma source(%dma_start3A_539 : memref<8x128xf32, #tpu.memory_space<vmem_shared>>) target(%dma_start3A_536 : memref<8x128xf32, #tpu.memory_space<hbm>>) target_semaphore(%arg8 : memref<!tpu.dma_semaphore, #tpu.memory_space<semaphore_mem>>)
      %add3A_540 = arith.constant 1152 : i32
      %add3A_541 = arith.addi %sub3A_49, %add3A_540 : i32
      %multiple_of3A_542 = tpu.assume_multiple %add3A_541, 8 : i32
      %dma_start3A_543 = arith.constant 2 : i32
      %dma_start3A_544 = arith.constant 9 : i32
      %dma_start3A_545 = arith.constant 0 : i32
      %dma_start3A_546 = arith.constant 0 : i32
      %dma_start3A_547 = tpu.memref_slice %arg4[%while3A_45, %dma_start3A_543, %dma_start3A_544, %dma_start3A_545, %dma_start3A_546] : memref<2048x4x16x8x128xf32, #tpu.memory_space<hbm>> -> memref<1x1x1x8x128xf32, #tpu.memory_space<hbm>>
      %dma_start3A_548 = tpu.memref_squeeze %dma_start3A_547 : memref<1x1x1x8x128xf32, #tpu.memory_space<hbm>> -> memref<8x128xf32, #tpu.memory_space<hbm>>
      %dma_start3A_549 = arith.constant 16 : i32
      %dma_start3A_550 = tpu.memref_slice %arg6[%rem3A_48, %dma_start3A_549, %multiple_of3A_542] : memref<8x32x4096xf32, #tpu.memory_space<vmem_shared>> -> memref<1x8x128xf32, #tpu.memory_space<vmem_shared>>
      %dma_start3A_551 = tpu.memref_squeeze %dma_start3A_550 : memref<1x8x128xf32, #tpu.memory_space<vmem_shared>> -> memref<8x128xf32, #tpu.memory_space<vmem_shared>>
      tpu.enqueue_dma source(%dma_start3A_551 : memref<8x128xf32, #tpu.memory_space<vmem_shared>>) target(%dma_start3A_548 : memref<8x128xf32, #tpu.memory_space<hbm>>) target_semaphore(%arg8 : memref<!tpu.dma_semaphore, #tpu.memory_space<semaphore_mem>>)
      %add3A_552 = arith.constant 1280 : i32
      %add3A_553 = arith.addi %sub3A_49, %add3A_552 : i32
      %multiple_of3A_554 = tpu.assume_multiple %add3A_553, 8 : i32
      %dma_start3A_555 = arith.constant 2 : i32
      %dma_start3A_556 = arith.constant 10 : i32
      %dma_start3A_557 = arith.constant 0 : i32
      %dma_start3A_558 = arith.constant 0 : i32
      %dma_start3A_559 = tpu.memref_slice %arg4[%while3A_45, %dma_start3A_555, %dma_start3A_556, %dma_start3A_557, %dma_start3A_558] : memref<2048x4x16x8x128xf32, #tpu.memory_space<hbm>> -> memref<1x1x1x8x128xf32, #tpu.memory_space<hbm>>
      %dma_start3A_560 = tpu.memref_squeeze %dma_start3A_559 : memref<1x1x1x8x128xf32, #tpu.memory_space<hbm>> -> memref<8x128xf32, #tpu.memory_space<hbm>>
      %dma_start3A_561 = arith.constant 16 : i32
      %dma_start3A_562 = tpu.memref_slice %arg6[%rem3A_48, %dma_start3A_561, %multiple_of3A_554] : memref<8x32x4096xf32, #tpu.memory_space<vmem_shared>> -> memref<1x8x128xf32, #tpu.memory_space<vmem_shared>>
      %dma_start3A_563 = tpu.memref_squeeze %dma_start3A_562 : memref<1x8x128xf32, #tpu.memory_space<vmem_shared>> -> memref<8x128xf32, #tpu.memory_space<vmem_shared>>
      tpu.enqueue_dma source(%dma_start3A_563 : memref<8x128xf32, #tpu.memory_space<vmem_shared>>) target(%dma_start3A_560 : memref<8x128xf32, #tpu.memory_space<hbm>>) target_semaphore(%arg8 : memref<!tpu.dma_semaphore, #tpu.memory_space<semaphore_mem>>)
      %add3A_564 = arith.constant 1408 : i32
      %add3A_565 = arith.addi %sub3A_49, %add3A_564 : i32
      %multiple_of3A_566 = tpu.assume_multiple %add3A_565, 8 : i32
      %dma_start3A_567 = arith.constant 2 : i32
      %dma_start3A_568 = arith.constant 11 : i32
      %dma_start3A_569 = arith.constant 0 : i32
      %dma_start3A_570 = arith.constant 0 : i32
      %dma_start3A_571 = tpu.memref_slice %arg4[%while3A_45, %dma_start3A_567, %dma_start3A_568, %dma_start3A_569, %dma_start3A_570] : memref<2048x4x16x8x128xf32, #tpu.memory_space<hbm>> -> memref<1x1x1x8x128xf32, #tpu.memory_space<hbm>>
      %dma_start3A_572 = tpu.memref_squeeze %dma_start3A_571 : memref<1x1x1x8x128xf32, #tpu.memory_space<hbm>> -> memref<8x128xf32, #tpu.memory_space<hbm>>
      %dma_start3A_573 = arith.constant 16 : i32
      %dma_start3A_574 = tpu.memref_slice %arg6[%rem3A_48, %dma_start3A_573, %multiple_of3A_566] : memref<8x32x4096xf32, #tpu.memory_space<vmem_shared>> -> memref<1x8x128xf32, #tpu.memory_space<vmem_shared>>
      %dma_start3A_575 = tpu.memref_squeeze %dma_start3A_574 : memref<1x8x128xf32, #tpu.memory_space<vmem_shared>> -> memref<8x128xf32, #tpu.memory_space<vmem_shared>>
      tpu.enqueue_dma source(%dma_start3A_575 : memref<8x128xf32, #tpu.memory_space<vmem_shared>>) target(%dma_start3A_572 : memref<8x128xf32, #tpu.memory_space<hbm>>) target_semaphore(%arg8 : memref<!tpu.dma_semaphore, #tpu.memory_space<semaphore_mem>>)
      %add3A_576 = arith.constant 1536 : i32
      %add3A_577 = arith.addi %sub3A_49, %add3A_576 : i32
      %multiple_of3A_578 = tpu.assume_multiple %add3A_577, 8 : i32
      %dma_start3A_579 = arith.constant 2 : i32
      %dma_start3A_580 = arith.constant 12 : i32
      %dma_start3A_581 = arith.constant 0 : i32
      %dma_start3A_582 = arith.constant 0 : i32
      %dma_start3A_583 = tpu.memref_slice %arg4[%while3A_45, %dma_start3A_579, %dma_start3A_580, %dma_start3A_581, %dma_start3A_582] : memref<2048x4x16x8x128xf32, #tpu.memory_space<hbm>> -> memref<1x1x1x8x128xf32, #tpu.memory_space<hbm>>
      %dma_start3A_584 = tpu.memref_squeeze %dma_start3A_583 : memref<1x1x1x8x128xf32, #tpu.memory_space<hbm>> -> memref<8x128xf32, #tpu.memory_space<hbm>>
      %dma_start3A_585 = arith.constant 16 : i32
      %dma_start3A_586 = tpu.memref_slice %arg6[%rem3A_48, %dma_start3A_585, %multiple_of3A_578] : memref<8x32x4096xf32, #tpu.memory_space<vmem_shared>> -> memref<1x8x128xf32, #tpu.memory_space<vmem_shared>>
      %dma_start3A_587 = tpu.memref_squeeze %dma_start3A_586 : memref<1x8x128xf32, #tpu.memory_space<vmem_shared>> -> memref<8x128xf32, #tpu.memory_space<vmem_shared>>
      tpu.enqueue_dma source(%dma_start3A_587 : memref<8x128xf32, #tpu.memory_space<vmem_shared>>) target(%dma_start3A_584 : memref<8x128xf32, #tpu.memory_space<hbm>>) target_semaphore(%arg8 : memref<!tpu.dma_semaphore, #tpu.memory_space<semaphore_mem>>)
      %add3A_588 = arith.constant 1664 : i32
      %add3A_589 = arith.addi %sub3A_49, %add3A_588 : i32
      %multiple_of3A_590 = tpu.assume_multiple %add3A_589, 8 : i32
      %dma_start3A_591 = arith.constant 2 : i32
      %dma_start3A_592 = arith.constant 13 : i32
      %dma_start3A_593 = arith.constant 0 : i32
      %dma_start3A_594 = arith.constant 0 : i32
      %dma_start3A_595 = tpu.memref_slice %arg4[%while3A_45, %dma_start3A_591, %dma_start3A_592, %dma_start3A_593, %dma_start3A_594] : memref<2048x4x16x8x128xf32, #tpu.memory_space<hbm>> -> memref<1x1x1x8x128xf32, #tpu.memory_space<hbm>>
      %dma_start3A_596 = tpu.memref_squeeze %dma_start3A_595 : memref<1x1x1x8x128xf32, #tpu.memory_space<hbm>> -> memref<8x128xf32, #tpu.memory_space<hbm>>
      %dma_start3A_597 = arith.constant 16 : i32
      %dma_start3A_598 = tpu.memref_slice %arg6[%rem3A_48, %dma_start3A_597, %multiple_of3A_590] : memref<8x32x4096xf32, #tpu.memory_space<vmem_shared>> -> memref<1x8x128xf32, #tpu.memory_space<vmem_shared>>
      %dma_start3A_599 = tpu.memref_squeeze %dma_start3A_598 : memref<1x8x128xf32, #tpu.memory_space<vmem_shared>> -> memref<8x128xf32, #tpu.memory_space<vmem_shared>>
      tpu.enqueue_dma source(%dma_start3A_599 : memref<8x128xf32, #tpu.memory_space<vmem_shared>>) target(%dma_start3A_596 : memref<8x128xf32, #tpu.memory_space<hbm>>) target_semaphore(%arg8 : memref<!tpu.dma_semaphore, #tpu.memory_space<semaphore_mem>>)
      %add3A_600 = arith.constant 1792 : i32
      %add3A_601 = arith.addi %sub3A_49, %add3A_600 : i32
      %multiple_of3A_602 = tpu.assume_multiple %add3A_601, 8 : i32
      %dma_start3A_603 = arith.constant 2 : i32
      %dma_start3A_604 = arith.constant 14 : i32
      %dma_start3A_605 = arith.constant 0 : i32
      %dma_start3A_606 = arith.constant 0 : i32
      %dma_start3A_607 = tpu.memref_slice %arg4[%while3A_45, %dma_start3A_603, %dma_start3A_604, %dma_start3A_605, %dma_start3A_606] : memref<2048x4x16x8x128xf32, #tpu.memory_space<hbm>> -> memref<1x1x1x8x128xf32, #tpu.memory_space<hbm>>
      %dma_start3A_608 = tpu.memref_squeeze %dma_start3A_607 : memref<1x1x1x8x128xf32, #tpu.memory_space<hbm>> -> memref<8x128xf32, #tpu.memory_space<hbm>>
      %dma_start3A_609 = arith.constant 16 : i32
      %dma_start3A_610 = tpu.memref_slice %arg6[%rem3A_48, %dma_start3A_609, %multiple_of3A_602] : memref<8x32x4096xf32, #tpu.memory_space<vmem_shared>> -> memref<1x8x128xf32, #tpu.memory_space<vmem_shared>>
      %dma_start3A_611 = tpu.memref_squeeze %dma_start3A_610 : memref<1x8x128xf32, #tpu.memory_space<vmem_shared>> -> memref<8x128xf32, #tpu.memory_space<vmem_shared>>
      tpu.enqueue_dma source(%dma_start3A_611 : memref<8x128xf32, #tpu.memory_space<vmem_shared>>) target(%dma_start3A_608 : memref<8x128xf32, #tpu.memory_space<hbm>>) target_semaphore(%arg8 : memref<!tpu.dma_semaphore, #tpu.memory_space<semaphore_mem>>)
      %add3A_612 = arith.constant 1920 : i32
      %add3A_613 = arith.addi %sub3A_49, %add3A_612 : i32
      %multiple_of3A_614 = tpu.assume_multiple %add3A_613, 8 : i32
      %dma_start3A_615 = arith.constant 2 : i32
      %dma_start3A_616 = arith.constant 15 : i32
      %dma_start3A_617 = arith.constant 0 : i32
      %dma_start3A_618 = arith.constant 0 : i32
      %dma_start3A_619 = tpu.memref_slice %arg4[%while3A_45, %dma_start3A_615, %dma_start3A_616, %dma_start3A_617, %dma_start3A_618] : memref<2048x4x16x8x128xf32, #tpu.memory_space<hbm>> -> memref<1x1x1x8x128xf32, #tpu.memory_space<hbm>>
      %dma_start3A_620 = tpu.memref_squeeze %dma_start3A_619 : memref<1x1x1x8x128xf32, #tpu.memory_space<hbm>> -> memref<8x128xf32, #tpu.memory_space<hbm>>
      %dma_start3A_621 = arith.constant 16 : i32
      %dma_start3A_622 = tpu.memref_slice %arg6[%rem3A_48, %dma_start3A_621, %multiple_of3A_614] : memref<8x32x4096xf32, #tpu.memory_space<vmem_shared>> -> memref<1x8x128xf32, #tpu.memory_space<vmem_shared>>
      %dma_start3A_623 = tpu.memref_squeeze %dma_start3A_622 : memref<1x8x128xf32, #tpu.memory_space<vmem_shared>> -> memref<8x128xf32, #tpu.memory_space<vmem_shared>>
      tpu.enqueue_dma source(%dma_start3A_623 : memref<8x128xf32, #tpu.memory_space<vmem_shared>>) target(%dma_start3A_620 : memref<8x128xf32, #tpu.memory_space<hbm>>) target_semaphore(%arg8 : memref<!tpu.dma_semaphore, #tpu.memory_space<semaphore_mem>>)
      %add3A_624 = arith.constant 0 : i32
      %add3A_625 = arith.addi %sub3A_49, %add3A_624 : i32
      %multiple_of3A_626 = tpu.assume_multiple %add3A_625, 8 : i32
      %dma_start3A_627 = arith.constant 3 : i32
      %dma_start3A_628 = arith.constant 0 : i32
      %dma_start3A_629 = arith.constant 0 : i32
      %dma_start3A_630 = arith.constant 0 : i32
      %dma_start3A_631 = tpu.memref_slice %arg4[%while3A_45, %dma_start3A_627, %dma_start3A_628, %dma_start3A_629, %dma_start3A_630] : memref<2048x4x16x8x128xf32, #tpu.memory_space<hbm>> -> memref<1x1x1x8x128xf32, #tpu.memory_space<hbm>>
      %dma_start3A_632 = tpu.memref_squeeze %dma_start3A_631 : memref<1x1x1x8x128xf32, #tpu.memory_space<hbm>> -> memref<8x128xf32, #tpu.memory_space<hbm>>
      %dma_start3A_633 = arith.constant 24 : i32
      %dma_start3A_634 = tpu.memref_slice %arg6[%rem3A_48, %dma_start3A_633, %multiple_of3A_626] : memref<8x32x4096xf32, #tpu.memory_space<vmem_shared>> -> memref<1x8x128xf32, #tpu.memory_space<vmem_shared>>
      %dma_start3A_635 = tpu.memref_squeeze %dma_start3A_634 : memref<1x8x128xf32, #tpu.memory_space<vmem_shared>> -> memref<8x128xf32, #tpu.memory_space<vmem_shared>>
      tpu.enqueue_dma source(%dma_start3A_635 : memref<8x128xf32, #tpu.memory_space<vmem_shared>>) target(%dma_start3A_632 : memref<8x128xf32, #tpu.memory_space<hbm>>) target_semaphore(%arg8 : memref<!tpu.dma_semaphore, #tpu.memory_space<semaphore_mem>>)
      %add3A_636 = arith.constant 128 : i32
      %add3A_637 = arith.addi %sub3A_49, %add3A_636 : i32
      %multiple_of3A_638 = tpu.assume_multiple %add3A_637, 8 : i32
      %dma_start3A_639 = arith.constant 3 : i32
      %dma_start3A_640 = arith.constant 1 : i32
      %dma_start3A_641 = arith.constant 0 : i32
      %dma_start3A_642 = arith.constant 0 : i32
      %dma_start3A_643 = tpu.memref_slice %arg4[%while3A_45, %dma_start3A_639, %dma_start3A_640, %dma_start3A_641, %dma_start3A_642] : memref<2048x4x16x8x128xf32, #tpu.memory_space<hbm>> -> memref<1x1x1x8x128xf32, #tpu.memory_space<hbm>>
      %dma_start3A_644 = tpu.memref_squeeze %dma_start3A_643 : memref<1x1x1x8x128xf32, #tpu.memory_space<hbm>> -> memref<8x128xf32, #tpu.memory_space<hbm>>
      %dma_start3A_645 = arith.constant 24 : i32
      %dma_start3A_646 = tpu.memref_slice %arg6[%rem3A_48, %dma_start3A_645, %multiple_of3A_638] : memref<8x32x4096xf32, #tpu.memory_space<vmem_shared>> -> memref<1x8x128xf32, #tpu.memory_space<vmem_shared>>
      %dma_start3A_647 = tpu.memref_squeeze %dma_start3A_646 : memref<1x8x128xf32, #tpu.memory_space<vmem_shared>> -> memref<8x128xf32, #tpu.memory_space<vmem_shared>>
      tpu.enqueue_dma source(%dma_start3A_647 : memref<8x128xf32, #tpu.memory_space<vmem_shared>>) target(%dma_start3A_644 : memref<8x128xf32, #tpu.memory_space<hbm>>) target_semaphore(%arg8 : memref<!tpu.dma_semaphore, #tpu.memory_space<semaphore_mem>>)
      %add3A_648 = arith.constant 256 : i32
      %add3A_649 = arith.addi %sub3A_49, %add3A_648 : i32
      %multiple_of3A_650 = tpu.assume_multiple %add3A_649, 8 : i32
      %dma_start3A_651 = arith.constant 3 : i32
      %dma_start3A_652 = arith.constant 2 : i32
      %dma_start3A_653 = arith.constant 0 : i32
      %dma_start3A_654 = arith.constant 0 : i32
      %dma_start3A_655 = tpu.memref_slice %arg4[%while3A_45, %dma_start3A_651, %dma_start3A_652, %dma_start3A_653, %dma_start3A_654] : memref<2048x4x16x8x128xf32, #tpu.memory_space<hbm>> -> memref<1x1x1x8x128xf32, #tpu.memory_space<hbm>>
      %dma_start3A_656 = tpu.memref_squeeze %dma_start3A_655 : memref<1x1x1x8x128xf32, #tpu.memory_space<hbm>> -> memref<8x128xf32, #tpu.memory_space<hbm>>
      %dma_start3A_657 = arith.constant 24 : i32
      %dma_start3A_658 = tpu.memref_slice %arg6[%rem3A_48, %dma_start3A_657, %multiple_of3A_650] : memref<8x32x4096xf32, #tpu.memory_space<vmem_shared>> -> memref<1x8x128xf32, #tpu.memory_space<vmem_shared>>
      %dma_start3A_659 = tpu.memref_squeeze %dma_start3A_658 : memref<1x8x128xf32, #tpu.memory_space<vmem_shared>> -> memref<8x128xf32, #tpu.memory_space<vmem_shared>>
      tpu.enqueue_dma source(%dma_start3A_659 : memref<8x128xf32, #tpu.memory_space<vmem_shared>>) target(%dma_start3A_656 : memref<8x128xf32, #tpu.memory_space<hbm>>) target_semaphore(%arg8 : memref<!tpu.dma_semaphore, #tpu.memory_space<semaphore_mem>>)
      %add3A_660 = arith.constant 384 : i32
      %add3A_661 = arith.addi %sub3A_49, %add3A_660 : i32
      %multiple_of3A_662 = tpu.assume_multiple %add3A_661, 8 : i32
      %dma_start3A_663 = arith.constant 3 : i32
      %dma_start3A_664 = arith.constant 3 : i32
      %dma_start3A_665 = arith.constant 0 : i32
      %dma_start3A_666 = arith.constant 0 : i32
      %dma_start3A_667 = tpu.memref_slice %arg4[%while3A_45, %dma_start3A_663, %dma_start3A_664, %dma_start3A_665, %dma_start3A_666] : memref<2048x4x16x8x128xf32, #tpu.memory_space<hbm>> -> memref<1x1x1x8x128xf32, #tpu.memory_space<hbm>>
      %dma_start3A_668 = tpu.memref_squeeze %dma_start3A_667 : memref<1x1x1x8x128xf32, #tpu.memory_space<hbm>> -> memref<8x128xf32, #tpu.memory_space<hbm>>
      %dma_start3A_669 = arith.constant 24 : i32
      %dma_start3A_670 = tpu.memref_slice %arg6[%rem3A_48, %dma_start3A_669, %multiple_of3A_662] : memref<8x32x4096xf32, #tpu.memory_space<vmem_shared>> -> memref<1x8x128xf32, #tpu.memory_space<vmem_shared>>
      %dma_start3A_671 = tpu.memref_squeeze %dma_start3A_670 : memref<1x8x128xf32, #tpu.memory_space<vmem_shared>> -> memref<8x128xf32, #tpu.memory_space<vmem_shared>>
      tpu.enqueue_dma source(%dma_start3A_671 : memref<8x128xf32, #tpu.memory_space<vmem_shared>>) target(%dma_start3A_668 : memref<8x128xf32, #tpu.memory_space<hbm>>) target_semaphore(%arg8 : memref<!tpu.dma_semaphore, #tpu.memory_space<semaphore_mem>>)
      %add3A_672 = arith.constant 512 : i32
      %add3A_673 = arith.addi %sub3A_49, %add3A_672 : i32
      %multiple_of3A_674 = tpu.assume_multiple %add3A_673, 8 : i32
      %dma_start3A_675 = arith.constant 3 : i32
      %dma_start3A_676 = arith.constant 4 : i32
      %dma_start3A_677 = arith.constant 0 : i32
      %dma_start3A_678 = arith.constant 0 : i32
      %dma_start3A_679 = tpu.memref_slice %arg4[%while3A_45, %dma_start3A_675, %dma_start3A_676, %dma_start3A_677, %dma_start3A_678] : memref<2048x4x16x8x128xf32, #tpu.memory_space<hbm>> -> memref<1x1x1x8x128xf32, #tpu.memory_space<hbm>>
      %dma_start3A_680 = tpu.memref_squeeze %dma_start3A_679 : memref<1x1x1x8x128xf32, #tpu.memory_space<hbm>> -> memref<8x128xf32, #tpu.memory_space<hbm>>
      %dma_start3A_681 = arith.constant 24 : i32
      %dma_start3A_682 = tpu.memref_slice %arg6[%rem3A_48, %dma_start3A_681, %multiple_of3A_674] : memref<8x32x4096xf32, #tpu.memory_space<vmem_shared>> -> memref<1x8x128xf32, #tpu.memory_space<vmem_shared>>
      %dma_start3A_683 = tpu.memref_squeeze %dma_start3A_682 : memref<1x8x128xf32, #tpu.memory_space<vmem_shared>> -> memref<8x128xf32, #tpu.memory_space<vmem_shared>>
      tpu.enqueue_dma source(%dma_start3A_683 : memref<8x128xf32, #tpu.memory_space<vmem_shared>>) target(%dma_start3A_680 : memref<8x128xf32, #tpu.memory_space<hbm>>) target_semaphore(%arg8 : memref<!tpu.dma_semaphore, #tpu.memory_space<semaphore_mem>>)
      %add3A_684 = arith.constant 640 : i32
      %add3A_685 = arith.addi %sub3A_49, %add3A_684 : i32
      %multiple_of3A_686 = tpu.assume_multiple %add3A_685, 8 : i32
      %dma_start3A_687 = arith.constant 3 : i32
      %dma_start3A_688 = arith.constant 5 : i32
      %dma_start3A_689 = arith.constant 0 : i32
      %dma_start3A_690 = arith.constant 0 : i32
      %dma_start3A_691 = tpu.memref_slice %arg4[%while3A_45, %dma_start3A_687, %dma_start3A_688, %dma_start3A_689, %dma_start3A_690] : memref<2048x4x16x8x128xf32, #tpu.memory_space<hbm>> -> memref<1x1x1x8x128xf32, #tpu.memory_space<hbm>>
      %dma_start3A_692 = tpu.memref_squeeze %dma_start3A_691 : memref<1x1x1x8x128xf32, #tpu.memory_space<hbm>> -> memref<8x128xf32, #tpu.memory_space<hbm>>
      %dma_start3A_693 = arith.constant 24 : i32
      %dma_start3A_694 = tpu.memref_slice %arg6[%rem3A_48, %dma_start3A_693, %multiple_of3A_686] : memref<8x32x4096xf32, #tpu.memory_space<vmem_shared>> -> memref<1x8x128xf32, #tpu.memory_space<vmem_shared>>
      %dma_start3A_695 = tpu.memref_squeeze %dma_start3A_694 : memref<1x8x128xf32, #tpu.memory_space<vmem_shared>> -> memref<8x128xf32, #tpu.memory_space<vmem_shared>>
      tpu.enqueue_dma source(%dma_start3A_695 : memref<8x128xf32, #tpu.memory_space<vmem_shared>>) target(%dma_start3A_692 : memref<8x128xf32, #tpu.memory_space<hbm>>) target_semaphore(%arg8 : memref<!tpu.dma_semaphore, #tpu.memory_space<semaphore_mem>>)
      %add3A_696 = arith.constant 768 : i32
      %add3A_697 = arith.addi %sub3A_49, %add3A_696 : i32
      %multiple_of3A_698 = tpu.assume_multiple %add3A_697, 8 : i32
      %dma_start3A_699 = arith.constant 3 : i32
      %dma_start3A_700 = arith.constant 6 : i32
      %dma_start3A_701 = arith.constant 0 : i32
      %dma_start3A_702 = arith.constant 0 : i32
      %dma_start3A_703 = tpu.memref_slice %arg4[%while3A_45, %dma_start3A_699, %dma_start3A_700, %dma_start3A_701, %dma_start3A_702] : memref<2048x4x16x8x128xf32, #tpu.memory_space<hbm>> -> memref<1x1x1x8x128xf32, #tpu.memory_space<hbm>>
      %dma_start3A_704 = tpu.memref_squeeze %dma_start3A_703 : memref<1x1x1x8x128xf32, #tpu.memory_space<hbm>> -> memref<8x128xf32, #tpu.memory_space<hbm>>
      %dma_start3A_705 = arith.constant 24 : i32
      %dma_start3A_706 = tpu.memref_slice %arg6[%rem3A_48, %dma_start3A_705, %multiple_of3A_698] : memref<8x32x4096xf32, #tpu.memory_space<vmem_shared>> -> memref<1x8x128xf32, #tpu.memory_space<vmem_shared>>
      %dma_start3A_707 = tpu.memref_squeeze %dma_start3A_706 : memref<1x8x128xf32, #tpu.memory_space<vmem_shared>> -> memref<8x128xf32, #tpu.memory_space<vmem_shared>>
      tpu.enqueue_dma source(%dma_start3A_707 : memref<8x128xf32, #tpu.memory_space<vmem_shared>>) target(%dma_start3A_704 : memref<8x128xf32, #tpu.memory_space<hbm>>) target_semaphore(%arg8 : memref<!tpu.dma_semaphore, #tpu.memory_space<semaphore_mem>>)
      %add3A_708 = arith.constant 896 : i32
      %add3A_709 = arith.addi %sub3A_49, %add3A_708 : i32
      %multiple_of3A_710 = tpu.assume_multiple %add3A_709, 8 : i32
      %dma_start3A_711 = arith.constant 3 : i32
      %dma_start3A_712 = arith.constant 7 : i32
      %dma_start3A_713 = arith.constant 0 : i32
      %dma_start3A_714 = arith.constant 0 : i32
      %dma_start3A_715 = tpu.memref_slice %arg4[%while3A_45, %dma_start3A_711, %dma_start3A_712, %dma_start3A_713, %dma_start3A_714] : memref<2048x4x16x8x128xf32, #tpu.memory_space<hbm>> -> memref<1x1x1x8x128xf32, #tpu.memory_space<hbm>>
      %dma_start3A_716 = tpu.memref_squeeze %dma_start3A_715 : memref<1x1x1x8x128xf32, #tpu.memory_space<hbm>> -> memref<8x128xf32, #tpu.memory_space<hbm>>
      %dma_start3A_717 = arith.constant 24 : i32
      %dma_start3A_718 = tpu.memref_slice %arg6[%rem3A_48, %dma_start3A_717, %multiple_of3A_710] : memref<8x32x4096xf32, #tpu.memory_space<vmem_shared>> -> memref<1x8x128xf32, #tpu.memory_space<vmem_shared>>
      %dma_start3A_719 = tpu.memref_squeeze %dma_start3A_718 : memref<1x8x128xf32, #tpu.memory_space<vmem_shared>> -> memref<8x128xf32, #tpu.memory_space<vmem_shared>>
      tpu.enqueue_dma source(%dma_start3A_719 : memref<8x128xf32, #tpu.memory_space<vmem_shared>>) target(%dma_start3A_716 : memref<8x128xf32, #tpu.memory_space<hbm>>) target_semaphore(%arg8 : memref<!tpu.dma_semaphore, #tpu.memory_space<semaphore_mem>>)
      %add3A_720 = arith.constant 1024 : i32
      %add3A_721 = arith.addi %sub3A_49, %add3A_720 : i32
      %multiple_of3A_722 = tpu.assume_multiple %add3A_721, 8 : i32
      %dma_start3A_723 = arith.constant 3 : i32
      %dma_start3A_724 = arith.constant 8 : i32
      %dma_start3A_725 = arith.constant 0 : i32
      %dma_start3A_726 = arith.constant 0 : i32
      %dma_start3A_727 = tpu.memref_slice %arg4[%while3A_45, %dma_start3A_723, %dma_start3A_724, %dma_start3A_725, %dma_start3A_726] : memref<2048x4x16x8x128xf32, #tpu.memory_space<hbm>> -> memref<1x1x1x8x128xf32, #tpu.memory_space<hbm>>
      %dma_start3A_728 = tpu.memref_squeeze %dma_start3A_727 : memref<1x1x1x8x128xf32, #tpu.memory_space<hbm>> -> memref<8x128xf32, #tpu.memory_space<hbm>>
      %dma_start3A_729 = arith.constant 24 : i32
      %dma_start3A_730 = tpu.memref_slice %arg6[%rem3A_48, %dma_start3A_729, %multiple_of3A_722] : memref<8x32x4096xf32, #tpu.memory_space<vmem_shared>> -> memref<1x8x128xf32, #tpu.memory_space<vmem_shared>>
      %dma_start3A_731 = tpu.memref_squeeze %dma_start3A_730 : memref<1x8x128xf32, #tpu.memory_space<vmem_shared>> -> memref<8x128xf32, #tpu.memory_space<vmem_shared>>
      tpu.enqueue_dma source(%dma_start3A_731 : memref<8x128xf32, #tpu.memory_space<vmem_shared>>) target(%dma_start3A_728 : memref<8x128xf32, #tpu.memory_space<hbm>>) target_semaphore(%arg8 : memref<!tpu.dma_semaphore, #tpu.memory_space<semaphore_mem>>)
      %add3A_732 = arith.constant 1152 : i32
      %add3A_733 = arith.addi %sub3A_49, %add3A_732 : i32
      %multiple_of3A_734 = tpu.assume_multiple %add3A_733, 8 : i32
      %dma_start3A_735 = arith.constant 3 : i32
      %dma_start3A_736 = arith.constant 9 : i32
      %dma_start3A_737 = arith.constant 0 : i32
      %dma_start3A_738 = arith.constant 0 : i32
      %dma_start3A_739 = tpu.memref_slice %arg4[%while3A_45, %dma_start3A_735, %dma_start3A_736, %dma_start3A_737, %dma_start3A_738] : memref<2048x4x16x8x128xf32, #tpu.memory_space<hbm>> -> memref<1x1x1x8x128xf32, #tpu.memory_space<hbm>>
      %dma_start3A_740 = tpu.memref_squeeze %dma_start3A_739 : memref<1x1x1x8x128xf32, #tpu.memory_space<hbm>> -> memref<8x128xf32, #tpu.memory_space<hbm>>
      %dma_start3A_741 = arith.constant 24 : i32
      %dma_start3A_742 = tpu.memref_slice %arg6[%rem3A_48, %dma_start3A_741, %multiple_of3A_734] : memref<8x32x4096xf32, #tpu.memory_space<vmem_shared>> -> memref<1x8x128xf32, #tpu.memory_space<vmem_shared>>
      %dma_start3A_743 = tpu.memref_squeeze %dma_start3A_742 : memref<1x8x128xf32, #tpu.memory_space<vmem_shared>> -> memref<8x128xf32, #tpu.memory_space<vmem_shared>>
      tpu.enqueue_dma source(%dma_start3A_743 : memref<8x128xf32, #tpu.memory_space<vmem_shared>>) target(%dma_start3A_740 : memref<8x128xf32, #tpu.memory_space<hbm>>) target_semaphore(%arg8 : memref<!tpu.dma_semaphore, #tpu.memory_space<semaphore_mem>>)
      %add3A_744 = arith.constant 1280 : i32
      %add3A_745 = arith.addi %sub3A_49, %add3A_744 : i32
      %multiple_of3A_746 = tpu.assume_multiple %add3A_745, 8 : i32
      %dma_start3A_747 = arith.constant 3 : i32
      %dma_start3A_748 = arith.constant 10 : i32
      %dma_start3A_749 = arith.constant 0 : i32
      %dma_start3A_750 = arith.constant 0 : i32
      %dma_start3A_751 = tpu.memref_slice %arg4[%while3A_45, %dma_start3A_747, %dma_start3A_748, %dma_start3A_749, %dma_start3A_750] : memref<2048x4x16x8x128xf32, #tpu.memory_space<hbm>> -> memref<1x1x1x8x128xf32, #tpu.memory_space<hbm>>
      %dma_start3A_752 = tpu.memref_squeeze %dma_start3A_751 : memref<1x1x1x8x128xf32, #tpu.memory_space<hbm>> -> memref<8x128xf32, #tpu.memory_space<hbm>>
      %dma_start3A_753 = arith.constant 24 : i32
      %dma_start3A_754 = tpu.memref_slice %arg6[%rem3A_48, %dma_start3A_753, %multiple_of3A_746] : memref<8x32x4096xf32, #tpu.memory_space<vmem_shared>> -> memref<1x8x128xf32, #tpu.memory_space<vmem_shared>>
      %dma_start3A_755 = tpu.memref_squeeze %dma_start3A_754 : memref<1x8x128xf32, #tpu.memory_space<vmem_shared>> -> memref<8x128xf32, #tpu.memory_space<vmem_shared>>
      tpu.enqueue_dma source(%dma_start3A_755 : memref<8x128xf32, #tpu.memory_space<vmem_shared>>) target(%dma_start3A_752 : memref<8x128xf32, #tpu.memory_space<hbm>>) target_semaphore(%arg8 : memref<!tpu.dma_semaphore, #tpu.memory_space<semaphore_mem>>)
      %add3A_756 = arith.constant 1408 : i32
      %add3A_757 = arith.addi %sub3A_49, %add3A_756 : i32
      %multiple_of3A_758 = tpu.assume_multiple %add3A_757, 8 : i32
      %dma_start3A_759 = arith.constant 3 : i32
      %dma_start3A_760 = arith.constant 11 : i32
      %dma_start3A_761 = arith.constant 0 : i32
      %dma_start3A_762 = arith.constant 0 : i32
      %dma_start3A_763 = tpu.memref_slice %arg4[%while3A_45, %dma_start3A_759, %dma_start3A_760, %dma_start3A_761, %dma_start3A_762] : memref<2048x4x16x8x128xf32, #tpu.memory_space<hbm>> -> memref<1x1x1x8x128xf32, #tpu.memory_space<hbm>>
      %dma_start3A_764 = tpu.memref_squeeze %dma_start3A_763 : memref<1x1x1x8x128xf32, #tpu.memory_space<hbm>> -> memref<8x128xf32, #tpu.memory_space<hbm>>
      %dma_start3A_765 = arith.constant 24 : i32
      %dma_start3A_766 = tpu.memref_slice %arg6[%rem3A_48, %dma_start3A_765, %multiple_of3A_758] : memref<8x32x4096xf32, #tpu.memory_space<vmem_shared>> -> memref<1x8x128xf32, #tpu.memory_space<vmem_shared>>
      %dma_start3A_767 = tpu.memref_squeeze %dma_start3A_766 : memref<1x8x128xf32, #tpu.memory_space<vmem_shared>> -> memref<8x128xf32, #tpu.memory_space<vmem_shared>>
      tpu.enqueue_dma source(%dma_start3A_767 : memref<8x128xf32, #tpu.memory_space<vmem_shared>>) target(%dma_start3A_764 : memref<8x128xf32, #tpu.memory_space<hbm>>) target_semaphore(%arg8 : memref<!tpu.dma_semaphore, #tpu.memory_space<semaphore_mem>>)
      %add3A_768 = arith.constant 1536 : i32
      %add3A_769 = arith.addi %sub3A_49, %add3A_768 : i32
      %multiple_of3A_770 = tpu.assume_multiple %add3A_769, 8 : i32
      %dma_start3A_771 = arith.constant 3 : i32
      %dma_start3A_772 = arith.constant 12 : i32
      %dma_start3A_773 = arith.constant 0 : i32
      %dma_start3A_774 = arith.constant 0 : i32
      %dma_start3A_775 = tpu.memref_slice %arg4[%while3A_45, %dma_start3A_771, %dma_start3A_772, %dma_start3A_773, %dma_start3A_774] : memref<2048x4x16x8x128xf32, #tpu.memory_space<hbm>> -> memref<1x1x1x8x128xf32, #tpu.memory_space<hbm>>
      %dma_start3A_776 = tpu.memref_squeeze %dma_start3A_775 : memref<1x1x1x8x128xf32, #tpu.memory_space<hbm>> -> memref<8x128xf32, #tpu.memory_space<hbm>>
      %dma_start3A_777 = arith.constant 24 : i32
      %dma_start3A_778 = tpu.memref_slice %arg6[%rem3A_48, %dma_start3A_777, %multiple_of3A_770] : memref<8x32x4096xf32, #tpu.memory_space<vmem_shared>> -> memref<1x8x128xf32, #tpu.memory_space<vmem_shared>>
      %dma_start3A_779 = tpu.memref_squeeze %dma_start3A_778 : memref<1x8x128xf32, #tpu.memory_space<vmem_shared>> -> memref<8x128xf32, #tpu.memory_space<vmem_shared>>
      tpu.enqueue_dma source(%dma_start3A_779 : memref<8x128xf32, #tpu.memory_space<vmem_shared>>) target(%dma_start3A_776 : memref<8x128xf32, #tpu.memory_space<hbm>>) target_semaphore(%arg8 : memref<!tpu.dma_semaphore, #tpu.memory_space<semaphore_mem>>)
      %add3A_780 = arith.constant 1664 : i32
      %add3A_781 = arith.addi %sub3A_49, %add3A_780 : i32
      %multiple_of3A_782 = tpu.assume_multiple %add3A_781, 8 : i32
      %dma_start3A_783 = arith.constant 3 : i32
      %dma_start3A_784 = arith.constant 13 : i32
      %dma_start3A_785 = arith.constant 0 : i32
      %dma_start3A_786 = arith.constant 0 : i32
      %dma_start3A_787 = tpu.memref_slice %arg4[%while3A_45, %dma_start3A_783, %dma_start3A_784, %dma_start3A_785, %dma_start3A_786] : memref<2048x4x16x8x128xf32, #tpu.memory_space<hbm>> -> memref<1x1x1x8x128xf32, #tpu.memory_space<hbm>>
      %dma_start3A_788 = tpu.memref_squeeze %dma_start3A_787 : memref<1x1x1x8x128xf32, #tpu.memory_space<hbm>> -> memref<8x128xf32, #tpu.memory_space<hbm>>
      %dma_start3A_789 = arith.constant 24 : i32
      %dma_start3A_790 = tpu.memref_slice %arg6[%rem3A_48, %dma_start3A_789, %multiple_of3A_782] : memref<8x32x4096xf32, #tpu.memory_space<vmem_shared>> -> memref<1x8x128xf32, #tpu.memory_space<vmem_shared>>
      %dma_start3A_791 = tpu.memref_squeeze %dma_start3A_790 : memref<1x8x128xf32, #tpu.memory_space<vmem_shared>> -> memref<8x128xf32, #tpu.memory_space<vmem_shared>>
      tpu.enqueue_dma source(%dma_start3A_791 : memref<8x128xf32, #tpu.memory_space<vmem_shared>>) target(%dma_start3A_788 : memref<8x128xf32, #tpu.memory_space<hbm>>) target_semaphore(%arg8 : memref<!tpu.dma_semaphore, #tpu.memory_space<semaphore_mem>>)
      %add3A_792 = arith.constant 1792 : i32
      %add3A_793 = arith.addi %sub3A_49, %add3A_792 : i32
      %multiple_of3A_794 = tpu.assume_multiple %add3A_793, 8 : i32
      %dma_start3A_795 = arith.constant 3 : i32
      %dma_start3A_796 = arith.constant 14 : i32
      %dma_start3A_797 = arith.constant 0 : i32
      %dma_start3A_798 = arith.constant 0 : i32
      %dma_start3A_799 = tpu.memref_slice %arg4[%while3A_45, %dma_start3A_795, %dma_start3A_796, %dma_start3A_797, %dma_start3A_798] : memref<2048x4x16x8x128xf32, #tpu.memory_space<hbm>> -> memref<1x1x1x8x128xf32, #tpu.memory_space<hbm>>
      %dma_start3A_800 = tpu.memref_squeeze %dma_start3A_799 : memref<1x1x1x8x128xf32, #tpu.memory_space<hbm>> -> memref<8x128xf32, #tpu.memory_space<hbm>>
      %dma_start3A_801 = arith.constant 24 : i32
      %dma_start3A_802 = tpu.memref_slice %arg6[%rem3A_48, %dma_start3A_801, %multiple_of3A_794] : memref<8x32x4096xf32, #tpu.memory_space<vmem_shared>> -> memref<1x8x128xf32, #tpu.memory_space<vmem_shared>>
      %dma_start3A_803 = tpu.memref_squeeze %dma_start3A_802 : memref<1x8x128xf32, #tpu.memory_space<vmem_shared>> -> memref<8x128xf32, #tpu.memory_space<vmem_shared>>
      tpu.enqueue_dma source(%dma_start3A_803 : memref<8x128xf32, #tpu.memory_space<vmem_shared>>) target(%dma_start3A_800 : memref<8x128xf32, #tpu.memory_space<hbm>>) target_semaphore(%arg8 : memref<!tpu.dma_semaphore, #tpu.memory_space<semaphore_mem>>)
      %add3A_804 = arith.constant 1920 : i32
      %add3A_805 = arith.addi %sub3A_49, %add3A_804 : i32
      %multiple_of3A_806 = tpu.assume_multiple %add3A_805, 8 : i32
      %dma_start3A_807 = arith.constant 3 : i32
      %dma_start3A_808 = arith.constant 15 : i32
      %dma_start3A_809 = arith.constant 0 : i32
      %dma_start3A_810 = arith.constant 0 : i32
      %dma_start3A_811 = tpu.memref_slice %arg4[%while3A_45, %dma_start3A_807, %dma_start3A_808, %dma_start3A_809, %dma_start3A_810] : memref<2048x4x16x8x128xf32, #tpu.memory_space<hbm>> -> memref<1x1x1x8x128xf32, #tpu.memory_space<hbm>>
      %dma_start3A_812 = tpu.memref_squeeze %dma_start3A_811 : memref<1x1x1x8x128xf32, #tpu.memory_space<hbm>> -> memref<8x128xf32, #tpu.memory_space<hbm>>
      %dma_start3A_813 = arith.constant 24 : i32
      %dma_start3A_814 = tpu.memref_slice %arg6[%rem3A_48, %dma_start3A_813, %multiple_of3A_806] : memref<8x32x4096xf32, #tpu.memory_space<vmem_shared>> -> memref<1x8x128xf32, #tpu.memory_space<vmem_shared>>
      %dma_start3A_815 = tpu.memref_squeeze %dma_start3A_814 : memref<1x8x128xf32, #tpu.memory_space<vmem_shared>> -> memref<8x128xf32, #tpu.memory_space<vmem_shared>>
      tpu.enqueue_dma source(%dma_start3A_815 : memref<8x128xf32, #tpu.memory_space<vmem_shared>>) target(%dma_start3A_812 : memref<8x128xf32, #tpu.memory_space<hbm>>) target_semaphore(%arg8 : memref<!tpu.dma_semaphore, #tpu.memory_space<semaphore_mem>>)
      %rem3A_816 = arith.constant 8 : i32
      %rem3A_817 = arith.remsi %while3A_45, %rem3A_816 : i32
      %eq3A_818 = arith.constant 0 : i32
      %eq3A_819 = arith.cmpi eq, %rem3A_817, %eq3A_818 : i32
      %convert_element_type3A_820 = arith.extui %eq3A_819 : i1 to i32
      %cond3A_821 = arith.constant 0 : i32
      %cond3A_822 = arith.cmpi ne, %convert_element_type3A_820, %cond3A_821 : i32
      scf.if %cond3A_822 {
        %sub3A_829 = arith.subi %while3A_45, %mul3A_2 : i32
        %div3A = arith.constant 8 : i32
        %div3A_830 = arith.divsi %sub3A_829, %div3A : i32
        %add3A_831 = arith.addi %mul3A_6, %div3A_830 : i32
        %div3A_832 = arith.constant 16 : i32
        %div3A_833 = arith.divsi %add3A_831, %div3A_832 : i32
        %rem3A_834 = arith.constant 16 : i32
        %rem3A_835 = arith.remsi %add3A_831, %rem3A_834 : i32
        %sub3A_836 = arith.constant 15 : i32
        %sub3A_837 = arith.subi %sub3A_836, %div3A_833 : i32
        %dma_start3A_838 = arith.constant 0 : i32
        %dma_start3A_839 = arith.constant 0 : i32
        %dma_start3A_840 = arith.constant 0 : i32
        %dma_start3A_841 = tpu.memref_slice %arg5[%add3A_831, %dma_start3A_838, %dma_start3A_839, %dma_start3A_840] : memref<256x16x8x128xf32, #tpu.memory_space<hbm>> -> memref<1x16x8x128xf32, #tpu.memory_space<hbm>>
        %dma_start3A_842 = tpu.memref_squeeze %dma_start3A_841 : memref<1x16x8x128xf32, #tpu.memory_space<hbm>> -> memref<16x8x128xf32, #tpu.memory_space<hbm>>
        %dma_start3A_843 = arith.constant 0 : i32
        %dma_start3A_844 = arith.constant 0 : i32
        %dma_start3A_845 = tpu.memref_slice %arg7[%rem3A_835, %sub3A_837, %dma_start3A_843, %dma_start3A_844] : memref<16x31x8x128xf32, #tpu.memory_space<vmem_shared>> -> memref<1x16x8x128xf32, #tpu.memory_space<vmem_shared>>
        %dma_start3A_846 = tpu.memref_squeeze %dma_start3A_845 : memref<1x16x8x128xf32, #tpu.memory_space<vmem_shared>> -> memref<16x8x128xf32, #tpu.memory_space<vmem_shared>>
        tpu.enqueue_dma source(%dma_start3A_846 : memref<16x8x128xf32, #tpu.memory_space<vmem_shared>>) target(%dma_start3A_842 : memref<16x8x128xf32, #tpu.memory_space<hbm>>) target_semaphore(%arg9 : memref<!tpu.dma_semaphore, #tpu.memory_space<semaphore_mem>>)
      } else {
      }
      %add3A_823 = arith.constant 2 : i32
      %add3A_824 = arith.addi %mul3A_2, %add3A_823 : i32
      %ge3A = arith.cmpi sge, %while3A_45, %add3A_824 : i32
      %convert_element_type3A_825 = arith.extui %ge3A : i1 to i32
      %cond3A_826 = arith.constant 0 : i32
      %cond3A_827 = arith.cmpi ne, %convert_element_type3A_825, %cond3A_826 : i32
      scf.if %cond3A_827 {
        %scan3A_829 = arith.constant 0 : i32
        %scan3A_830 = arith.constant 0 : i32
        %scan3A_831 = arith.constant 64 : i32
        %scan3A_832 = arith.addi %scan3A_830, %scan3A_831 : i32
        %scan3A_833 = arith.constant 8 : i32
        %scan3A_834 = scf.for %scan3A_836 = %scan3A_830 to %scan3A_832 step %scan3A_833 iter_args(%scan3A_837 = %scan3A_829) -> (i32)  : i32 {
          %dma_wait3A = arith.constant 0 : i32
          %dma_wait3A_838 = arith.constant 0 : i32
          %dma_wait3A_839 = arith.constant 0 : i32
          %dma_wait3A_840 = arith.constant 0 : i32
          %dma_wait3A_841 = arith.constant 0 : i32
          %dma_wait3A_842 = arith.constant 0 : i32
          %dma_wait3A_843 = tpu.memref_slice %arg4[%dma_wait3A_838, %dma_wait3A_839, %dma_wait3A_840, %dma_wait3A_841, %dma_wait3A_842] : memref<2048x4x16x8x128xf32, #tpu.memory_space<hbm>> -> memref<1x1x1x8x128xf32, #tpu.memory_space<hbm>>
          %dma_wait3A_844 = tpu.memref_squeeze %dma_wait3A_843 : memref<1x1x1x8x128xf32, #tpu.memory_space<hbm>> -> memref<8x128xf32, #tpu.memory_space<hbm>>
          %dma_wait3A_845 = arith.constant 0 : i32
          %dma_wait3A_846 = arith.constant 0 : i32
          %dma_wait3A_847 = tpu.memref_slice %arg6[%dma_wait3A, %dma_wait3A_845, %dma_wait3A_846] : memref<8x32x4096xf32, #tpu.memory_space<vmem_shared>> -> memref<1x8x128xf32, #tpu.memory_space<vmem_shared>>
          %dma_wait3A_848 = tpu.memref_squeeze %dma_wait3A_847 : memref<1x8x128xf32, #tpu.memory_space<vmem_shared>> -> memref<8x128xf32, #tpu.memory_space<vmem_shared>>
          tpu.wait_dma2 semaphore(%arg8 : memref<!tpu.dma_semaphore, #tpu.memory_space<semaphore_mem>>) src(%dma_wait3A_848 : memref<8x128xf32, #tpu.memory_space<vmem_shared>>) dst(%dma_wait3A_844 : memref<8x128xf32, #tpu.memory_space<hbm>>)
          %scan3A_849 = arith.constant 0 : i32
          %scan3A_850 = arith.constant 1 : i32
          %scan3A_851 = arith.addi %scan3A_836, %scan3A_850 : i32
          %dma_wait3A_852 = arith.constant 0 : i32
          %dma_wait3A_853 = arith.constant 0 : i32
          %dma_wait3A_854 = arith.constant 0 : i32
          %dma_wait3A_855 = arith.constant 0 : i32
          %dma_wait3A_856 = arith.constant 0 : i32
          %dma_wait3A_857 = arith.constant 0 : i32
          %dma_wait3A_858 = tpu.memref_slice %arg4[%dma_wait3A_853, %dma_wait3A_854, %dma_wait3A_855, %dma_wait3A_856, %dma_wait3A_857] : memref<2048x4x16x8x128xf32, #tpu.memory_space<hbm>> -> memref<1x1x1x8x128xf32, #tpu.memory_space<hbm>>
          %dma_wait3A_859 = tpu.memref_squeeze %dma_wait3A_858 : memref<1x1x1x8x128xf32, #tpu.memory_space<hbm>> -> memref<8x128xf32, #tpu.memory_space<hbm>>
          %dma_wait3A_860 = arith.constant 0 : i32
          %dma_wait3A_861 = arith.constant 0 : i32
          %dma_wait3A_862 = tpu.memref_slice %arg6[%dma_wait3A_852, %dma_wait3A_860, %dma_wait3A_861] : memref<8x32x4096xf32, #tpu.memory_space<vmem_shared>> -> memref<1x8x128xf32, #tpu.memory_space<vmem_shared>>
          %dma_wait3A_863 = tpu.memref_squeeze %dma_wait3A_862 : memref<1x8x128xf32, #tpu.memory_space<vmem_shared>> -> memref<8x128xf32, #tpu.memory_space<vmem_shared>>
          tpu.wait_dma2 semaphore(%arg8 : memref<!tpu.dma_semaphore, #tpu.memory_space<semaphore_mem>>) src(%dma_wait3A_863 : memref<8x128xf32, #tpu.memory_space<vmem_shared>>) dst(%dma_wait3A_859 : memref<8x128xf32, #tpu.memory_space<hbm>>)
          %scan3A_864 = arith.constant 0 : i32
          %scan3A_865 = arith.constant 2 : i32
          %scan3A_866 = arith.addi %scan3A_836, %scan3A_865 : i32
          %dma_wait3A_867 = arith.constant 0 : i32
          %dma_wait3A_868 = arith.constant 0 : i32
          %dma_wait3A_869 = arith.constant 0 : i32
          %dma_wait3A_870 = arith.constant 0 : i32
          %dma_wait3A_871 = arith.constant 0 : i32
          %dma_wait3A_872 = arith.constant 0 : i32
          %dma_wait3A_873 = tpu.memref_slice %arg4[%dma_wait3A_868, %dma_wait3A_869, %dma_wait3A_870, %dma_wait3A_871, %dma_wait3A_872] : memref<2048x4x16x8x128xf32, #tpu.memory_space<hbm>> -> memref<1x1x1x8x128xf32, #tpu.memory_space<hbm>>
          %dma_wait3A_874 = tpu.memref_squeeze %dma_wait3A_873 : memref<1x1x1x8x128xf32, #tpu.memory_space<hbm>> -> memref<8x128xf32, #tpu.memory_space<hbm>>
          %dma_wait3A_875 = arith.constant 0 : i32
          %dma_wait3A_876 = arith.constant 0 : i32
          %dma_wait3A_877 = tpu.memref_slice %arg6[%dma_wait3A_867, %dma_wait3A_875, %dma_wait3A_876] : memref<8x32x4096xf32, #tpu.memory_space<vmem_shared>> -> memref<1x8x128xf32, #tpu.memory_space<vmem_shared>>
          %dma_wait3A_878 = tpu.memref_squeeze %dma_wait3A_877 : memref<1x8x128xf32, #tpu.memory_space<vmem_shared>> -> memref<8x128xf32, #tpu.memory_space<vmem_shared>>
          tpu.wait_dma2 semaphore(%arg8 : memref<!tpu.dma_semaphore, #tpu.memory_space<semaphore_mem>>) src(%dma_wait3A_878 : memref<8x128xf32, #tpu.memory_space<vmem_shared>>) dst(%dma_wait3A_874 : memref<8x128xf32, #tpu.memory_space<hbm>>)
          %scan3A_879 = arith.constant 0 : i32
          %scan3A_880 = arith.constant 3 : i32
          %scan3A_881 = arith.addi %scan3A_836, %scan3A_880 : i32
          %dma_wait3A_882 = arith.constant 0 : i32
          %dma_wait3A_883 = arith.constant 0 : i32
          %dma_wait3A_884 = arith.constant 0 : i32
          %dma_wait3A_885 = arith.constant 0 : i32
          %dma_wait3A_886 = arith.constant 0 : i32
          %dma_wait3A_887 = arith.constant 0 : i32
          %dma_wait3A_888 = tpu.memref_slice %arg4[%dma_wait3A_883, %dma_wait3A_884, %dma_wait3A_885, %dma_wait3A_886, %dma_wait3A_887] : memref<2048x4x16x8x128xf32, #tpu.memory_space<hbm>> -> memref<1x1x1x8x128xf32, #tpu.memory_space<hbm>>
          %dma_wait3A_889 = tpu.memref_squeeze %dma_wait3A_888 : memref<1x1x1x8x128xf32, #tpu.memory_space<hbm>> -> memref<8x128xf32, #tpu.memory_space<hbm>>
          %dma_wait3A_890 = arith.constant 0 : i32
          %dma_wait3A_891 = arith.constant 0 : i32
          %dma_wait3A_892 = tpu.memref_slice %arg6[%dma_wait3A_882, %dma_wait3A_890, %dma_wait3A_891] : memref<8x32x4096xf32, #tpu.memory_space<vmem_shared>> -> memref<1x8x128xf32, #tpu.memory_space<vmem_shared>>
          %dma_wait3A_893 = tpu.memref_squeeze %dma_wait3A_892 : memref<1x8x128xf32, #tpu.memory_space<vmem_shared>> -> memref<8x128xf32, #tpu.memory_space<vmem_shared>>
          tpu.wait_dma2 semaphore(%arg8 : memref<!tpu.dma_semaphore, #tpu.memory_space<semaphore_mem>>) src(%dma_wait3A_893 : memref<8x128xf32, #tpu.memory_space<vmem_shared>>) dst(%dma_wait3A_889 : memref<8x128xf32, #tpu.memory_space<hbm>>)
          %scan3A_894 = arith.constant 0 : i32
          %scan3A_895 = arith.constant 4 : i32
          %scan3A_896 = arith.addi %scan3A_836, %scan3A_895 : i32
          %dma_wait3A_897 = arith.constant 0 : i32
          %dma_wait3A_898 = arith.constant 0 : i32
          %dma_wait3A_899 = arith.constant 0 : i32
          %dma_wait3A_900 = arith.constant 0 : i32
          %dma_wait3A_901 = arith.constant 0 : i32
          %dma_wait3A_902 = arith.constant 0 : i32
          %dma_wait3A_903 = tpu.memref_slice %arg4[%dma_wait3A_898, %dma_wait3A_899, %dma_wait3A_900, %dma_wait3A_901, %dma_wait3A_902] : memref<2048x4x16x8x128xf32, #tpu.memory_space<hbm>> -> memref<1x1x1x8x128xf32, #tpu.memory_space<hbm>>
          %dma_wait3A_904 = tpu.memref_squeeze %dma_wait3A_903 : memref<1x1x1x8x128xf32, #tpu.memory_space<hbm>> -> memref<8x128xf32, #tpu.memory_space<hbm>>
          %dma_wait3A_905 = arith.constant 0 : i32
          %dma_wait3A_906 = arith.constant 0 : i32
          %dma_wait3A_907 = tpu.memref_slice %arg6[%dma_wait3A_897, %dma_wait3A_905, %dma_wait3A_906] : memref<8x32x4096xf32, #tpu.memory_space<vmem_shared>> -> memref<1x8x128xf32, #tpu.memory_space<vmem_shared>>
          %dma_wait3A_908 = tpu.memref_squeeze %dma_wait3A_907 : memref<1x8x128xf32, #tpu.memory_space<vmem_shared>> -> memref<8x128xf32, #tpu.memory_space<vmem_shared>>
          tpu.wait_dma2 semaphore(%arg8 : memref<!tpu.dma_semaphore, #tpu.memory_space<semaphore_mem>>) src(%dma_wait3A_908 : memref<8x128xf32, #tpu.memory_space<vmem_shared>>) dst(%dma_wait3A_904 : memref<8x128xf32, #tpu.memory_space<hbm>>)
          %scan3A_909 = arith.constant 0 : i32
          %scan3A_910 = arith.constant 5 : i32
          %scan3A_911 = arith.addi %scan3A_836, %scan3A_910 : i32
          %dma_wait3A_912 = arith.constant 0 : i32
          %dma_wait3A_913 = arith.constant 0 : i32
          %dma_wait3A_914 = arith.constant 0 : i32
          %dma_wait3A_915 = arith.constant 0 : i32
          %dma_wait3A_916 = arith.constant 0 : i32
          %dma_wait3A_917 = arith.constant 0 : i32
          %dma_wait3A_918 = tpu.memref_slice %arg4[%dma_wait3A_913, %dma_wait3A_914, %dma_wait3A_915, %dma_wait3A_916, %dma_wait3A_917] : memref<2048x4x16x8x128xf32, #tpu.memory_space<hbm>> -> memref<1x1x1x8x128xf32, #tpu.memory_space<hbm>>
          %dma_wait3A_919 = tpu.memref_squeeze %dma_wait3A_918 : memref<1x1x1x8x128xf32, #tpu.memory_space<hbm>> -> memref<8x128xf32, #tpu.memory_space<hbm>>
          %dma_wait3A_920 = arith.constant 0 : i32
          %dma_wait3A_921 = arith.constant 0 : i32
          %dma_wait3A_922 = tpu.memref_slice %arg6[%dma_wait3A_912, %dma_wait3A_920, %dma_wait3A_921] : memref<8x32x4096xf32, #tpu.memory_space<vmem_shared>> -> memref<1x8x128xf32, #tpu.memory_space<vmem_shared>>
          %dma_wait3A_923 = tpu.memref_squeeze %dma_wait3A_922 : memref<1x8x128xf32, #tpu.memory_space<vmem_shared>> -> memref<8x128xf32, #tpu.memory_space<vmem_shared>>
          tpu.wait_dma2 semaphore(%arg8 : memref<!tpu.dma_semaphore, #tpu.memory_space<semaphore_mem>>) src(%dma_wait3A_923 : memref<8x128xf32, #tpu.memory_space<vmem_shared>>) dst(%dma_wait3A_919 : memref<8x128xf32, #tpu.memory_space<hbm>>)
          %scan3A_924 = arith.constant 0 : i32
          %scan3A_925 = arith.constant 6 : i32
          %scan3A_926 = arith.addi %scan3A_836, %scan3A_925 : i32
          %dma_wait3A_927 = arith.constant 0 : i32
          %dma_wait3A_928 = arith.constant 0 : i32
          %dma_wait3A_929 = arith.constant 0 : i32
          %dma_wait3A_930 = arith.constant 0 : i32
          %dma_wait3A_931 = arith.constant 0 : i32
          %dma_wait3A_932 = arith.constant 0 : i32
          %dma_wait3A_933 = tpu.memref_slice %arg4[%dma_wait3A_928, %dma_wait3A_929, %dma_wait3A_930, %dma_wait3A_931, %dma_wait3A_932] : memref<2048x4x16x8x128xf32, #tpu.memory_space<hbm>> -> memref<1x1x1x8x128xf32, #tpu.memory_space<hbm>>
          %dma_wait3A_934 = tpu.memref_squeeze %dma_wait3A_933 : memref<1x1x1x8x128xf32, #tpu.memory_space<hbm>> -> memref<8x128xf32, #tpu.memory_space<hbm>>
          %dma_wait3A_935 = arith.constant 0 : i32
          %dma_wait3A_936 = arith.constant 0 : i32
          %dma_wait3A_937 = tpu.memref_slice %arg6[%dma_wait3A_927, %dma_wait3A_935, %dma_wait3A_936] : memref<8x32x4096xf32, #tpu.memory_space<vmem_shared>> -> memref<1x8x128xf32, #tpu.memory_space<vmem_shared>>
          %dma_wait3A_938 = tpu.memref_squeeze %dma_wait3A_937 : memref<1x8x128xf32, #tpu.memory_space<vmem_shared>> -> memref<8x128xf32, #tpu.memory_space<vmem_shared>>
          tpu.wait_dma2 semaphore(%arg8 : memref<!tpu.dma_semaphore, #tpu.memory_space<semaphore_mem>>) src(%dma_wait3A_938 : memref<8x128xf32, #tpu.memory_space<vmem_shared>>) dst(%dma_wait3A_934 : memref<8x128xf32, #tpu.memory_space<hbm>>)
          %scan3A_939 = arith.constant 0 : i32
          %scan3A_940 = arith.constant 7 : i32
          %scan3A_941 = arith.addi %scan3A_836, %scan3A_940 : i32
          %dma_wait3A_942 = arith.constant 0 : i32
          %dma_wait3A_943 = arith.constant 0 : i32
          %dma_wait3A_944 = arith.constant 0 : i32
          %dma_wait3A_945 = arith.constant 0 : i32
          %dma_wait3A_946 = arith.constant 0 : i32
          %dma_wait3A_947 = arith.constant 0 : i32
          %dma_wait3A_948 = tpu.memref_slice %arg4[%dma_wait3A_943, %dma_wait3A_944, %dma_wait3A_945, %dma_wait3A_946, %dma_wait3A_947] : memref<2048x4x16x8x128xf32, #tpu.memory_space<hbm>> -> memref<1x1x1x8x128xf32, #tpu.memory_space<hbm>>
          %dma_wait3A_949 = tpu.memref_squeeze %dma_wait3A_948 : memref<1x1x1x8x128xf32, #tpu.memory_space<hbm>> -> memref<8x128xf32, #tpu.memory_space<hbm>>
          %dma_wait3A_950 = arith.constant 0 : i32
          %dma_wait3A_951 = arith.constant 0 : i32
          %dma_wait3A_952 = tpu.memref_slice %arg6[%dma_wait3A_942, %dma_wait3A_950, %dma_wait3A_951] : memref<8x32x4096xf32, #tpu.memory_space<vmem_shared>> -> memref<1x8x128xf32, #tpu.memory_space<vmem_shared>>
          %dma_wait3A_953 = tpu.memref_squeeze %dma_wait3A_952 : memref<1x8x128xf32, #tpu.memory_space<vmem_shared>> -> memref<8x128xf32, #tpu.memory_space<vmem_shared>>
          tpu.wait_dma2 semaphore(%arg8 : memref<!tpu.dma_semaphore, #tpu.memory_space<semaphore_mem>>) src(%dma_wait3A_953 : memref<8x128xf32, #tpu.memory_space<vmem_shared>>) dst(%dma_wait3A_949 : memref<8x128xf32, #tpu.memory_space<hbm>>)
          %scan3A_954 = arith.constant 0 : i32
          scf.yield %scan3A_954 : i32
        }
        %scan3A_835 = arith.constant 64 : i32
      } else {
      }
      %while3A_828 = arith.constant 0 : i32
      scf.yield %while3A_828 : i32
    }
    %while3A_17 = arith.constant 1 : i32
    %while3A_18 = scf.for %while3A_45 = %while3A_14 to %while3A_10 step %while3A_17 iter_args(%while3A_46 = %while3A_16) -> (i32)  : i32 {
      %sub3A = arith.constant 2047 : i32
      %sub3A_47 = arith.subi %sub3A, %while3A_45 : i32
      %rem3A = arith.constant 8 : i32
      %rem3A_48 = arith.remsi %sub3A_47, %rem3A : i32
      %sub3A_49 = arith.subi %sub3A_47, %rem3A_48 : i32
      %add3A_50 = arith.constant 0 : i32
      %add3A_51 = arith.addi %sub3A_49, %add3A_50 : i32
      %multiple_of3A = tpu.assume_multiple %add3A_51, 8 : i32
      %dma_start3A = arith.constant 0 : i32
      %dma_start3A_52 = arith.constant 0 : i32
      %dma_start3A_53 = arith.constant 0 : i32
      %dma_start3A_54 = arith.constant 0 : i32
      %dma_start3A_55 = tpu.memref_slice %arg4[%while3A_45, %dma_start3A, %dma_start3A_52, %dma_start3A_53, %dma_start3A_54] : memref<2048x4x16x8x128xf32, #tpu.memory_space<hbm>> -> memref<1x1x1x8x128xf32, #tpu.memory_space<hbm>>
      %dma_start3A_56 = tpu.memref_squeeze %dma_start3A_55 : memref<1x1x1x8x128xf32, #tpu.memory_space<hbm>> -> memref<8x128xf32, #tpu.memory_space<hbm>>
      %dma_start3A_57 = arith.constant 0 : i32
      %dma_start3A_58 = tpu.memref_slice %arg6[%rem3A_48, %dma_start3A_57, %multiple_of3A] : memref<8x32x4096xf32, #tpu.memory_space<vmem_shared>> -> memref<1x8x128xf32, #tpu.memory_space<vmem_shared>>
      %dma_start3A_59 = tpu.memref_squeeze %dma_start3A_58 : memref<1x8x128xf32, #tpu.memory_space<vmem_shared>> -> memref<8x128xf32, #tpu.memory_space<vmem_shared>>
      tpu.enqueue_dma source(%dma_start3A_59 : memref<8x128xf32, #tpu.memory_space<vmem_shared>>) target(%dma_start3A_56 : memref<8x128xf32, #tpu.memory_space<hbm>>) target_semaphore(%arg8 : memref<!tpu.dma_semaphore, #tpu.memory_space<semaphore_mem>>)
      %add3A_60 = arith.constant 128 : i32
      %add3A_61 = arith.addi %sub3A_49, %add3A_60 : i32
      %multiple_of3A_62 = tpu.assume_multiple %add3A_61, 8 : i32
      %dma_start3A_63 = arith.constant 0 : i32
      %dma_start3A_64 = arith.constant 1 : i32
      %dma_start3A_65 = arith.constant 0 : i32
      %dma_start3A_66 = arith.constant 0 : i32
      %dma_start3A_67 = tpu.memref_slice %arg4[%while3A_45, %dma_start3A_63, %dma_start3A_64, %dma_start3A_65, %dma_start3A_66] : memref<2048x4x16x8x128xf32, #tpu.memory_space<hbm>> -> memref<1x1x1x8x128xf32, #tpu.memory_space<hbm>>
      %dma_start3A_68 = tpu.memref_squeeze %dma_start3A_67 : memref<1x1x1x8x128xf32, #tpu.memory_space<hbm>> -> memref<8x128xf32, #tpu.memory_space<hbm>>
      %dma_start3A_69 = arith.constant 0 : i32
      %dma_start3A_70 = tpu.memref_slice %arg6[%rem3A_48, %dma_start3A_69, %multiple_of3A_62] : memref<8x32x4096xf32, #tpu.memory_space<vmem_shared>> -> memref<1x8x128xf32, #tpu.memory_space<vmem_shared>>
      %dma_start3A_71 = tpu.memref_squeeze %dma_start3A_70 : memref<1x8x128xf32, #tpu.memory_space<vmem_shared>> -> memref<8x128xf32, #tpu.memory_space<vmem_shared>>
      tpu.enqueue_dma source(%dma_start3A_71 : memref<8x128xf32, #tpu.memory_space<vmem_shared>>) target(%dma_start3A_68 : memref<8x128xf32, #tpu.memory_space<hbm>>) target_semaphore(%arg8 : memref<!tpu.dma_semaphore, #tpu.memory_space<semaphore_mem>>)
      %add3A_72 = arith.constant 256 : i32
      %add3A_73 = arith.addi %sub3A_49, %add3A_72 : i32
      %multiple_of3A_74 = tpu.assume_multiple %add3A_73, 8 : i32
      %dma_start3A_75 = arith.constant 0 : i32
      %dma_start3A_76 = arith.constant 2 : i32
      %dma_start3A_77 = arith.constant 0 : i32
      %dma_start3A_78 = arith.constant 0 : i32
      %dma_start3A_79 = tpu.memref_slice %arg4[%while3A_45, %dma_start3A_75, %dma_start3A_76, %dma_start3A_77, %dma_start3A_78] : memref<2048x4x16x8x128xf32, #tpu.memory_space<hbm>> -> memref<1x1x1x8x128xf32, #tpu.memory_space<hbm>>
      %dma_start3A_80 = tpu.memref_squeeze %dma_start3A_79 : memref<1x1x1x8x128xf32, #tpu.memory_space<hbm>> -> memref<8x128xf32, #tpu.memory_space<hbm>>
      %dma_start3A_81 = arith.constant 0 : i32
      %dma_start3A_82 = tpu.memref_slice %arg6[%rem3A_48, %dma_start3A_81, %multiple_of3A_74] : memref<8x32x4096xf32, #tpu.memory_space<vmem_shared>> -> memref<1x8x128xf32, #tpu.memory_space<vmem_shared>>
      %dma_start3A_83 = tpu.memref_squeeze %dma_start3A_82 : memref<1x8x128xf32, #tpu.memory_space<vmem_shared>> -> memref<8x128xf32, #tpu.memory_space<vmem_shared>>
      tpu.enqueue_dma source(%dma_start3A_83 : memref<8x128xf32, #tpu.memory_space<vmem_shared>>) target(%dma_start3A_80 : memref<8x128xf32, #tpu.memory_space<hbm>>) target_semaphore(%arg8 : memref<!tpu.dma_semaphore, #tpu.memory_space<semaphore_mem>>)
      %add3A_84 = arith.constant 384 : i32
      %add3A_85 = arith.addi %sub3A_49, %add3A_84 : i32
      %multiple_of3A_86 = tpu.assume_multiple %add3A_85, 8 : i32
      %dma_start3A_87 = arith.constant 0 : i32
      %dma_start3A_88 = arith.constant 3 : i32
      %dma_start3A_89 = arith.constant 0 : i32
      %dma_start3A_90 = arith.constant 0 : i32
      %dma_start3A_91 = tpu.memref_slice %arg4[%while3A_45, %dma_start3A_87, %dma_start3A_88, %dma_start3A_89, %dma_start3A_90] : memref<2048x4x16x8x128xf32, #tpu.memory_space<hbm>> -> memref<1x1x1x8x128xf32, #tpu.memory_space<hbm>>
      %dma_start3A_92 = tpu.memref_squeeze %dma_start3A_91 : memref<1x1x1x8x128xf32, #tpu.memory_space<hbm>> -> memref<8x128xf32, #tpu.memory_space<hbm>>
      %dma_start3A_93 = arith.constant 0 : i32
      %dma_start3A_94 = tpu.memref_slice %arg6[%rem3A_48, %dma_start3A_93, %multiple_of3A_86] : memref<8x32x4096xf32, #tpu.memory_space<vmem_shared>> -> memref<1x8x128xf32, #tpu.memory_space<vmem_shared>>
      %dma_start3A_95 = tpu.memref_squeeze %dma_start3A_94 : memref<1x8x128xf32, #tpu.memory_space<vmem_shared>> -> memref<8x128xf32, #tpu.memory_space<vmem_shared>>
      tpu.enqueue_dma source(%dma_start3A_95 : memref<8x128xf32, #tpu.memory_space<vmem_shared>>) target(%dma_start3A_92 : memref<8x128xf32, #tpu.memory_space<hbm>>) target_semaphore(%arg8 : memref<!tpu.dma_semaphore, #tpu.memory_space<semaphore_mem>>)
      %add3A_96 = arith.constant 512 : i32
      %add3A_97 = arith.addi %sub3A_49, %add3A_96 : i32
      %multiple_of3A_98 = tpu.assume_multiple %add3A_97, 8 : i32
      %dma_start3A_99 = arith.constant 0 : i32
      %dma_start3A_100 = arith.constant 4 : i32
      %dma_start3A_101 = arith.constant 0 : i32
      %dma_start3A_102 = arith.constant 0 : i32
      %dma_start3A_103 = tpu.memref_slice %arg4[%while3A_45, %dma_start3A_99, %dma_start3A_100, %dma_start3A_101, %dma_start3A_102] : memref<2048x4x16x8x128xf32, #tpu.memory_space<hbm>> -> memref<1x1x1x8x128xf32, #tpu.memory_space<hbm>>
      %dma_start3A_104 = tpu.memref_squeeze %dma_start3A_103 : memref<1x1x1x8x128xf32, #tpu.memory_space<hbm>> -> memref<8x128xf32, #tpu.memory_space<hbm>>
      %dma_start3A_105 = arith.constant 0 : i32
      %dma_start3A_106 = tpu.memref_slice %arg6[%rem3A_48, %dma_start3A_105, %multiple_of3A_98] : memref<8x32x4096xf32, #tpu.memory_space<vmem_shared>> -> memref<1x8x128xf32, #tpu.memory_space<vmem_shared>>
      %dma_start3A_107 = tpu.memref_squeeze %dma_start3A_106 : memref<1x8x128xf32, #tpu.memory_space<vmem_shared>> -> memref<8x128xf32, #tpu.memory_space<vmem_shared>>
      tpu.enqueue_dma source(%dma_start3A_107 : memref<8x128xf32, #tpu.memory_space<vmem_shared>>) target(%dma_start3A_104 : memref<8x128xf32, #tpu.memory_space<hbm>>) target_semaphore(%arg8 : memref<!tpu.dma_semaphore, #tpu.memory_space<semaphore_mem>>)
      %add3A_108 = arith.constant 640 : i32
      %add3A_109 = arith.addi %sub3A_49, %add3A_108 : i32
      %multiple_of3A_110 = tpu.assume_multiple %add3A_109, 8 : i32
      %dma_start3A_111 = arith.constant 0 : i32
      %dma_start3A_112 = arith.constant 5 : i32
      %dma_start3A_113 = arith.constant 0 : i32
      %dma_start3A_114 = arith.constant 0 : i32
      %dma_start3A_115 = tpu.memref_slice %arg4[%while3A_45, %dma_start3A_111, %dma_start3A_112, %dma_start3A_113, %dma_start3A_114] : memref<2048x4x16x8x128xf32, #tpu.memory_space<hbm>> -> memref<1x1x1x8x128xf32, #tpu.memory_space<hbm>>
      %dma_start3A_116 = tpu.memref_squeeze %dma_start3A_115 : memref<1x1x1x8x128xf32, #tpu.memory_space<hbm>> -> memref<8x128xf32, #tpu.memory_space<hbm>>
      %dma_start3A_117 = arith.constant 0 : i32
      %dma_start3A_118 = tpu.memref_slice %arg6[%rem3A_48, %dma_start3A_117, %multiple_of3A_110] : memref<8x32x4096xf32, #tpu.memory_space<vmem_shared>> -> memref<1x8x128xf32, #tpu.memory_space<vmem_shared>>
      %dma_start3A_119 = tpu.memref_squeeze %dma_start3A_118 : memref<1x8x128xf32, #tpu.memory_space<vmem_shared>> -> memref<8x128xf32, #tpu.memory_space<vmem_shared>>
      tpu.enqueue_dma source(%dma_start3A_119 : memref<8x128xf32, #tpu.memory_space<vmem_shared>>) target(%dma_start3A_116 : memref<8x128xf32, #tpu.memory_space<hbm>>) target_semaphore(%arg8 : memref<!tpu.dma_semaphore, #tpu.memory_space<semaphore_mem>>)
      %add3A_120 = arith.constant 768 : i32
      %add3A_121 = arith.addi %sub3A_49, %add3A_120 : i32
      %multiple_of3A_122 = tpu.assume_multiple %add3A_121, 8 : i32
      %dma_start3A_123 = arith.constant 0 : i32
      %dma_start3A_124 = arith.constant 6 : i32
      %dma_start3A_125 = arith.constant 0 : i32
      %dma_start3A_126 = arith.constant 0 : i32
      %dma_start3A_127 = tpu.memref_slice %arg4[%while3A_45, %dma_start3A_123, %dma_start3A_124, %dma_start3A_125, %dma_start3A_126] : memref<2048x4x16x8x128xf32, #tpu.memory_space<hbm>> -> memref<1x1x1x8x128xf32, #tpu.memory_space<hbm>>
      %dma_start3A_128 = tpu.memref_squeeze %dma_start3A_127 : memref<1x1x1x8x128xf32, #tpu.memory_space<hbm>> -> memref<8x128xf32, #tpu.memory_space<hbm>>
      %dma_start3A_129 = arith.constant 0 : i32
      %dma_start3A_130 = tpu.memref_slice %arg6[%rem3A_48, %dma_start3A_129, %multiple_of3A_122] : memref<8x32x4096xf32, #tpu.memory_space<vmem_shared>> -> memref<1x8x128xf32, #tpu.memory_space<vmem_shared>>
      %dma_start3A_131 = tpu.memref_squeeze %dma_start3A_130 : memref<1x8x128xf32, #tpu.memory_space<vmem_shared>> -> memref<8x128xf32, #tpu.memory_space<vmem_shared>>
      tpu.enqueue_dma source(%dma_start3A_131 : memref<8x128xf32, #tpu.memory_space<vmem_shared>>) target(%dma_start3A_128 : memref<8x128xf32, #tpu.memory_space<hbm>>) target_semaphore(%arg8 : memref<!tpu.dma_semaphore, #tpu.memory_space<semaphore_mem>>)
      %add3A_132 = arith.constant 896 : i32
      %add3A_133 = arith.addi %sub3A_49, %add3A_132 : i32
      %multiple_of3A_134 = tpu.assume_multiple %add3A_133, 8 : i32
      %dma_start3A_135 = arith.constant 0 : i32
      %dma_start3A_136 = arith.constant 7 : i32
      %dma_start3A_137 = arith.constant 0 : i32
      %dma_start3A_138 = arith.constant 0 : i32
      %dma_start3A_139 = tpu.memref_slice %arg4[%while3A_45, %dma_start3A_135, %dma_start3A_136, %dma_start3A_137, %dma_start3A_138] : memref<2048x4x16x8x128xf32, #tpu.memory_space<hbm>> -> memref<1x1x1x8x128xf32, #tpu.memory_space<hbm>>
      %dma_start3A_140 = tpu.memref_squeeze %dma_start3A_139 : memref<1x1x1x8x128xf32, #tpu.memory_space<hbm>> -> memref<8x128xf32, #tpu.memory_space<hbm>>
      %dma_start3A_141 = arith.constant 0 : i32
      %dma_start3A_142 = tpu.memref_slice %arg6[%rem3A_48, %dma_start3A_141, %multiple_of3A_134] : memref<8x32x4096xf32, #tpu.memory_space<vmem_shared>> -> memref<1x8x128xf32, #tpu.memory_space<vmem_shared>>
      %dma_start3A_143 = tpu.memref_squeeze %dma_start3A_142 : memref<1x8x128xf32, #tpu.memory_space<vmem_shared>> -> memref<8x128xf32, #tpu.memory_space<vmem_shared>>
      tpu.enqueue_dma source(%dma_start3A_143 : memref<8x128xf32, #tpu.memory_space<vmem_shared>>) target(%dma_start3A_140 : memref<8x128xf32, #tpu.memory_space<hbm>>) target_semaphore(%arg8 : memref<!tpu.dma_semaphore, #tpu.memory_space<semaphore_mem>>)
      %add3A_144 = arith.constant 1024 : i32
      %add3A_145 = arith.addi %sub3A_49, %add3A_144 : i32
      %multiple_of3A_146 = tpu.assume_multiple %add3A_145, 8 : i32
      %dma_start3A_147 = arith.constant 0 : i32
      %dma_start3A_148 = arith.constant 8 : i32
      %dma_start3A_149 = arith.constant 0 : i32
      %dma_start3A_150 = arith.constant 0 : i32
      %dma_start3A_151 = tpu.memref_slice %arg4[%while3A_45, %dma_start3A_147, %dma_start3A_148, %dma_start3A_149, %dma_start3A_150] : memref<2048x4x16x8x128xf32, #tpu.memory_space<hbm>> -> memref<1x1x1x8x128xf32, #tpu.memory_space<hbm>>
      %dma_start3A_152 = tpu.memref_squeeze %dma_start3A_151 : memref<1x1x1x8x128xf32, #tpu.memory_space<hbm>> -> memref<8x128xf32, #tpu.memory_space<hbm>>
      %dma_start3A_153 = arith.constant 0 : i32
      %dma_start3A_154 = tpu.memref_slice %arg6[%rem3A_48, %dma_start3A_153, %multiple_of3A_146] : memref<8x32x4096xf32, #tpu.memory_space<vmem_shared>> -> memref<1x8x128xf32, #tpu.memory_space<vmem_shared>>
      %dma_start3A_155 = tpu.memref_squeeze %dma_start3A_154 : memref<1x8x128xf32, #tpu.memory_space<vmem_shared>> -> memref<8x128xf32, #tpu.memory_space<vmem_shared>>
      tpu.enqueue_dma source(%dma_start3A_155 : memref<8x128xf32, #tpu.memory_space<vmem_shared>>) target(%dma_start3A_152 : memref<8x128xf32, #tpu.memory_space<hbm>>) target_semaphore(%arg8 : memref<!tpu.dma_semaphore, #tpu.memory_space<semaphore_mem>>)
      %add3A_156 = arith.constant 1152 : i32
      %add3A_157 = arith.addi %sub3A_49, %add3A_156 : i32
      %multiple_of3A_158 = tpu.assume_multiple %add3A_157, 8 : i32
      %dma_start3A_159 = arith.constant 0 : i32
      %dma_start3A_160 = arith.constant 9 : i32
      %dma_start3A_161 = arith.constant 0 : i32
      %dma_start3A_162 = arith.constant 0 : i32
      %dma_start3A_163 = tpu.memref_slice %arg4[%while3A_45, %dma_start3A_159, %dma_start3A_160, %dma_start3A_161, %dma_start3A_162] : memref<2048x4x16x8x128xf32, #tpu.memory_space<hbm>> -> memref<1x1x1x8x128xf32, #tpu.memory_space<hbm>>
      %dma_start3A_164 = tpu.memref_squeeze %dma_start3A_163 : memref<1x1x1x8x128xf32, #tpu.memory_space<hbm>> -> memref<8x128xf32, #tpu.memory_space<hbm>>
      %dma_start3A_165 = arith.constant 0 : i32
      %dma_start3A_166 = tpu.memref_slice %arg6[%rem3A_48, %dma_start3A_165, %multiple_of3A_158] : memref<8x32x4096xf32, #tpu.memory_space<vmem_shared>> -> memref<1x8x128xf32, #tpu.memory_space<vmem_shared>>
      %dma_start3A_167 = tpu.memref_squeeze %dma_start3A_166 : memref<1x8x128xf32, #tpu.memory_space<vmem_shared>> -> memref<8x128xf32, #tpu.memory_space<vmem_shared>>
      tpu.enqueue_dma source(%dma_start3A_167 : memref<8x128xf32, #tpu.memory_space<vmem_shared>>) target(%dma_start3A_164 : memref<8x128xf32, #tpu.memory_space<hbm>>) target_semaphore(%arg8 : memref<!tpu.dma_semaphore, #tpu.memory_space<semaphore_mem>>)
      %add3A_168 = arith.constant 1280 : i32
      %add3A_169 = arith.addi %sub3A_49, %add3A_168 : i32
      %multiple_of3A_170 = tpu.assume_multiple %add3A_169, 8 : i32
      %dma_start3A_171 = arith.constant 0 : i32
      %dma_start3A_172 = arith.constant 10 : i32
      %dma_start3A_173 = arith.constant 0 : i32
      %dma_start3A_174 = arith.constant 0 : i32
      %dma_start3A_175 = tpu.memref_slice %arg4[%while3A_45, %dma_start3A_171, %dma_start3A_172, %dma_start3A_173, %dma_start3A_174] : memref<2048x4x16x8x128xf32, #tpu.memory_space<hbm>> -> memref<1x1x1x8x128xf32, #tpu.memory_space<hbm>>
      %dma_start3A_176 = tpu.memref_squeeze %dma_start3A_175 : memref<1x1x1x8x128xf32, #tpu.memory_space<hbm>> -> memref<8x128xf32, #tpu.memory_space<hbm>>
      %dma_start3A_177 = arith.constant 0 : i32
      %dma_start3A_178 = tpu.memref_slice %arg6[%rem3A_48, %dma_start3A_177, %multiple_of3A_170] : memref<8x32x4096xf32, #tpu.memory_space<vmem_shared>> -> memref<1x8x128xf32, #tpu.memory_space<vmem_shared>>
      %dma_start3A_179 = tpu.memref_squeeze %dma_start3A_178 : memref<1x8x128xf32, #tpu.memory_space<vmem_shared>> -> memref<8x128xf32, #tpu.memory_space<vmem_shared>>
      tpu.enqueue_dma source(%dma_start3A_179 : memref<8x128xf32, #tpu.memory_space<vmem_shared>>) target(%dma_start3A_176 : memref<8x128xf32, #tpu.memory_space<hbm>>) target_semaphore(%arg8 : memref<!tpu.dma_semaphore, #tpu.memory_space<semaphore_mem>>)
      %add3A_180 = arith.constant 1408 : i32
      %add3A_181 = arith.addi %sub3A_49, %add3A_180 : i32
      %multiple_of3A_182 = tpu.assume_multiple %add3A_181, 8 : i32
      %dma_start3A_183 = arith.constant 0 : i32
      %dma_start3A_184 = arith.constant 11 : i32
      %dma_start3A_185 = arith.constant 0 : i32
      %dma_start3A_186 = arith.constant 0 : i32
      %dma_start3A_187 = tpu.memref_slice %arg4[%while3A_45, %dma_start3A_183, %dma_start3A_184, %dma_start3A_185, %dma_start3A_186] : memref<2048x4x16x8x128xf32, #tpu.memory_space<hbm>> -> memref<1x1x1x8x128xf32, #tpu.memory_space<hbm>>
      %dma_start3A_188 = tpu.memref_squeeze %dma_start3A_187 : memref<1x1x1x8x128xf32, #tpu.memory_space<hbm>> -> memref<8x128xf32, #tpu.memory_space<hbm>>
      %dma_start3A_189 = arith.constant 0 : i32
      %dma_start3A_190 = tpu.memref_slice %arg6[%rem3A_48, %dma_start3A_189, %multiple_of3A_182] : memref<8x32x4096xf32, #tpu.memory_space<vmem_shared>> -> memref<1x8x128xf32, #tpu.memory_space<vmem_shared>>
      %dma_start3A_191 = tpu.memref_squeeze %dma_start3A_190 : memref<1x8x128xf32, #tpu.memory_space<vmem_shared>> -> memref<8x128xf32, #tpu.memory_space<vmem_shared>>
      tpu.enqueue_dma source(%dma_start3A_191 : memref<8x128xf32, #tpu.memory_space<vmem_shared>>) target(%dma_start3A_188 : memref<8x128xf32, #tpu.memory_space<hbm>>) target_semaphore(%arg8 : memref<!tpu.dma_semaphore, #tpu.memory_space<semaphore_mem>>)
      %add3A_192 = arith.constant 1536 : i32
      %add3A_193 = arith.addi %sub3A_49, %add3A_192 : i32
      %multiple_of3A_194 = tpu.assume_multiple %add3A_193, 8 : i32
      %dma_start3A_195 = arith.constant 0 : i32
      %dma_start3A_196 = arith.constant 12 : i32
      %dma_start3A_197 = arith.constant 0 : i32
      %dma_start3A_198 = arith.constant 0 : i32
      %dma_start3A_199 = tpu.memref_slice %arg4[%while3A_45, %dma_start3A_195, %dma_start3A_196, %dma_start3A_197, %dma_start3A_198] : memref<2048x4x16x8x128xf32, #tpu.memory_space<hbm>> -> memref<1x1x1x8x128xf32, #tpu.memory_space<hbm>>
      %dma_start3A_200 = tpu.memref_squeeze %dma_start3A_199 : memref<1x1x1x8x128xf32, #tpu.memory_space<hbm>> -> memref<8x128xf32, #tpu.memory_space<hbm>>
      %dma_start3A_201 = arith.constant 0 : i32
      %dma_start3A_202 = tpu.memref_slice %arg6[%rem3A_48, %dma_start3A_201, %multiple_of3A_194] : memref<8x32x4096xf32, #tpu.memory_space<vmem_shared>> -> memref<1x8x128xf32, #tpu.memory_space<vmem_shared>>
      %dma_start3A_203 = tpu.memref_squeeze %dma_start3A_202 : memref<1x8x128xf32, #tpu.memory_space<vmem_shared>> -> memref<8x128xf32, #tpu.memory_space<vmem_shared>>
      tpu.enqueue_dma source(%dma_start3A_203 : memref<8x128xf32, #tpu.memory_space<vmem_shared>>) target(%dma_start3A_200 : memref<8x128xf32, #tpu.memory_space<hbm>>) target_semaphore(%arg8 : memref<!tpu.dma_semaphore, #tpu.memory_space<semaphore_mem>>)
      %add3A_204 = arith.constant 1664 : i32
      %add3A_205 = arith.addi %sub3A_49, %add3A_204 : i32
      %multiple_of3A_206 = tpu.assume_multiple %add3A_205, 8 : i32
      %dma_start3A_207 = arith.constant 0 : i32
      %dma_start3A_208 = arith.constant 13 : i32
      %dma_start3A_209 = arith.constant 0 : i32
      %dma_start3A_210 = arith.constant 0 : i32
      %dma_start3A_211 = tpu.memref_slice %arg4[%while3A_45, %dma_start3A_207, %dma_start3A_208, %dma_start3A_209, %dma_start3A_210] : memref<2048x4x16x8x128xf32, #tpu.memory_space<hbm>> -> memref<1x1x1x8x128xf32, #tpu.memory_space<hbm>>
      %dma_start3A_212 = tpu.memref_squeeze %dma_start3A_211 : memref<1x1x1x8x128xf32, #tpu.memory_space<hbm>> -> memref<8x128xf32, #tpu.memory_space<hbm>>
      %dma_start3A_213 = arith.constant 0 : i32
      %dma_start3A_214 = tpu.memref_slice %arg6[%rem3A_48, %dma_start3A_213, %multiple_of3A_206] : memref<8x32x4096xf32, #tpu.memory_space<vmem_shared>> -> memref<1x8x128xf32, #tpu.memory_space<vmem_shared>>
      %dma_start3A_215 = tpu.memref_squeeze %dma_start3A_214 : memref<1x8x128xf32, #tpu.memory_space<vmem_shared>> -> memref<8x128xf32, #tpu.memory_space<vmem_shared>>
      tpu.enqueue_dma source(%dma_start3A_215 : memref<8x128xf32, #tpu.memory_space<vmem_shared>>) target(%dma_start3A_212 : memref<8x128xf32, #tpu.memory_space<hbm>>) target_semaphore(%arg8 : memref<!tpu.dma_semaphore, #tpu.memory_space<semaphore_mem>>)
      %add3A_216 = arith.constant 1792 : i32
      %add3A_217 = arith.addi %sub3A_49, %add3A_216 : i32
      %multiple_of3A_218 = tpu.assume_multiple %add3A_217, 8 : i32
      %dma_start3A_219 = arith.constant 0 : i32
      %dma_start3A_220 = arith.constant 14 : i32
      %dma_start3A_221 = arith.constant 0 : i32
      %dma_start3A_222 = arith.constant 0 : i32
      %dma_start3A_223 = tpu.memref_slice %arg4[%while3A_45, %dma_start3A_219, %dma_start3A_220, %dma_start3A_221, %dma_start3A_222] : memref<2048x4x16x8x128xf32, #tpu.memory_space<hbm>> -> memref<1x1x1x8x128xf32, #tpu.memory_space<hbm>>
      %dma_start3A_224 = tpu.memref_squeeze %dma_start3A_223 : memref<1x1x1x8x128xf32, #tpu.memory_space<hbm>> -> memref<8x128xf32, #tpu.memory_space<hbm>>
      %dma_start3A_225 = arith.constant 0 : i32
      %dma_start3A_226 = tpu.memref_slice %arg6[%rem3A_48, %dma_start3A_225, %multiple_of3A_218] : memref<8x32x4096xf32, #tpu.memory_space<vmem_shared>> -> memref<1x8x128xf32, #tpu.memory_space<vmem_shared>>
      %dma_start3A_227 = tpu.memref_squeeze %dma_start3A_226 : memref<1x8x128xf32, #tpu.memory_space<vmem_shared>> -> memref<8x128xf32, #tpu.memory_space<vmem_shared>>
      tpu.enqueue_dma source(%dma_start3A_227 : memref<8x128xf32, #tpu.memory_space<vmem_shared>>) target(%dma_start3A_224 : memref<8x128xf32, #tpu.memory_space<hbm>>) target_semaphore(%arg8 : memref<!tpu.dma_semaphore, #tpu.memory_space<semaphore_mem>>)
      %add3A_228 = arith.constant 1920 : i32
      %add3A_229 = arith.addi %sub3A_49, %add3A_228 : i32
      %multiple_of3A_230 = tpu.assume_multiple %add3A_229, 8 : i32
      %dma_start3A_231 = arith.constant 0 : i32
      %dma_start3A_232 = arith.constant 15 : i32
      %dma_start3A_233 = arith.constant 0 : i32
      %dma_start3A_234 = arith.constant 0 : i32
      %dma_start3A_235 = tpu.memref_slice %arg4[%while3A_45, %dma_start3A_231, %dma_start3A_232, %dma_start3A_233, %dma_start3A_234] : memref<2048x4x16x8x128xf32, #tpu.memory_space<hbm>> -> memref<1x1x1x8x128xf32, #tpu.memory_space<hbm>>
      %dma_start3A_236 = tpu.memref_squeeze %dma_start3A_235 : memref<1x1x1x8x128xf32, #tpu.memory_space<hbm>> -> memref<8x128xf32, #tpu.memory_space<hbm>>
      %dma_start3A_237 = arith.constant 0 : i32
      %dma_start3A_238 = tpu.memref_slice %arg6[%rem3A_48, %dma_start3A_237, %multiple_of3A_230] : memref<8x32x4096xf32, #tpu.memory_space<vmem_shared>> -> memref<1x8x128xf32, #tpu.memory_space<vmem_shared>>
      %dma_start3A_239 = tpu.memref_squeeze %dma_start3A_238 : memref<1x8x128xf32, #tpu.memory_space<vmem_shared>> -> memref<8x128xf32, #tpu.memory_space<vmem_shared>>
      tpu.enqueue_dma source(%dma_start3A_239 : memref<8x128xf32, #tpu.memory_space<vmem_shared>>) target(%dma_start3A_236 : memref<8x128xf32, #tpu.memory_space<hbm>>) target_semaphore(%arg8 : memref<!tpu.dma_semaphore, #tpu.memory_space<semaphore_mem>>)
      %add3A_240 = arith.constant 0 : i32
      %add3A_241 = arith.addi %sub3A_49, %add3A_240 : i32
      %multiple_of3A_242 = tpu.assume_multiple %add3A_241, 8 : i32
      %dma_start3A_243 = arith.constant 1 : i32
      %dma_start3A_244 = arith.constant 0 : i32
      %dma_start3A_245 = arith.constant 0 : i32
      %dma_start3A_246 = arith.constant 0 : i32
      %dma_start3A_247 = tpu.memref_slice %arg4[%while3A_45, %dma_start3A_243, %dma_start3A_244, %dma_start3A_245, %dma_start3A_246] : memref<2048x4x16x8x128xf32, #tpu.memory_space<hbm>> -> memref<1x1x1x8x128xf32, #tpu.memory_space<hbm>>
      %dma_start3A_248 = tpu.memref_squeeze %dma_start3A_247 : memref<1x1x1x8x128xf32, #tpu.memory_space<hbm>> -> memref<8x128xf32, #tpu.memory_space<hbm>>
      %dma_start3A_249 = arith.constant 8 : i32
      %dma_start3A_250 = tpu.memref_slice %arg6[%rem3A_48, %dma_start3A_249, %multiple_of3A_242] : memref<8x32x4096xf32, #tpu.memory_space<vmem_shared>> -> memref<1x8x128xf32, #tpu.memory_space<vmem_shared>>
      %dma_start3A_251 = tpu.memref_squeeze %dma_start3A_250 : memref<1x8x128xf32, #tpu.memory_space<vmem_shared>> -> memref<8x128xf32, #tpu.memory_space<vmem_shared>>
      tpu.enqueue_dma source(%dma_start3A_251 : memref<8x128xf32, #tpu.memory_space<vmem_shared>>) target(%dma_start3A_248 : memref<8x128xf32, #tpu.memory_space<hbm>>) target_semaphore(%arg8 : memref<!tpu.dma_semaphore, #tpu.memory_space<semaphore_mem>>)
      %add3A_252 = arith.constant 128 : i32
      %add3A_253 = arith.addi %sub3A_49, %add3A_252 : i32
      %multiple_of3A_254 = tpu.assume_multiple %add3A_253, 8 : i32
      %dma_start3A_255 = arith.constant 1 : i32
      %dma_start3A_256 = arith.constant 1 : i32
      %dma_start3A_257 = arith.constant 0 : i32
      %dma_start3A_258 = arith.constant 0 : i32
      %dma_start3A_259 = tpu.memref_slice %arg4[%while3A_45, %dma_start3A_255, %dma_start3A_256, %dma_start3A_257, %dma_start3A_258] : memref<2048x4x16x8x128xf32, #tpu.memory_space<hbm>> -> memref<1x1x1x8x128xf32, #tpu.memory_space<hbm>>
      %dma_start3A_260 = tpu.memref_squeeze %dma_start3A_259 : memref<1x1x1x8x128xf32, #tpu.memory_space<hbm>> -> memref<8x128xf32, #tpu.memory_space<hbm>>
      %dma_start3A_261 = arith.constant 8 : i32
      %dma_start3A_262 = tpu.memref_slice %arg6[%rem3A_48, %dma_start3A_261, %multiple_of3A_254] : memref<8x32x4096xf32, #tpu.memory_space<vmem_shared>> -> memref<1x8x128xf32, #tpu.memory_space<vmem_shared>>
      %dma_start3A_263 = tpu.memref_squeeze %dma_start3A_262 : memref<1x8x128xf32, #tpu.memory_space<vmem_shared>> -> memref<8x128xf32, #tpu.memory_space<vmem_shared>>
      tpu.enqueue_dma source(%dma_start3A_263 : memref<8x128xf32, #tpu.memory_space<vmem_shared>>) target(%dma_start3A_260 : memref<8x128xf32, #tpu.memory_space<hbm>>) target_semaphore(%arg8 : memref<!tpu.dma_semaphore, #tpu.memory_space<semaphore_mem>>)
      %add3A_264 = arith.constant 256 : i32
      %add3A_265 = arith.addi %sub3A_49, %add3A_264 : i32
      %multiple_of3A_266 = tpu.assume_multiple %add3A_265, 8 : i32
      %dma_start3A_267 = arith.constant 1 : i32
      %dma_start3A_268 = arith.constant 2 : i32
      %dma_start3A_269 = arith.constant 0 : i32
      %dma_start3A_270 = arith.constant 0 : i32
      %dma_start3A_271 = tpu.memref_slice %arg4[%while3A_45, %dma_start3A_267, %dma_start3A_268, %dma_start3A_269, %dma_start3A_270] : memref<2048x4x16x8x128xf32, #tpu.memory_space<hbm>> -> memref<1x1x1x8x128xf32, #tpu.memory_space<hbm>>
      %dma_start3A_272 = tpu.memref_squeeze %dma_start3A_271 : memref<1x1x1x8x128xf32, #tpu.memory_space<hbm>> -> memref<8x128xf32, #tpu.memory_space<hbm>>
      %dma_start3A_273 = arith.constant 8 : i32
      %dma_start3A_274 = tpu.memref_slice %arg6[%rem3A_48, %dma_start3A_273, %multiple_of3A_266] : memref<8x32x4096xf32, #tpu.memory_space<vmem_shared>> -> memref<1x8x128xf32, #tpu.memory_space<vmem_shared>>
      %dma_start3A_275 = tpu.memref_squeeze %dma_start3A_274 : memref<1x8x128xf32, #tpu.memory_space<vmem_shared>> -> memref<8x128xf32, #tpu.memory_space<vmem_shared>>
      tpu.enqueue_dma source(%dma_start3A_275 : memref<8x128xf32, #tpu.memory_space<vmem_shared>>) target(%dma_start3A_272 : memref<8x128xf32, #tpu.memory_space<hbm>>) target_semaphore(%arg8 : memref<!tpu.dma_semaphore, #tpu.memory_space<semaphore_mem>>)
      %add3A_276 = arith.constant 384 : i32
      %add3A_277 = arith.addi %sub3A_49, %add3A_276 : i32
      %multiple_of3A_278 = tpu.assume_multiple %add3A_277, 8 : i32
      %dma_start3A_279 = arith.constant 1 : i32
      %dma_start3A_280 = arith.constant 3 : i32
      %dma_start3A_281 = arith.constant 0 : i32
      %dma_start3A_282 = arith.constant 0 : i32
      %dma_start3A_283 = tpu.memref_slice %arg4[%while3A_45, %dma_start3A_279, %dma_start3A_280, %dma_start3A_281, %dma_start3A_282] : memref<2048x4x16x8x128xf32, #tpu.memory_space<hbm>> -> memref<1x1x1x8x128xf32, #tpu.memory_space<hbm>>
      %dma_start3A_284 = tpu.memref_squeeze %dma_start3A_283 : memref<1x1x1x8x128xf32, #tpu.memory_space<hbm>> -> memref<8x128xf32, #tpu.memory_space<hbm>>
      %dma_start3A_285 = arith.constant 8 : i32
      %dma_start3A_286 = tpu.memref_slice %arg6[%rem3A_48, %dma_start3A_285, %multiple_of3A_278] : memref<8x32x4096xf32, #tpu.memory_space<vmem_shared>> -> memref<1x8x128xf32, #tpu.memory_space<vmem_shared>>
      %dma_start3A_287 = tpu.memref_squeeze %dma_start3A_286 : memref<1x8x128xf32, #tpu.memory_space<vmem_shared>> -> memref<8x128xf32, #tpu.memory_space<vmem_shared>>
      tpu.enqueue_dma source(%dma_start3A_287 : memref<8x128xf32, #tpu.memory_space<vmem_shared>>) target(%dma_start3A_284 : memref<8x128xf32, #tpu.memory_space<hbm>>) target_semaphore(%arg8 : memref<!tpu.dma_semaphore, #tpu.memory_space<semaphore_mem>>)
      %add3A_288 = arith.constant 512 : i32
      %add3A_289 = arith.addi %sub3A_49, %add3A_288 : i32
      %multiple_of3A_290 = tpu.assume_multiple %add3A_289, 8 : i32
      %dma_start3A_291 = arith.constant 1 : i32
      %dma_start3A_292 = arith.constant 4 : i32
      %dma_start3A_293 = arith.constant 0 : i32
      %dma_start3A_294 = arith.constant 0 : i32
      %dma_start3A_295 = tpu.memref_slice %arg4[%while3A_45, %dma_start3A_291, %dma_start3A_292, %dma_start3A_293, %dma_start3A_294] : memref<2048x4x16x8x128xf32, #tpu.memory_space<hbm>> -> memref<1x1x1x8x128xf32, #tpu.memory_space<hbm>>
      %dma_start3A_296 = tpu.memref_squeeze %dma_start3A_295 : memref<1x1x1x8x128xf32, #tpu.memory_space<hbm>> -> memref<8x128xf32, #tpu.memory_space<hbm>>
      %dma_start3A_297 = arith.constant 8 : i32
      %dma_start3A_298 = tpu.memref_slice %arg6[%rem3A_48, %dma_start3A_297, %multiple_of3A_290] : memref<8x32x4096xf32, #tpu.memory_space<vmem_shared>> -> memref<1x8x128xf32, #tpu.memory_space<vmem_shared>>
      %dma_start3A_299 = tpu.memref_squeeze %dma_start3A_298 : memref<1x8x128xf32, #tpu.memory_space<vmem_shared>> -> memref<8x128xf32, #tpu.memory_space<vmem_shared>>
      tpu.enqueue_dma source(%dma_start3A_299 : memref<8x128xf32, #tpu.memory_space<vmem_shared>>) target(%dma_start3A_296 : memref<8x128xf32, #tpu.memory_space<hbm>>) target_semaphore(%arg8 : memref<!tpu.dma_semaphore, #tpu.memory_space<semaphore_mem>>)
      %add3A_300 = arith.constant 640 : i32
      %add3A_301 = arith.addi %sub3A_49, %add3A_300 : i32
      %multiple_of3A_302 = tpu.assume_multiple %add3A_301, 8 : i32
      %dma_start3A_303 = arith.constant 1 : i32
      %dma_start3A_304 = arith.constant 5 : i32
      %dma_start3A_305 = arith.constant 0 : i32
      %dma_start3A_306 = arith.constant 0 : i32
      %dma_start3A_307 = tpu.memref_slice %arg4[%while3A_45, %dma_start3A_303, %dma_start3A_304, %dma_start3A_305, %dma_start3A_306] : memref<2048x4x16x8x128xf32, #tpu.memory_space<hbm>> -> memref<1x1x1x8x128xf32, #tpu.memory_space<hbm>>
      %dma_start3A_308 = tpu.memref_squeeze %dma_start3A_307 : memref<1x1x1x8x128xf32, #tpu.memory_space<hbm>> -> memref<8x128xf32, #tpu.memory_space<hbm>>
      %dma_start3A_309 = arith.constant 8 : i32
      %dma_start3A_310 = tpu.memref_slice %arg6[%rem3A_48, %dma_start3A_309, %multiple_of3A_302] : memref<8x32x4096xf32, #tpu.memory_space<vmem_shared>> -> memref<1x8x128xf32, #tpu.memory_space<vmem_shared>>
      %dma_start3A_311 = tpu.memref_squeeze %dma_start3A_310 : memref<1x8x128xf32, #tpu.memory_space<vmem_shared>> -> memref<8x128xf32, #tpu.memory_space<vmem_shared>>
      tpu.enqueue_dma source(%dma_start3A_311 : memref<8x128xf32, #tpu.memory_space<vmem_shared>>) target(%dma_start3A_308 : memref<8x128xf32, #tpu.memory_space<hbm>>) target_semaphore(%arg8 : memref<!tpu.dma_semaphore, #tpu.memory_space<semaphore_mem>>)
      %add3A_312 = arith.constant 768 : i32
      %add3A_313 = arith.addi %sub3A_49, %add3A_312 : i32
      %multiple_of3A_314 = tpu.assume_multiple %add3A_313, 8 : i32
      %dma_start3A_315 = arith.constant 1 : i32
      %dma_start3A_316 = arith.constant 6 : i32
      %dma_start3A_317 = arith.constant 0 : i32
      %dma_start3A_318 = arith.constant 0 : i32
      %dma_start3A_319 = tpu.memref_slice %arg4[%while3A_45, %dma_start3A_315, %dma_start3A_316, %dma_start3A_317, %dma_start3A_318] : memref<2048x4x16x8x128xf32, #tpu.memory_space<hbm>> -> memref<1x1x1x8x128xf32, #tpu.memory_space<hbm>>
      %dma_start3A_320 = tpu.memref_squeeze %dma_start3A_319 : memref<1x1x1x8x128xf32, #tpu.memory_space<hbm>> -> memref<8x128xf32, #tpu.memory_space<hbm>>
      %dma_start3A_321 = arith.constant 8 : i32
      %dma_start3A_322 = tpu.memref_slice %arg6[%rem3A_48, %dma_start3A_321, %multiple_of3A_314] : memref<8x32x4096xf32, #tpu.memory_space<vmem_shared>> -> memref<1x8x128xf32, #tpu.memory_space<vmem_shared>>
      %dma_start3A_323 = tpu.memref_squeeze %dma_start3A_322 : memref<1x8x128xf32, #tpu.memory_space<vmem_shared>> -> memref<8x128xf32, #tpu.memory_space<vmem_shared>>
      tpu.enqueue_dma source(%dma_start3A_323 : memref<8x128xf32, #tpu.memory_space<vmem_shared>>) target(%dma_start3A_320 : memref<8x128xf32, #tpu.memory_space<hbm>>) target_semaphore(%arg8 : memref<!tpu.dma_semaphore, #tpu.memory_space<semaphore_mem>>)
      %add3A_324 = arith.constant 896 : i32
      %add3A_325 = arith.addi %sub3A_49, %add3A_324 : i32
      %multiple_of3A_326 = tpu.assume_multiple %add3A_325, 8 : i32
      %dma_start3A_327 = arith.constant 1 : i32
      %dma_start3A_328 = arith.constant 7 : i32
      %dma_start3A_329 = arith.constant 0 : i32
      %dma_start3A_330 = arith.constant 0 : i32
      %dma_start3A_331 = tpu.memref_slice %arg4[%while3A_45, %dma_start3A_327, %dma_start3A_328, %dma_start3A_329, %dma_start3A_330] : memref<2048x4x16x8x128xf32, #tpu.memory_space<hbm>> -> memref<1x1x1x8x128xf32, #tpu.memory_space<hbm>>
      %dma_start3A_332 = tpu.memref_squeeze %dma_start3A_331 : memref<1x1x1x8x128xf32, #tpu.memory_space<hbm>> -> memref<8x128xf32, #tpu.memory_space<hbm>>
      %dma_start3A_333 = arith.constant 8 : i32
      %dma_start3A_334 = tpu.memref_slice %arg6[%rem3A_48, %dma_start3A_333, %multiple_of3A_326] : memref<8x32x4096xf32, #tpu.memory_space<vmem_shared>> -> memref<1x8x128xf32, #tpu.memory_space<vmem_shared>>
      %dma_start3A_335 = tpu.memref_squeeze %dma_start3A_334 : memref<1x8x128xf32, #tpu.memory_space<vmem_shared>> -> memref<8x128xf32, #tpu.memory_space<vmem_shared>>
      tpu.enqueue_dma source(%dma_start3A_335 : memref<8x128xf32, #tpu.memory_space<vmem_shared>>) target(%dma_start3A_332 : memref<8x128xf32, #tpu.memory_space<hbm>>) target_semaphore(%arg8 : memref<!tpu.dma_semaphore, #tpu.memory_space<semaphore_mem>>)
      %add3A_336 = arith.constant 1024 : i32
      %add3A_337 = arith.addi %sub3A_49, %add3A_336 : i32
      %multiple_of3A_338 = tpu.assume_multiple %add3A_337, 8 : i32
      %dma_start3A_339 = arith.constant 1 : i32
      %dma_start3A_340 = arith.constant 8 : i32
      %dma_start3A_341 = arith.constant 0 : i32
      %dma_start3A_342 = arith.constant 0 : i32
      %dma_start3A_343 = tpu.memref_slice %arg4[%while3A_45, %dma_start3A_339, %dma_start3A_340, %dma_start3A_341, %dma_start3A_342] : memref<2048x4x16x8x128xf32, #tpu.memory_space<hbm>> -> memref<1x1x1x8x128xf32, #tpu.memory_space<hbm>>
      %dma_start3A_344 = tpu.memref_squeeze %dma_start3A_343 : memref<1x1x1x8x128xf32, #tpu.memory_space<hbm>> -> memref<8x128xf32, #tpu.memory_space<hbm>>
      %dma_start3A_345 = arith.constant 8 : i32
      %dma_start3A_346 = tpu.memref_slice %arg6[%rem3A_48, %dma_start3A_345, %multiple_of3A_338] : memref<8x32x4096xf32, #tpu.memory_space<vmem_shared>> -> memref<1x8x128xf32, #tpu.memory_space<vmem_shared>>
      %dma_start3A_347 = tpu.memref_squeeze %dma_start3A_346 : memref<1x8x128xf32, #tpu.memory_space<vmem_shared>> -> memref<8x128xf32, #tpu.memory_space<vmem_shared>>
      tpu.enqueue_dma source(%dma_start3A_347 : memref<8x128xf32, #tpu.memory_space<vmem_shared>>) target(%dma_start3A_344 : memref<8x128xf32, #tpu.memory_space<hbm>>) target_semaphore(%arg8 : memref<!tpu.dma_semaphore, #tpu.memory_space<semaphore_mem>>)
      %add3A_348 = arith.constant 1152 : i32
      %add3A_349 = arith.addi %sub3A_49, %add3A_348 : i32
      %multiple_of3A_350 = tpu.assume_multiple %add3A_349, 8 : i32
      %dma_start3A_351 = arith.constant 1 : i32
      %dma_start3A_352 = arith.constant 9 : i32
      %dma_start3A_353 = arith.constant 0 : i32
      %dma_start3A_354 = arith.constant 0 : i32
      %dma_start3A_355 = tpu.memref_slice %arg4[%while3A_45, %dma_start3A_351, %dma_start3A_352, %dma_start3A_353, %dma_start3A_354] : memref<2048x4x16x8x128xf32, #tpu.memory_space<hbm>> -> memref<1x1x1x8x128xf32, #tpu.memory_space<hbm>>
      %dma_start3A_356 = tpu.memref_squeeze %dma_start3A_355 : memref<1x1x1x8x128xf32, #tpu.memory_space<hbm>> -> memref<8x128xf32, #tpu.memory_space<hbm>>
      %dma_start3A_357 = arith.constant 8 : i32
      %dma_start3A_358 = tpu.memref_slice %arg6[%rem3A_48, %dma_start3A_357, %multiple_of3A_350] : memref<8x32x4096xf32, #tpu.memory_space<vmem_shared>> -> memref<1x8x128xf32, #tpu.memory_space<vmem_shared>>
      %dma_start3A_359 = tpu.memref_squeeze %dma_start3A_358 : memref<1x8x128xf32, #tpu.memory_space<vmem_shared>> -> memref<8x128xf32, #tpu.memory_space<vmem_shared>>
      tpu.enqueue_dma source(%dma_start3A_359 : memref<8x128xf32, #tpu.memory_space<vmem_shared>>) target(%dma_start3A_356 : memref<8x128xf32, #tpu.memory_space<hbm>>) target_semaphore(%arg8 : memref<!tpu.dma_semaphore, #tpu.memory_space<semaphore_mem>>)
      %add3A_360 = arith.constant 1280 : i32
      %add3A_361 = arith.addi %sub3A_49, %add3A_360 : i32
      %multiple_of3A_362 = tpu.assume_multiple %add3A_361, 8 : i32
      %dma_start3A_363 = arith.constant 1 : i32
      %dma_start3A_364 = arith.constant 10 : i32
      %dma_start3A_365 = arith.constant 0 : i32
      %dma_start3A_366 = arith.constant 0 : i32
      %dma_start3A_367 = tpu.memref_slice %arg4[%while3A_45, %dma_start3A_363, %dma_start3A_364, %dma_start3A_365, %dma_start3A_366] : memref<2048x4x16x8x128xf32, #tpu.memory_space<hbm>> -> memref<1x1x1x8x128xf32, #tpu.memory_space<hbm>>
      %dma_start3A_368 = tpu.memref_squeeze %dma_start3A_367 : memref<1x1x1x8x128xf32, #tpu.memory_space<hbm>> -> memref<8x128xf32, #tpu.memory_space<hbm>>
      %dma_start3A_369 = arith.constant 8 : i32
      %dma_start3A_370 = tpu.memref_slice %arg6[%rem3A_48, %dma_start3A_369, %multiple_of3A_362] : memref<8x32x4096xf32, #tpu.memory_space<vmem_shared>> -> memref<1x8x128xf32, #tpu.memory_space<vmem_shared>>
      %dma_start3A_371 = tpu.memref_squeeze %dma_start3A_370 : memref<1x8x128xf32, #tpu.memory_space<vmem_shared>> -> memref<8x128xf32, #tpu.memory_space<vmem_shared>>
      tpu.enqueue_dma source(%dma_start3A_371 : memref<8x128xf32, #tpu.memory_space<vmem_shared>>) target(%dma_start3A_368 : memref<8x128xf32, #tpu.memory_space<hbm>>) target_semaphore(%arg8 : memref<!tpu.dma_semaphore, #tpu.memory_space<semaphore_mem>>)
      %add3A_372 = arith.constant 1408 : i32
      %add3A_373 = arith.addi %sub3A_49, %add3A_372 : i32
      %multiple_of3A_374 = tpu.assume_multiple %add3A_373, 8 : i32
      %dma_start3A_375 = arith.constant 1 : i32
      %dma_start3A_376 = arith.constant 11 : i32
      %dma_start3A_377 = arith.constant 0 : i32
      %dma_start3A_378 = arith.constant 0 : i32
      %dma_start3A_379 = tpu.memref_slice %arg4[%while3A_45, %dma_start3A_375, %dma_start3A_376, %dma_start3A_377, %dma_start3A_378] : memref<2048x4x16x8x128xf32, #tpu.memory_space<hbm>> -> memref<1x1x1x8x128xf32, #tpu.memory_space<hbm>>
      %dma_start3A_380 = tpu.memref_squeeze %dma_start3A_379 : memref<1x1x1x8x128xf32, #tpu.memory_space<hbm>> -> memref<8x128xf32, #tpu.memory_space<hbm>>
      %dma_start3A_381 = arith.constant 8 : i32
      %dma_start3A_382 = tpu.memref_slice %arg6[%rem3A_48, %dma_start3A_381, %multiple_of3A_374] : memref<8x32x4096xf32, #tpu.memory_space<vmem_shared>> -> memref<1x8x128xf32, #tpu.memory_space<vmem_shared>>
      %dma_start3A_383 = tpu.memref_squeeze %dma_start3A_382 : memref<1x8x128xf32, #tpu.memory_space<vmem_shared>> -> memref<8x128xf32, #tpu.memory_space<vmem_shared>>
      tpu.enqueue_dma source(%dma_start3A_383 : memref<8x128xf32, #tpu.memory_space<vmem_shared>>) target(%dma_start3A_380 : memref<8x128xf32, #tpu.memory_space<hbm>>) target_semaphore(%arg8 : memref<!tpu.dma_semaphore, #tpu.memory_space<semaphore_mem>>)
      %add3A_384 = arith.constant 1536 : i32
      %add3A_385 = arith.addi %sub3A_49, %add3A_384 : i32
      %multiple_of3A_386 = tpu.assume_multiple %add3A_385, 8 : i32
      %dma_start3A_387 = arith.constant 1 : i32
      %dma_start3A_388 = arith.constant 12 : i32
      %dma_start3A_389 = arith.constant 0 : i32
      %dma_start3A_390 = arith.constant 0 : i32
      %dma_start3A_391 = tpu.memref_slice %arg4[%while3A_45, %dma_start3A_387, %dma_start3A_388, %dma_start3A_389, %dma_start3A_390] : memref<2048x4x16x8x128xf32, #tpu.memory_space<hbm>> -> memref<1x1x1x8x128xf32, #tpu.memory_space<hbm>>
      %dma_start3A_392 = tpu.memref_squeeze %dma_start3A_391 : memref<1x1x1x8x128xf32, #tpu.memory_space<hbm>> -> memref<8x128xf32, #tpu.memory_space<hbm>>
      %dma_start3A_393 = arith.constant 8 : i32
      %dma_start3A_394 = tpu.memref_slice %arg6[%rem3A_48, %dma_start3A_393, %multiple_of3A_386] : memref<8x32x4096xf32, #tpu.memory_space<vmem_shared>> -> memref<1x8x128xf32, #tpu.memory_space<vmem_shared>>
      %dma_start3A_395 = tpu.memref_squeeze %dma_start3A_394 : memref<1x8x128xf32, #tpu.memory_space<vmem_shared>> -> memref<8x128xf32, #tpu.memory_space<vmem_shared>>
      tpu.enqueue_dma source(%dma_start3A_395 : memref<8x128xf32, #tpu.memory_space<vmem_shared>>) target(%dma_start3A_392 : memref<8x128xf32, #tpu.memory_space<hbm>>) target_semaphore(%arg8 : memref<!tpu.dma_semaphore, #tpu.memory_space<semaphore_mem>>)
      %add3A_396 = arith.constant 1664 : i32
      %add3A_397 = arith.addi %sub3A_49, %add3A_396 : i32
      %multiple_of3A_398 = tpu.assume_multiple %add3A_397, 8 : i32
      %dma_start3A_399 = arith.constant 1 : i32
      %dma_start3A_400 = arith.constant 13 : i32
      %dma_start3A_401 = arith.constant 0 : i32
      %dma_start3A_402 = arith.constant 0 : i32
      %dma_start3A_403 = tpu.memref_slice %arg4[%while3A_45, %dma_start3A_399, %dma_start3A_400, %dma_start3A_401, %dma_start3A_402] : memref<2048x4x16x8x128xf32, #tpu.memory_space<hbm>> -> memref<1x1x1x8x128xf32, #tpu.memory_space<hbm>>
      %dma_start3A_404 = tpu.memref_squeeze %dma_start3A_403 : memref<1x1x1x8x128xf32, #tpu.memory_space<hbm>> -> memref<8x128xf32, #tpu.memory_space<hbm>>
      %dma_start3A_405 = arith.constant 8 : i32
      %dma_start3A_406 = tpu.memref_slice %arg6[%rem3A_48, %dma_start3A_405, %multiple_of3A_398] : memref<8x32x4096xf32, #tpu.memory_space<vmem_shared>> -> memref<1x8x128xf32, #tpu.memory_space<vmem_shared>>
      %dma_start3A_407 = tpu.memref_squeeze %dma_start3A_406 : memref<1x8x128xf32, #tpu.memory_space<vmem_shared>> -> memref<8x128xf32, #tpu.memory_space<vmem_shared>>
      tpu.enqueue_dma source(%dma_start3A_407 : memref<8x128xf32, #tpu.memory_space<vmem_shared>>) target(%dma_start3A_404 : memref<8x128xf32, #tpu.memory_space<hbm>>) target_semaphore(%arg8 : memref<!tpu.dma_semaphore, #tpu.memory_space<semaphore_mem>>)
      %add3A_408 = arith.constant 1792 : i32
      %add3A_409 = arith.addi %sub3A_49, %add3A_408 : i32
      %multiple_of3A_410 = tpu.assume_multiple %add3A_409, 8 : i32
      %dma_start3A_411 = arith.constant 1 : i32
      %dma_start3A_412 = arith.constant 14 : i32
      %dma_start3A_413 = arith.constant 0 : i32
      %dma_start3A_414 = arith.constant 0 : i32
      %dma_start3A_415 = tpu.memref_slice %arg4[%while3A_45, %dma_start3A_411, %dma_start3A_412, %dma_start3A_413, %dma_start3A_414] : memref<2048x4x16x8x128xf32, #tpu.memory_space<hbm>> -> memref<1x1x1x8x128xf32, #tpu.memory_space<hbm>>
      %dma_start3A_416 = tpu.memref_squeeze %dma_start3A_415 : memref<1x1x1x8x128xf32, #tpu.memory_space<hbm>> -> memref<8x128xf32, #tpu.memory_space<hbm>>
      %dma_start3A_417 = arith.constant 8 : i32
      %dma_start3A_418 = tpu.memref_slice %arg6[%rem3A_48, %dma_start3A_417, %multiple_of3A_410] : memref<8x32x4096xf32, #tpu.memory_space<vmem_shared>> -> memref<1x8x128xf32, #tpu.memory_space<vmem_shared>>
      %dma_start3A_419 = tpu.memref_squeeze %dma_start3A_418 : memref<1x8x128xf32, #tpu.memory_space<vmem_shared>> -> memref<8x128xf32, #tpu.memory_space<vmem_shared>>
      tpu.enqueue_dma source(%dma_start3A_419 : memref<8x128xf32, #tpu.memory_space<vmem_shared>>) target(%dma_start3A_416 : memref<8x128xf32, #tpu.memory_space<hbm>>) target_semaphore(%arg8 : memref<!tpu.dma_semaphore, #tpu.memory_space<semaphore_mem>>)
      %add3A_420 = arith.constant 1920 : i32
      %add3A_421 = arith.addi %sub3A_49, %add3A_420 : i32
      %multiple_of3A_422 = tpu.assume_multiple %add3A_421, 8 : i32
      %dma_start3A_423 = arith.constant 1 : i32
      %dma_start3A_424 = arith.constant 15 : i32
      %dma_start3A_425 = arith.constant 0 : i32
      %dma_start3A_426 = arith.constant 0 : i32
      %dma_start3A_427 = tpu.memref_slice %arg4[%while3A_45, %dma_start3A_423, %dma_start3A_424, %dma_start3A_425, %dma_start3A_426] : memref<2048x4x16x8x128xf32, #tpu.memory_space<hbm>> -> memref<1x1x1x8x128xf32, #tpu.memory_space<hbm>>
      %dma_start3A_428 = tpu.memref_squeeze %dma_start3A_427 : memref<1x1x1x8x128xf32, #tpu.memory_space<hbm>> -> memref<8x128xf32, #tpu.memory_space<hbm>>
      %dma_start3A_429 = arith.constant 8 : i32
      %dma_start3A_430 = tpu.memref_slice %arg6[%rem3A_48, %dma_start3A_429, %multiple_of3A_422] : memref<8x32x4096xf32, #tpu.memory_space<vmem_shared>> -> memref<1x8x128xf32, #tpu.memory_space<vmem_shared>>
      %dma_start3A_431 = tpu.memref_squeeze %dma_start3A_430 : memref<1x8x128xf32, #tpu.memory_space<vmem_shared>> -> memref<8x128xf32, #tpu.memory_space<vmem_shared>>
      tpu.enqueue_dma source(%dma_start3A_431 : memref<8x128xf32, #tpu.memory_space<vmem_shared>>) target(%dma_start3A_428 : memref<8x128xf32, #tpu.memory_space<hbm>>) target_semaphore(%arg8 : memref<!tpu.dma_semaphore, #tpu.memory_space<semaphore_mem>>)
      %add3A_432 = arith.constant 0 : i32
      %add3A_433 = arith.addi %sub3A_49, %add3A_432 : i32
      %multiple_of3A_434 = tpu.assume_multiple %add3A_433, 8 : i32
      %dma_start3A_435 = arith.constant 2 : i32
      %dma_start3A_436 = arith.constant 0 : i32
      %dma_start3A_437 = arith.constant 0 : i32
      %dma_start3A_438 = arith.constant 0 : i32
      %dma_start3A_439 = tpu.memref_slice %arg4[%while3A_45, %dma_start3A_435, %dma_start3A_436, %dma_start3A_437, %dma_start3A_438] : memref<2048x4x16x8x128xf32, #tpu.memory_space<hbm>> -> memref<1x1x1x8x128xf32, #tpu.memory_space<hbm>>
      %dma_start3A_440 = tpu.memref_squeeze %dma_start3A_439 : memref<1x1x1x8x128xf32, #tpu.memory_space<hbm>> -> memref<8x128xf32, #tpu.memory_space<hbm>>
      %dma_start3A_441 = arith.constant 16 : i32
      %dma_start3A_442 = tpu.memref_slice %arg6[%rem3A_48, %dma_start3A_441, %multiple_of3A_434] : memref<8x32x4096xf32, #tpu.memory_space<vmem_shared>> -> memref<1x8x128xf32, #tpu.memory_space<vmem_shared>>
      %dma_start3A_443 = tpu.memref_squeeze %dma_start3A_442 : memref<1x8x128xf32, #tpu.memory_space<vmem_shared>> -> memref<8x128xf32, #tpu.memory_space<vmem_shared>>
      tpu.enqueue_dma source(%dma_start3A_443 : memref<8x128xf32, #tpu.memory_space<vmem_shared>>) target(%dma_start3A_440 : memref<8x128xf32, #tpu.memory_space<hbm>>) target_semaphore(%arg8 : memref<!tpu.dma_semaphore, #tpu.memory_space<semaphore_mem>>)
      %add3A_444 = arith.constant 128 : i32
      %add3A_445 = arith.addi %sub3A_49, %add3A_444 : i32
      %multiple_of3A_446 = tpu.assume_multiple %add3A_445, 8 : i32
      %dma_start3A_447 = arith.constant 2 : i32
      %dma_start3A_448 = arith.constant 1 : i32
      %dma_start3A_449 = arith.constant 0 : i32
      %dma_start3A_450 = arith.constant 0 : i32
      %dma_start3A_451 = tpu.memref_slice %arg4[%while3A_45, %dma_start3A_447, %dma_start3A_448, %dma_start3A_449, %dma_start3A_450] : memref<2048x4x16x8x128xf32, #tpu.memory_space<hbm>> -> memref<1x1x1x8x128xf32, #tpu.memory_space<hbm>>
      %dma_start3A_452 = tpu.memref_squeeze %dma_start3A_451 : memref<1x1x1x8x128xf32, #tpu.memory_space<hbm>> -> memref<8x128xf32, #tpu.memory_space<hbm>>
      %dma_start3A_453 = arith.constant 16 : i32
      %dma_start3A_454 = tpu.memref_slice %arg6[%rem3A_48, %dma_start3A_453, %multiple_of3A_446] : memref<8x32x4096xf32, #tpu.memory_space<vmem_shared>> -> memref<1x8x128xf32, #tpu.memory_space<vmem_shared>>
      %dma_start3A_455 = tpu.memref_squeeze %dma_start3A_454 : memref<1x8x128xf32, #tpu.memory_space<vmem_shared>> -> memref<8x128xf32, #tpu.memory_space<vmem_shared>>
      tpu.enqueue_dma source(%dma_start3A_455 : memref<8x128xf32, #tpu.memory_space<vmem_shared>>) target(%dma_start3A_452 : memref<8x128xf32, #tpu.memory_space<hbm>>) target_semaphore(%arg8 : memref<!tpu.dma_semaphore, #tpu.memory_space<semaphore_mem>>)
      %add3A_456 = arith.constant 256 : i32
      %add3A_457 = arith.addi %sub3A_49, %add3A_456 : i32
      %multiple_of3A_458 = tpu.assume_multiple %add3A_457, 8 : i32
      %dma_start3A_459 = arith.constant 2 : i32
      %dma_start3A_460 = arith.constant 2 : i32
      %dma_start3A_461 = arith.constant 0 : i32
      %dma_start3A_462 = arith.constant 0 : i32
      %dma_start3A_463 = tpu.memref_slice %arg4[%while3A_45, %dma_start3A_459, %dma_start3A_460, %dma_start3A_461, %dma_start3A_462] : memref<2048x4x16x8x128xf32, #tpu.memory_space<hbm>> -> memref<1x1x1x8x128xf32, #tpu.memory_space<hbm>>
      %dma_start3A_464 = tpu.memref_squeeze %dma_start3A_463 : memref<1x1x1x8x128xf32, #tpu.memory_space<hbm>> -> memref<8x128xf32, #tpu.memory_space<hbm>>
      %dma_start3A_465 = arith.constant 16 : i32
      %dma_start3A_466 = tpu.memref_slice %arg6[%rem3A_48, %dma_start3A_465, %multiple_of3A_458] : memref<8x32x4096xf32, #tpu.memory_space<vmem_shared>> -> memref<1x8x128xf32, #tpu.memory_space<vmem_shared>>
      %dma_start3A_467 = tpu.memref_squeeze %dma_start3A_466 : memref<1x8x128xf32, #tpu.memory_space<vmem_shared>> -> memref<8x128xf32, #tpu.memory_space<vmem_shared>>
      tpu.enqueue_dma source(%dma_start3A_467 : memref<8x128xf32, #tpu.memory_space<vmem_shared>>) target(%dma_start3A_464 : memref<8x128xf32, #tpu.memory_space<hbm>>) target_semaphore(%arg8 : memref<!tpu.dma_semaphore, #tpu.memory_space<semaphore_mem>>)
      %add3A_468 = arith.constant 384 : i32
      %add3A_469 = arith.addi %sub3A_49, %add3A_468 : i32
      %multiple_of3A_470 = tpu.assume_multiple %add3A_469, 8 : i32
      %dma_start3A_471 = arith.constant 2 : i32
      %dma_start3A_472 = arith.constant 3 : i32
      %dma_start3A_473 = arith.constant 0 : i32
      %dma_start3A_474 = arith.constant 0 : i32
      %dma_start3A_475 = tpu.memref_slice %arg4[%while3A_45, %dma_start3A_471, %dma_start3A_472, %dma_start3A_473, %dma_start3A_474] : memref<2048x4x16x8x128xf32, #tpu.memory_space<hbm>> -> memref<1x1x1x8x128xf32, #tpu.memory_space<hbm>>
      %dma_start3A_476 = tpu.memref_squeeze %dma_start3A_475 : memref<1x1x1x8x128xf32, #tpu.memory_space<hbm>> -> memref<8x128xf32, #tpu.memory_space<hbm>>
      %dma_start3A_477 = arith.constant 16 : i32
      %dma_start3A_478 = tpu.memref_slice %arg6[%rem3A_48, %dma_start3A_477, %multiple_of3A_470] : memref<8x32x4096xf32, #tpu.memory_space<vmem_shared>> -> memref<1x8x128xf32, #tpu.memory_space<vmem_shared>>
      %dma_start3A_479 = tpu.memref_squeeze %dma_start3A_478 : memref<1x8x128xf32, #tpu.memory_space<vmem_shared>> -> memref<8x128xf32, #tpu.memory_space<vmem_shared>>
      tpu.enqueue_dma source(%dma_start3A_479 : memref<8x128xf32, #tpu.memory_space<vmem_shared>>) target(%dma_start3A_476 : memref<8x128xf32, #tpu.memory_space<hbm>>) target_semaphore(%arg8 : memref<!tpu.dma_semaphore, #tpu.memory_space<semaphore_mem>>)
      %add3A_480 = arith.constant 512 : i32
      %add3A_481 = arith.addi %sub3A_49, %add3A_480 : i32
      %multiple_of3A_482 = tpu.assume_multiple %add3A_481, 8 : i32
      %dma_start3A_483 = arith.constant 2 : i32
      %dma_start3A_484 = arith.constant 4 : i32
      %dma_start3A_485 = arith.constant 0 : i32
      %dma_start3A_486 = arith.constant 0 : i32
      %dma_start3A_487 = tpu.memref_slice %arg4[%while3A_45, %dma_start3A_483, %dma_start3A_484, %dma_start3A_485, %dma_start3A_486] : memref<2048x4x16x8x128xf32, #tpu.memory_space<hbm>> -> memref<1x1x1x8x128xf32, #tpu.memory_space<hbm>>
      %dma_start3A_488 = tpu.memref_squeeze %dma_start3A_487 : memref<1x1x1x8x128xf32, #tpu.memory_space<hbm>> -> memref<8x128xf32, #tpu.memory_space<hbm>>
      %dma_start3A_489 = arith.constant 16 : i32
      %dma_start3A_490 = tpu.memref_slice %arg6[%rem3A_48, %dma_start3A_489, %multiple_of3A_482] : memref<8x32x4096xf32, #tpu.memory_space<vmem_shared>> -> memref<1x8x128xf32, #tpu.memory_space<vmem_shared>>
      %dma_start3A_491 = tpu.memref_squeeze %dma_start3A_490 : memref<1x8x128xf32, #tpu.memory_space<vmem_shared>> -> memref<8x128xf32, #tpu.memory_space<vmem_shared>>
      tpu.enqueue_dma source(%dma_start3A_491 : memref<8x128xf32, #tpu.memory_space<vmem_shared>>) target(%dma_start3A_488 : memref<8x128xf32, #tpu.memory_space<hbm>>) target_semaphore(%arg8 : memref<!tpu.dma_semaphore, #tpu.memory_space<semaphore_mem>>)
      %add3A_492 = arith.constant 640 : i32
      %add3A_493 = arith.addi %sub3A_49, %add3A_492 : i32
      %multiple_of3A_494 = tpu.assume_multiple %add3A_493, 8 : i32
      %dma_start3A_495 = arith.constant 2 : i32
      %dma_start3A_496 = arith.constant 5 : i32
      %dma_start3A_497 = arith.constant 0 : i32
      %dma_start3A_498 = arith.constant 0 : i32
      %dma_start3A_499 = tpu.memref_slice %arg4[%while3A_45, %dma_start3A_495, %dma_start3A_496, %dma_start3A_497, %dma_start3A_498] : memref<2048x4x16x8x128xf32, #tpu.memory_space<hbm>> -> memref<1x1x1x8x128xf32, #tpu.memory_space<hbm>>
      %dma_start3A_500 = tpu.memref_squeeze %dma_start3A_499 : memref<1x1x1x8x128xf32, #tpu.memory_space<hbm>> -> memref<8x128xf32, #tpu.memory_space<hbm>>
      %dma_start3A_501 = arith.constant 16 : i32
      %dma_start3A_502 = tpu.memref_slice %arg6[%rem3A_48, %dma_start3A_501, %multiple_of3A_494] : memref<8x32x4096xf32, #tpu.memory_space<vmem_shared>> -> memref<1x8x128xf32, #tpu.memory_space<vmem_shared>>
      %dma_start3A_503 = tpu.memref_squeeze %dma_start3A_502 : memref<1x8x128xf32, #tpu.memory_space<vmem_shared>> -> memref<8x128xf32, #tpu.memory_space<vmem_shared>>
      tpu.enqueue_dma source(%dma_start3A_503 : memref<8x128xf32, #tpu.memory_space<vmem_shared>>) target(%dma_start3A_500 : memref<8x128xf32, #tpu.memory_space<hbm>>) target_semaphore(%arg8 : memref<!tpu.dma_semaphore, #tpu.memory_space<semaphore_mem>>)
      %add3A_504 = arith.constant 768 : i32
      %add3A_505 = arith.addi %sub3A_49, %add3A_504 : i32
      %multiple_of3A_506 = tpu.assume_multiple %add3A_505, 8 : i32
      %dma_start3A_507 = arith.constant 2 : i32
      %dma_start3A_508 = arith.constant 6 : i32
      %dma_start3A_509 = arith.constant 0 : i32
      %dma_start3A_510 = arith.constant 0 : i32
      %dma_start3A_511 = tpu.memref_slice %arg4[%while3A_45, %dma_start3A_507, %dma_start3A_508, %dma_start3A_509, %dma_start3A_510] : memref<2048x4x16x8x128xf32, #tpu.memory_space<hbm>> -> memref<1x1x1x8x128xf32, #tpu.memory_space<hbm>>
      %dma_start3A_512 = tpu.memref_squeeze %dma_start3A_511 : memref<1x1x1x8x128xf32, #tpu.memory_space<hbm>> -> memref<8x128xf32, #tpu.memory_space<hbm>>
      %dma_start3A_513 = arith.constant 16 : i32
      %dma_start3A_514 = tpu.memref_slice %arg6[%rem3A_48, %dma_start3A_513, %multiple_of3A_506] : memref<8x32x4096xf32, #tpu.memory_space<vmem_shared>> -> memref<1x8x128xf32, #tpu.memory_space<vmem_shared>>
      %dma_start3A_515 = tpu.memref_squeeze %dma_start3A_514 : memref<1x8x128xf32, #tpu.memory_space<vmem_shared>> -> memref<8x128xf32, #tpu.memory_space<vmem_shared>>
      tpu.enqueue_dma source(%dma_start3A_515 : memref<8x128xf32, #tpu.memory_space<vmem_shared>>) target(%dma_start3A_512 : memref<8x128xf32, #tpu.memory_space<hbm>>) target_semaphore(%arg8 : memref<!tpu.dma_semaphore, #tpu.memory_space<semaphore_mem>>)
      %add3A_516 = arith.constant 896 : i32
      %add3A_517 = arith.addi %sub3A_49, %add3A_516 : i32
      %multiple_of3A_518 = tpu.assume_multiple %add3A_517, 8 : i32
      %dma_start3A_519 = arith.constant 2 : i32
      %dma_start3A_520 = arith.constant 7 : i32
      %dma_start3A_521 = arith.constant 0 : i32
      %dma_start3A_522 = arith.constant 0 : i32
      %dma_start3A_523 = tpu.memref_slice %arg4[%while3A_45, %dma_start3A_519, %dma_start3A_520, %dma_start3A_521, %dma_start3A_522] : memref<2048x4x16x8x128xf32, #tpu.memory_space<hbm>> -> memref<1x1x1x8x128xf32, #tpu.memory_space<hbm>>
      %dma_start3A_524 = tpu.memref_squeeze %dma_start3A_523 : memref<1x1x1x8x128xf32, #tpu.memory_space<hbm>> -> memref<8x128xf32, #tpu.memory_space<hbm>>
      %dma_start3A_525 = arith.constant 16 : i32
      %dma_start3A_526 = tpu.memref_slice %arg6[%rem3A_48, %dma_start3A_525, %multiple_of3A_518] : memref<8x32x4096xf32, #tpu.memory_space<vmem_shared>> -> memref<1x8x128xf32, #tpu.memory_space<vmem_shared>>
      %dma_start3A_527 = tpu.memref_squeeze %dma_start3A_526 : memref<1x8x128xf32, #tpu.memory_space<vmem_shared>> -> memref<8x128xf32, #tpu.memory_space<vmem_shared>>
      tpu.enqueue_dma source(%dma_start3A_527 : memref<8x128xf32, #tpu.memory_space<vmem_shared>>) target(%dma_start3A_524 : memref<8x128xf32, #tpu.memory_space<hbm>>) target_semaphore(%arg8 : memref<!tpu.dma_semaphore, #tpu.memory_space<semaphore_mem>>)
      %add3A_528 = arith.constant 1024 : i32
      %add3A_529 = arith.addi %sub3A_49, %add3A_528 : i32
      %multiple_of3A_530 = tpu.assume_multiple %add3A_529, 8 : i32
      %dma_start3A_531 = arith.constant 2 : i32
      %dma_start3A_532 = arith.constant 8 : i32
      %dma_start3A_533 = arith.constant 0 : i32
      %dma_start3A_534 = arith.constant 0 : i32
      %dma_start3A_535 = tpu.memref_slice %arg4[%while3A_45, %dma_start3A_531, %dma_start3A_532, %dma_start3A_533, %dma_start3A_534] : memref<2048x4x16x8x128xf32, #tpu.memory_space<hbm>> -> memref<1x1x1x8x128xf32, #tpu.memory_space<hbm>>
      %dma_start3A_536 = tpu.memref_squeeze %dma_start3A_535 : memref<1x1x1x8x128xf32, #tpu.memory_space<hbm>> -> memref<8x128xf32, #tpu.memory_space<hbm>>
      %dma_start3A_537 = arith.constant 16 : i32
      %dma_start3A_538 = tpu.memref_slice %arg6[%rem3A_48, %dma_start3A_537, %multiple_of3A_530] : memref<8x32x4096xf32, #tpu.memory_space<vmem_shared>> -> memref<1x8x128xf32, #tpu.memory_space<vmem_shared>>
      %dma_start3A_539 = tpu.memref_squeeze %dma_start3A_538 : memref<1x8x128xf32, #tpu.memory_space<vmem_shared>> -> memref<8x128xf32, #tpu.memory_space<vmem_shared>>
      tpu.enqueue_dma source(%dma_start3A_539 : memref<8x128xf32, #tpu.memory_space<vmem_shared>>) target(%dma_start3A_536 : memref<8x128xf32, #tpu.memory_space<hbm>>) target_semaphore(%arg8 : memref<!tpu.dma_semaphore, #tpu.memory_space<semaphore_mem>>)
      %add3A_540 = arith.constant 1152 : i32
      %add3A_541 = arith.addi %sub3A_49, %add3A_540 : i32
      %multiple_of3A_542 = tpu.assume_multiple %add3A_541, 8 : i32
      %dma_start3A_543 = arith.constant 2 : i32
      %dma_start3A_544 = arith.constant 9 : i32
      %dma_start3A_545 = arith.constant 0 : i32
      %dma_start3A_546 = arith.constant 0 : i32
      %dma_start3A_547 = tpu.memref_slice %arg4[%while3A_45, %dma_start3A_543, %dma_start3A_544, %dma_start3A_545, %dma_start3A_546] : memref<2048x4x16x8x128xf32, #tpu.memory_space<hbm>> -> memref<1x1x1x8x128xf32, #tpu.memory_space<hbm>>
      %dma_start3A_548 = tpu.memref_squeeze %dma_start3A_547 : memref<1x1x1x8x128xf32, #tpu.memory_space<hbm>> -> memref<8x128xf32, #tpu.memory_space<hbm>>
      %dma_start3A_549 = arith.constant 16 : i32
      %dma_start3A_550 = tpu.memref_slice %arg6[%rem3A_48, %dma_start3A_549, %multiple_of3A_542] : memref<8x32x4096xf32, #tpu.memory_space<vmem_shared>> -> memref<1x8x128xf32, #tpu.memory_space<vmem_shared>>
      %dma_start3A_551 = tpu.memref_squeeze %dma_start3A_550 : memref<1x8x128xf32, #tpu.memory_space<vmem_shared>> -> memref<8x128xf32, #tpu.memory_space<vmem_shared>>
      tpu.enqueue_dma source(%dma_start3A_551 : memref<8x128xf32, #tpu.memory_space<vmem_shared>>) target(%dma_start3A_548 : memref<8x128xf32, #tpu.memory_space<hbm>>) target_semaphore(%arg8 : memref<!tpu.dma_semaphore, #tpu.memory_space<semaphore_mem>>)
      %add3A_552 = arith.constant 1280 : i32
      %add3A_553 = arith.addi %sub3A_49, %add3A_552 : i32
      %multiple_of3A_554 = tpu.assume_multiple %add3A_553, 8 : i32
      %dma_start3A_555 = arith.constant 2 : i32
      %dma_start3A_556 = arith.constant 10 : i32
      %dma_start3A_557 = arith.constant 0 : i32
      %dma_start3A_558 = arith.constant 0 : i32
      %dma_start3A_559 = tpu.memref_slice %arg4[%while3A_45, %dma_start3A_555, %dma_start3A_556, %dma_start3A_557, %dma_start3A_558] : memref<2048x4x16x8x128xf32, #tpu.memory_space<hbm>> -> memref<1x1x1x8x128xf32, #tpu.memory_space<hbm>>
      %dma_start3A_560 = tpu.memref_squeeze %dma_start3A_559 : memref<1x1x1x8x128xf32, #tpu.memory_space<hbm>> -> memref<8x128xf32, #tpu.memory_space<hbm>>
      %dma_start3A_561 = arith.constant 16 : i32
      %dma_start3A_562 = tpu.memref_slice %arg6[%rem3A_48, %dma_start3A_561, %multiple_of3A_554] : memref<8x32x4096xf32, #tpu.memory_space<vmem_shared>> -> memref<1x8x128xf32, #tpu.memory_space<vmem_shared>>
      %dma_start3A_563 = tpu.memref_squeeze %dma_start3A_562 : memref<1x8x128xf32, #tpu.memory_space<vmem_shared>> -> memref<8x128xf32, #tpu.memory_space<vmem_shared>>
      tpu.enqueue_dma source(%dma_start3A_563 : memref<8x128xf32, #tpu.memory_space<vmem_shared>>) target(%dma_start3A_560 : memref<8x128xf32, #tpu.memory_space<hbm>>) target_semaphore(%arg8 : memref<!tpu.dma_semaphore, #tpu.memory_space<semaphore_mem>>)
      %add3A_564 = arith.constant 1408 : i32
      %add3A_565 = arith.addi %sub3A_49, %add3A_564 : i32
      %multiple_of3A_566 = tpu.assume_multiple %add3A_565, 8 : i32
      %dma_start3A_567 = arith.constant 2 : i32
      %dma_start3A_568 = arith.constant 11 : i32
      %dma_start3A_569 = arith.constant 0 : i32
      %dma_start3A_570 = arith.constant 0 : i32
      %dma_start3A_571 = tpu.memref_slice %arg4[%while3A_45, %dma_start3A_567, %dma_start3A_568, %dma_start3A_569, %dma_start3A_570] : memref<2048x4x16x8x128xf32, #tpu.memory_space<hbm>> -> memref<1x1x1x8x128xf32, #tpu.memory_space<hbm>>
      %dma_start3A_572 = tpu.memref_squeeze %dma_start3A_571 : memref<1x1x1x8x128xf32, #tpu.memory_space<hbm>> -> memref<8x128xf32, #tpu.memory_space<hbm>>
      %dma_start3A_573 = arith.constant 16 : i32
      %dma_start3A_574 = tpu.memref_slice %arg6[%rem3A_48, %dma_start3A_573, %multiple_of3A_566] : memref<8x32x4096xf32, #tpu.memory_space<vmem_shared>> -> memref<1x8x128xf32, #tpu.memory_space<vmem_shared>>
      %dma_start3A_575 = tpu.memref_squeeze %dma_start3A_574 : memref<1x8x128xf32, #tpu.memory_space<vmem_shared>> -> memref<8x128xf32, #tpu.memory_space<vmem_shared>>
      tpu.enqueue_dma source(%dma_start3A_575 : memref<8x128xf32, #tpu.memory_space<vmem_shared>>) target(%dma_start3A_572 : memref<8x128xf32, #tpu.memory_space<hbm>>) target_semaphore(%arg8 : memref<!tpu.dma_semaphore, #tpu.memory_space<semaphore_mem>>)
      %add3A_576 = arith.constant 1536 : i32
      %add3A_577 = arith.addi %sub3A_49, %add3A_576 : i32
      %multiple_of3A_578 = tpu.assume_multiple %add3A_577, 8 : i32
      %dma_start3A_579 = arith.constant 2 : i32
      %dma_start3A_580 = arith.constant 12 : i32
      %dma_start3A_581 = arith.constant 0 : i32
      %dma_start3A_582 = arith.constant 0 : i32
      %dma_start3A_583 = tpu.memref_slice %arg4[%while3A_45, %dma_start3A_579, %dma_start3A_580, %dma_start3A_581, %dma_start3A_582] : memref<2048x4x16x8x128xf32, #tpu.memory_space<hbm>> -> memref<1x1x1x8x128xf32, #tpu.memory_space<hbm>>
      %dma_start3A_584 = tpu.memref_squeeze %dma_start3A_583 : memref<1x1x1x8x128xf32, #tpu.memory_space<hbm>> -> memref<8x128xf32, #tpu.memory_space<hbm>>
      %dma_start3A_585 = arith.constant 16 : i32
      %dma_start3A_586 = tpu.memref_slice %arg6[%rem3A_48, %dma_start3A_585, %multiple_of3A_578] : memref<8x32x4096xf32, #tpu.memory_space<vmem_shared>> -> memref<1x8x128xf32, #tpu.memory_space<vmem_shared>>
      %dma_start3A_587 = tpu.memref_squeeze %dma_start3A_586 : memref<1x8x128xf32, #tpu.memory_space<vmem_shared>> -> memref<8x128xf32, #tpu.memory_space<vmem_shared>>
      tpu.enqueue_dma source(%dma_start3A_587 : memref<8x128xf32, #tpu.memory_space<vmem_shared>>) target(%dma_start3A_584 : memref<8x128xf32, #tpu.memory_space<hbm>>) target_semaphore(%arg8 : memref<!tpu.dma_semaphore, #tpu.memory_space<semaphore_mem>>)
      %add3A_588 = arith.constant 1664 : i32
      %add3A_589 = arith.addi %sub3A_49, %add3A_588 : i32
      %multiple_of3A_590 = tpu.assume_multiple %add3A_589, 8 : i32
      %dma_start3A_591 = arith.constant 2 : i32
      %dma_start3A_592 = arith.constant 13 : i32
      %dma_start3A_593 = arith.constant 0 : i32
      %dma_start3A_594 = arith.constant 0 : i32
      %dma_start3A_595 = tpu.memref_slice %arg4[%while3A_45, %dma_start3A_591, %dma_start3A_592, %dma_start3A_593, %dma_start3A_594] : memref<2048x4x16x8x128xf32, #tpu.memory_space<hbm>> -> memref<1x1x1x8x128xf32, #tpu.memory_space<hbm>>
      %dma_start3A_596 = tpu.memref_squeeze %dma_start3A_595 : memref<1x1x1x8x128xf32, #tpu.memory_space<hbm>> -> memref<8x128xf32, #tpu.memory_space<hbm>>
      %dma_start3A_597 = arith.constant 16 : i32
      %dma_start3A_598 = tpu.memref_slice %arg6[%rem3A_48, %dma_start3A_597, %multiple_of3A_590] : memref<8x32x4096xf32, #tpu.memory_space<vmem_shared>> -> memref<1x8x128xf32, #tpu.memory_space<vmem_shared>>
      %dma_start3A_599 = tpu.memref_squeeze %dma_start3A_598 : memref<1x8x128xf32, #tpu.memory_space<vmem_shared>> -> memref<8x128xf32, #tpu.memory_space<vmem_shared>>
      tpu.enqueue_dma source(%dma_start3A_599 : memref<8x128xf32, #tpu.memory_space<vmem_shared>>) target(%dma_start3A_596 : memref<8x128xf32, #tpu.memory_space<hbm>>) target_semaphore(%arg8 : memref<!tpu.dma_semaphore, #tpu.memory_space<semaphore_mem>>)
      %add3A_600 = arith.constant 1792 : i32
      %add3A_601 = arith.addi %sub3A_49, %add3A_600 : i32
      %multiple_of3A_602 = tpu.assume_multiple %add3A_601, 8 : i32
      %dma_start3A_603 = arith.constant 2 : i32
      %dma_start3A_604 = arith.constant 14 : i32
      %dma_start3A_605 = arith.constant 0 : i32
      %dma_start3A_606 = arith.constant 0 : i32
      %dma_start3A_607 = tpu.memref_slice %arg4[%while3A_45, %dma_start3A_603, %dma_start3A_604, %dma_start3A_605, %dma_start3A_606] : memref<2048x4x16x8x128xf32, #tpu.memory_space<hbm>> -> memref<1x1x1x8x128xf32, #tpu.memory_space<hbm>>
      %dma_start3A_608 = tpu.memref_squeeze %dma_start3A_607 : memref<1x1x1x8x128xf32, #tpu.memory_space<hbm>> -> memref<8x128xf32, #tpu.memory_space<hbm>>
      %dma_start3A_609 = arith.constant 16 : i32
      %dma_start3A_610 = tpu.memref_slice %arg6[%rem3A_48, %dma_start3A_609, %multiple_of3A_602] : memref<8x32x4096xf32, #tpu.memory_space<vmem_shared>> -> memref<1x8x128xf32, #tpu.memory_space<vmem_shared>>
      %dma_start3A_611 = tpu.memref_squeeze %dma_start3A_610 : memref<1x8x128xf32, #tpu.memory_space<vmem_shared>> -> memref<8x128xf32, #tpu.memory_space<vmem_shared>>
      tpu.enqueue_dma source(%dma_start3A_611 : memref<8x128xf32, #tpu.memory_space<vmem_shared>>) target(%dma_start3A_608 : memref<8x128xf32, #tpu.memory_space<hbm>>) target_semaphore(%arg8 : memref<!tpu.dma_semaphore, #tpu.memory_space<semaphore_mem>>)
      %add3A_612 = arith.constant 1920 : i32
      %add3A_613 = arith.addi %sub3A_49, %add3A_612 : i32
      %multiple_of3A_614 = tpu.assume_multiple %add3A_613, 8 : i32
      %dma_start3A_615 = arith.constant 2 : i32
      %dma_start3A_616 = arith.constant 15 : i32
      %dma_start3A_617 = arith.constant 0 : i32
      %dma_start3A_618 = arith.constant 0 : i32
      %dma_start3A_619 = tpu.memref_slice %arg4[%while3A_45, %dma_start3A_615, %dma_start3A_616, %dma_start3A_617, %dma_start3A_618] : memref<2048x4x16x8x128xf32, #tpu.memory_space<hbm>> -> memref<1x1x1x8x128xf32, #tpu.memory_space<hbm>>
      %dma_start3A_620 = tpu.memref_squeeze %dma_start3A_619 : memref<1x1x1x8x128xf32, #tpu.memory_space<hbm>> -> memref<8x128xf32, #tpu.memory_space<hbm>>
      %dma_start3A_621 = arith.constant 16 : i32
      %dma_start3A_622 = tpu.memref_slice %arg6[%rem3A_48, %dma_start3A_621, %multiple_of3A_614] : memref<8x32x4096xf32, #tpu.memory_space<vmem_shared>> -> memref<1x8x128xf32, #tpu.memory_space<vmem_shared>>
      %dma_start3A_623 = tpu.memref_squeeze %dma_start3A_622 : memref<1x8x128xf32, #tpu.memory_space<vmem_shared>> -> memref<8x128xf32, #tpu.memory_space<vmem_shared>>
      tpu.enqueue_dma source(%dma_start3A_623 : memref<8x128xf32, #tpu.memory_space<vmem_shared>>) target(%dma_start3A_620 : memref<8x128xf32, #tpu.memory_space<hbm>>) target_semaphore(%arg8 : memref<!tpu.dma_semaphore, #tpu.memory_space<semaphore_mem>>)
      %add3A_624 = arith.constant 0 : i32
      %add3A_625 = arith.addi %sub3A_49, %add3A_624 : i32
      %multiple_of3A_626 = tpu.assume_multiple %add3A_625, 8 : i32
      %dma_start3A_627 = arith.constant 3 : i32
      %dma_start3A_628 = arith.constant 0 : i32
      %dma_start3A_629 = arith.constant 0 : i32
      %dma_start3A_630 = arith.constant 0 : i32
      %dma_start3A_631 = tpu.memref_slice %arg4[%while3A_45, %dma_start3A_627, %dma_start3A_628, %dma_start3A_629, %dma_start3A_630] : memref<2048x4x16x8x128xf32, #tpu.memory_space<hbm>> -> memref<1x1x1x8x128xf32, #tpu.memory_space<hbm>>
      %dma_start3A_632 = tpu.memref_squeeze %dma_start3A_631 : memref<1x1x1x8x128xf32, #tpu.memory_space<hbm>> -> memref<8x128xf32, #tpu.memory_space<hbm>>
      %dma_start3A_633 = arith.constant 24 : i32
      %dma_start3A_634 = tpu.memref_slice %arg6[%rem3A_48, %dma_start3A_633, %multiple_of3A_626] : memref<8x32x4096xf32, #tpu.memory_space<vmem_shared>> -> memref<1x8x128xf32, #tpu.memory_space<vmem_shared>>
      %dma_start3A_635 = tpu.memref_squeeze %dma_start3A_634 : memref<1x8x128xf32, #tpu.memory_space<vmem_shared>> -> memref<8x128xf32, #tpu.memory_space<vmem_shared>>
      tpu.enqueue_dma source(%dma_start3A_635 : memref<8x128xf32, #tpu.memory_space<vmem_shared>>) target(%dma_start3A_632 : memref<8x128xf32, #tpu.memory_space<hbm>>) target_semaphore(%arg8 : memref<!tpu.dma_semaphore, #tpu.memory_space<semaphore_mem>>)
      %add3A_636 = arith.constant 128 : i32
      %add3A_637 = arith.addi %sub3A_49, %add3A_636 : i32
      %multiple_of3A_638 = tpu.assume_multiple %add3A_637, 8 : i32
      %dma_start3A_639 = arith.constant 3 : i32
      %dma_start3A_640 = arith.constant 1 : i32
      %dma_start3A_641 = arith.constant 0 : i32
      %dma_start3A_642 = arith.constant 0 : i32
      %dma_start3A_643 = tpu.memref_slice %arg4[%while3A_45, %dma_start3A_639, %dma_start3A_640, %dma_start3A_641, %dma_start3A_642] : memref<2048x4x16x8x128xf32, #tpu.memory_space<hbm>> -> memref<1x1x1x8x128xf32, #tpu.memory_space<hbm>>
      %dma_start3A_644 = tpu.memref_squeeze %dma_start3A_643 : memref<1x1x1x8x128xf32, #tpu.memory_space<hbm>> -> memref<8x128xf32, #tpu.memory_space<hbm>>
      %dma_start3A_645 = arith.constant 24 : i32
      %dma_start3A_646 = tpu.memref_slice %arg6[%rem3A_48, %dma_start3A_645, %multiple_of3A_638] : memref<8x32x4096xf32, #tpu.memory_space<vmem_shared>> -> memref<1x8x128xf32, #tpu.memory_space<vmem_shared>>
      %dma_start3A_647 = tpu.memref_squeeze %dma_start3A_646 : memref<1x8x128xf32, #tpu.memory_space<vmem_shared>> -> memref<8x128xf32, #tpu.memory_space<vmem_shared>>
      tpu.enqueue_dma source(%dma_start3A_647 : memref<8x128xf32, #tpu.memory_space<vmem_shared>>) target(%dma_start3A_644 : memref<8x128xf32, #tpu.memory_space<hbm>>) target_semaphore(%arg8 : memref<!tpu.dma_semaphore, #tpu.memory_space<semaphore_mem>>)
      %add3A_648 = arith.constant 256 : i32
      %add3A_649 = arith.addi %sub3A_49, %add3A_648 : i32
      %multiple_of3A_650 = tpu.assume_multiple %add3A_649, 8 : i32
      %dma_start3A_651 = arith.constant 3 : i32
      %dma_start3A_652 = arith.constant 2 : i32
      %dma_start3A_653 = arith.constant 0 : i32
      %dma_start3A_654 = arith.constant 0 : i32
      %dma_start3A_655 = tpu.memref_slice %arg4[%while3A_45, %dma_start3A_651, %dma_start3A_652, %dma_start3A_653, %dma_start3A_654] : memref<2048x4x16x8x128xf32, #tpu.memory_space<hbm>> -> memref<1x1x1x8x128xf32, #tpu.memory_space<hbm>>
      %dma_start3A_656 = tpu.memref_squeeze %dma_start3A_655 : memref<1x1x1x8x128xf32, #tpu.memory_space<hbm>> -> memref<8x128xf32, #tpu.memory_space<hbm>>
      %dma_start3A_657 = arith.constant 24 : i32
      %dma_start3A_658 = tpu.memref_slice %arg6[%rem3A_48, %dma_start3A_657, %multiple_of3A_650] : memref<8x32x4096xf32, #tpu.memory_space<vmem_shared>> -> memref<1x8x128xf32, #tpu.memory_space<vmem_shared>>
      %dma_start3A_659 = tpu.memref_squeeze %dma_start3A_658 : memref<1x8x128xf32, #tpu.memory_space<vmem_shared>> -> memref<8x128xf32, #tpu.memory_space<vmem_shared>>
      tpu.enqueue_dma source(%dma_start3A_659 : memref<8x128xf32, #tpu.memory_space<vmem_shared>>) target(%dma_start3A_656 : memref<8x128xf32, #tpu.memory_space<hbm>>) target_semaphore(%arg8 : memref<!tpu.dma_semaphore, #tpu.memory_space<semaphore_mem>>)
      %add3A_660 = arith.constant 384 : i32
      %add3A_661 = arith.addi %sub3A_49, %add3A_660 : i32
      %multiple_of3A_662 = tpu.assume_multiple %add3A_661, 8 : i32
      %dma_start3A_663 = arith.constant 3 : i32
      %dma_start3A_664 = arith.constant 3 : i32
      %dma_start3A_665 = arith.constant 0 : i32
      %dma_start3A_666 = arith.constant 0 : i32
      %dma_start3A_667 = tpu.memref_slice %arg4[%while3A_45, %dma_start3A_663, %dma_start3A_664, %dma_start3A_665, %dma_start3A_666] : memref<2048x4x16x8x128xf32, #tpu.memory_space<hbm>> -> memref<1x1x1x8x128xf32, #tpu.memory_space<hbm>>
      %dma_start3A_668 = tpu.memref_squeeze %dma_start3A_667 : memref<1x1x1x8x128xf32, #tpu.memory_space<hbm>> -> memref<8x128xf32, #tpu.memory_space<hbm>>
      %dma_start3A_669 = arith.constant 24 : i32
      %dma_start3A_670 = tpu.memref_slice %arg6[%rem3A_48, %dma_start3A_669, %multiple_of3A_662] : memref<8x32x4096xf32, #tpu.memory_space<vmem_shared>> -> memref<1x8x128xf32, #tpu.memory_space<vmem_shared>>
      %dma_start3A_671 = tpu.memref_squeeze %dma_start3A_670 : memref<1x8x128xf32, #tpu.memory_space<vmem_shared>> -> memref<8x128xf32, #tpu.memory_space<vmem_shared>>
      tpu.enqueue_dma source(%dma_start3A_671 : memref<8x128xf32, #tpu.memory_space<vmem_shared>>) target(%dma_start3A_668 : memref<8x128xf32, #tpu.memory_space<hbm>>) target_semaphore(%arg8 : memref<!tpu.dma_semaphore, #tpu.memory_space<semaphore_mem>>)
      %add3A_672 = arith.constant 512 : i32
      %add3A_673 = arith.addi %sub3A_49, %add3A_672 : i32
      %multiple_of3A_674 = tpu.assume_multiple %add3A_673, 8 : i32
      %dma_start3A_675 = arith.constant 3 : i32
      %dma_start3A_676 = arith.constant 4 : i32
      %dma_start3A_677 = arith.constant 0 : i32
      %dma_start3A_678 = arith.constant 0 : i32
      %dma_start3A_679 = tpu.memref_slice %arg4[%while3A_45, %dma_start3A_675, %dma_start3A_676, %dma_start3A_677, %dma_start3A_678] : memref<2048x4x16x8x128xf32, #tpu.memory_space<hbm>> -> memref<1x1x1x8x128xf32, #tpu.memory_space<hbm>>
      %dma_start3A_680 = tpu.memref_squeeze %dma_start3A_679 : memref<1x1x1x8x128xf32, #tpu.memory_space<hbm>> -> memref<8x128xf32, #tpu.memory_space<hbm>>
      %dma_start3A_681 = arith.constant 24 : i32
      %dma_start3A_682 = tpu.memref_slice %arg6[%rem3A_48, %dma_start3A_681, %multiple_of3A_674] : memref<8x32x4096xf32, #tpu.memory_space<vmem_shared>> -> memref<1x8x128xf32, #tpu.memory_space<vmem_shared>>
      %dma_start3A_683 = tpu.memref_squeeze %dma_start3A_682 : memref<1x8x128xf32, #tpu.memory_space<vmem_shared>> -> memref<8x128xf32, #tpu.memory_space<vmem_shared>>
      tpu.enqueue_dma source(%dma_start3A_683 : memref<8x128xf32, #tpu.memory_space<vmem_shared>>) target(%dma_start3A_680 : memref<8x128xf32, #tpu.memory_space<hbm>>) target_semaphore(%arg8 : memref<!tpu.dma_semaphore, #tpu.memory_space<semaphore_mem>>)
      %add3A_684 = arith.constant 640 : i32
      %add3A_685 = arith.addi %sub3A_49, %add3A_684 : i32
      %multiple_of3A_686 = tpu.assume_multiple %add3A_685, 8 : i32
      %dma_start3A_687 = arith.constant 3 : i32
      %dma_start3A_688 = arith.constant 5 : i32
      %dma_start3A_689 = arith.constant 0 : i32
      %dma_start3A_690 = arith.constant 0 : i32
      %dma_start3A_691 = tpu.memref_slice %arg4[%while3A_45, %dma_start3A_687, %dma_start3A_688, %dma_start3A_689, %dma_start3A_690] : memref<2048x4x16x8x128xf32, #tpu.memory_space<hbm>> -> memref<1x1x1x8x128xf32, #tpu.memory_space<hbm>>
      %dma_start3A_692 = tpu.memref_squeeze %dma_start3A_691 : memref<1x1x1x8x128xf32, #tpu.memory_space<hbm>> -> memref<8x128xf32, #tpu.memory_space<hbm>>
      %dma_start3A_693 = arith.constant 24 : i32
      %dma_start3A_694 = tpu.memref_slice %arg6[%rem3A_48, %dma_start3A_693, %multiple_of3A_686] : memref<8x32x4096xf32, #tpu.memory_space<vmem_shared>> -> memref<1x8x128xf32, #tpu.memory_space<vmem_shared>>
      %dma_start3A_695 = tpu.memref_squeeze %dma_start3A_694 : memref<1x8x128xf32, #tpu.memory_space<vmem_shared>> -> memref<8x128xf32, #tpu.memory_space<vmem_shared>>
      tpu.enqueue_dma source(%dma_start3A_695 : memref<8x128xf32, #tpu.memory_space<vmem_shared>>) target(%dma_start3A_692 : memref<8x128xf32, #tpu.memory_space<hbm>>) target_semaphore(%arg8 : memref<!tpu.dma_semaphore, #tpu.memory_space<semaphore_mem>>)
      %add3A_696 = arith.constant 768 : i32
      %add3A_697 = arith.addi %sub3A_49, %add3A_696 : i32
      %multiple_of3A_698 = tpu.assume_multiple %add3A_697, 8 : i32
      %dma_start3A_699 = arith.constant 3 : i32
      %dma_start3A_700 = arith.constant 6 : i32
      %dma_start3A_701 = arith.constant 0 : i32
      %dma_start3A_702 = arith.constant 0 : i32
      %dma_start3A_703 = tpu.memref_slice %arg4[%while3A_45, %dma_start3A_699, %dma_start3A_700, %dma_start3A_701, %dma_start3A_702] : memref<2048x4x16x8x128xf32, #tpu.memory_space<hbm>> -> memref<1x1x1x8x128xf32, #tpu.memory_space<hbm>>
      %dma_start3A_704 = tpu.memref_squeeze %dma_start3A_703 : memref<1x1x1x8x128xf32, #tpu.memory_space<hbm>> -> memref<8x128xf32, #tpu.memory_space<hbm>>
      %dma_start3A_705 = arith.constant 24 : i32
      %dma_start3A_706 = tpu.memref_slice %arg6[%rem3A_48, %dma_start3A_705, %multiple_of3A_698] : memref<8x32x4096xf32, #tpu.memory_space<vmem_shared>> -> memref<1x8x128xf32, #tpu.memory_space<vmem_shared>>
      %dma_start3A_707 = tpu.memref_squeeze %dma_start3A_706 : memref<1x8x128xf32, #tpu.memory_space<vmem_shared>> -> memref<8x128xf32, #tpu.memory_space<vmem_shared>>
      tpu.enqueue_dma source(%dma_start3A_707 : memref<8x128xf32, #tpu.memory_space<vmem_shared>>) target(%dma_start3A_704 : memref<8x128xf32, #tpu.memory_space<hbm>>) target_semaphore(%arg8 : memref<!tpu.dma_semaphore, #tpu.memory_space<semaphore_mem>>)
      %add3A_708 = arith.constant 896 : i32
      %add3A_709 = arith.addi %sub3A_49, %add3A_708 : i32
      %multiple_of3A_710 = tpu.assume_multiple %add3A_709, 8 : i32
      %dma_start3A_711 = arith.constant 3 : i32
      %dma_start3A_712 = arith.constant 7 : i32
      %dma_start3A_713 = arith.constant 0 : i32
      %dma_start3A_714 = arith.constant 0 : i32
      %dma_start3A_715 = tpu.memref_slice %arg4[%while3A_45, %dma_start3A_711, %dma_start3A_712, %dma_start3A_713, %dma_start3A_714] : memref<2048x4x16x8x128xf32, #tpu.memory_space<hbm>> -> memref<1x1x1x8x128xf32, #tpu.memory_space<hbm>>
      %dma_start3A_716 = tpu.memref_squeeze %dma_start3A_715 : memref<1x1x1x8x128xf32, #tpu.memory_space<hbm>> -> memref<8x128xf32, #tpu.memory_space<hbm>>
      %dma_start3A_717 = arith.constant 24 : i32
      %dma_start3A_718 = tpu.memref_slice %arg6[%rem3A_48, %dma_start3A_717, %multiple_of3A_710] : memref<8x32x4096xf32, #tpu.memory_space<vmem_shared>> -> memref<1x8x128xf32, #tpu.memory_space<vmem_shared>>
      %dma_start3A_719 = tpu.memref_squeeze %dma_start3A_718 : memref<1x8x128xf32, #tpu.memory_space<vmem_shared>> -> memref<8x128xf32, #tpu.memory_space<vmem_shared>>
      tpu.enqueue_dma source(%dma_start3A_719 : memref<8x128xf32, #tpu.memory_space<vmem_shared>>) target(%dma_start3A_716 : memref<8x128xf32, #tpu.memory_space<hbm>>) target_semaphore(%arg8 : memref<!tpu.dma_semaphore, #tpu.memory_space<semaphore_mem>>)
      %add3A_720 = arith.constant 1024 : i32
      %add3A_721 = arith.addi %sub3A_49, %add3A_720 : i32
      %multiple_of3A_722 = tpu.assume_multiple %add3A_721, 8 : i32
      %dma_start3A_723 = arith.constant 3 : i32
      %dma_start3A_724 = arith.constant 8 : i32
      %dma_start3A_725 = arith.constant 0 : i32
      %dma_start3A_726 = arith.constant 0 : i32
      %dma_start3A_727 = tpu.memref_slice %arg4[%while3A_45, %dma_start3A_723, %dma_start3A_724, %dma_start3A_725, %dma_start3A_726] : memref<2048x4x16x8x128xf32, #tpu.memory_space<hbm>> -> memref<1x1x1x8x128xf32, #tpu.memory_space<hbm>>
      %dma_start3A_728 = tpu.memref_squeeze %dma_start3A_727 : memref<1x1x1x8x128xf32, #tpu.memory_space<hbm>> -> memref<8x128xf32, #tpu.memory_space<hbm>>
      %dma_start3A_729 = arith.constant 24 : i32
      %dma_start3A_730 = tpu.memref_slice %arg6[%rem3A_48, %dma_start3A_729, %multiple_of3A_722] : memref<8x32x4096xf32, #tpu.memory_space<vmem_shared>> -> memref<1x8x128xf32, #tpu.memory_space<vmem_shared>>
      %dma_start3A_731 = tpu.memref_squeeze %dma_start3A_730 : memref<1x8x128xf32, #tpu.memory_space<vmem_shared>> -> memref<8x128xf32, #tpu.memory_space<vmem_shared>>
      tpu.enqueue_dma source(%dma_start3A_731 : memref<8x128xf32, #tpu.memory_space<vmem_shared>>) target(%dma_start3A_728 : memref<8x128xf32, #tpu.memory_space<hbm>>) target_semaphore(%arg8 : memref<!tpu.dma_semaphore, #tpu.memory_space<semaphore_mem>>)
      %add3A_732 = arith.constant 1152 : i32
      %add3A_733 = arith.addi %sub3A_49, %add3A_732 : i32
      %multiple_of3A_734 = tpu.assume_multiple %add3A_733, 8 : i32
      %dma_start3A_735 = arith.constant 3 : i32
      %dma_start3A_736 = arith.constant 9 : i32
      %dma_start3A_737 = arith.constant 0 : i32
      %dma_start3A_738 = arith.constant 0 : i32
      %dma_start3A_739 = tpu.memref_slice %arg4[%while3A_45, %dma_start3A_735, %dma_start3A_736, %dma_start3A_737, %dma_start3A_738] : memref<2048x4x16x8x128xf32, #tpu.memory_space<hbm>> -> memref<1x1x1x8x128xf32, #tpu.memory_space<hbm>>
      %dma_start3A_740 = tpu.memref_squeeze %dma_start3A_739 : memref<1x1x1x8x128xf32, #tpu.memory_space<hbm>> -> memref<8x128xf32, #tpu.memory_space<hbm>>
      %dma_start3A_741 = arith.constant 24 : i32
      %dma_start3A_742 = tpu.memref_slice %arg6[%rem3A_48, %dma_start3A_741, %multiple_of3A_734] : memref<8x32x4096xf32, #tpu.memory_space<vmem_shared>> -> memref<1x8x128xf32, #tpu.memory_space<vmem_shared>>
      %dma_start3A_743 = tpu.memref_squeeze %dma_start3A_742 : memref<1x8x128xf32, #tpu.memory_space<vmem_shared>> -> memref<8x128xf32, #tpu.memory_space<vmem_shared>>
      tpu.enqueue_dma source(%dma_start3A_743 : memref<8x128xf32, #tpu.memory_space<vmem_shared>>) target(%dma_start3A_740 : memref<8x128xf32, #tpu.memory_space<hbm>>) target_semaphore(%arg8 : memref<!tpu.dma_semaphore, #tpu.memory_space<semaphore_mem>>)
      %add3A_744 = arith.constant 1280 : i32
      %add3A_745 = arith.addi %sub3A_49, %add3A_744 : i32
      %multiple_of3A_746 = tpu.assume_multiple %add3A_745, 8 : i32
      %dma_start3A_747 = arith.constant 3 : i32
      %dma_start3A_748 = arith.constant 10 : i32
      %dma_start3A_749 = arith.constant 0 : i32
      %dma_start3A_750 = arith.constant 0 : i32
      %dma_start3A_751 = tpu.memref_slice %arg4[%while3A_45, %dma_start3A_747, %dma_start3A_748, %dma_start3A_749, %dma_start3A_750] : memref<2048x4x16x8x128xf32, #tpu.memory_space<hbm>> -> memref<1x1x1x8x128xf32, #tpu.memory_space<hbm>>
      %dma_start3A_752 = tpu.memref_squeeze %dma_start3A_751 : memref<1x1x1x8x128xf32, #tpu.memory_space<hbm>> -> memref<8x128xf32, #tpu.memory_space<hbm>>
      %dma_start3A_753 = arith.constant 24 : i32
      %dma_start3A_754 = tpu.memref_slice %arg6[%rem3A_48, %dma_start3A_753, %multiple_of3A_746] : memref<8x32x4096xf32, #tpu.memory_space<vmem_shared>> -> memref<1x8x128xf32, #tpu.memory_space<vmem_shared>>
      %dma_start3A_755 = tpu.memref_squeeze %dma_start3A_754 : memref<1x8x128xf32, #tpu.memory_space<vmem_shared>> -> memref<8x128xf32, #tpu.memory_space<vmem_shared>>
      tpu.enqueue_dma source(%dma_start3A_755 : memref<8x128xf32, #tpu.memory_space<vmem_shared>>) target(%dma_start3A_752 : memref<8x128xf32, #tpu.memory_space<hbm>>) target_semaphore(%arg8 : memref<!tpu.dma_semaphore, #tpu.memory_space<semaphore_mem>>)
      %add3A_756 = arith.constant 1408 : i32
      %add3A_757 = arith.addi %sub3A_49, %add3A_756 : i32
      %multiple_of3A_758 = tpu.assume_multiple %add3A_757, 8 : i32
      %dma_start3A_759 = arith.constant 3 : i32
      %dma_start3A_760 = arith.constant 11 : i32
      %dma_start3A_761 = arith.constant 0 : i32
      %dma_start3A_762 = arith.constant 0 : i32
      %dma_start3A_763 = tpu.memref_slice %arg4[%while3A_45, %dma_start3A_759, %dma_start3A_760, %dma_start3A_761, %dma_start3A_762] : memref<2048x4x16x8x128xf32, #tpu.memory_space<hbm>> -> memref<1x1x1x8x128xf32, #tpu.memory_space<hbm>>
      %dma_start3A_764 = tpu.memref_squeeze %dma_start3A_763 : memref<1x1x1x8x128xf32, #tpu.memory_space<hbm>> -> memref<8x128xf32, #tpu.memory_space<hbm>>
      %dma_start3A_765 = arith.constant 24 : i32
      %dma_start3A_766 = tpu.memref_slice %arg6[%rem3A_48, %dma_start3A_765, %multiple_of3A_758] : memref<8x32x4096xf32, #tpu.memory_space<vmem_shared>> -> memref<1x8x128xf32, #tpu.memory_space<vmem_shared>>
      %dma_start3A_767 = tpu.memref_squeeze %dma_start3A_766 : memref<1x8x128xf32, #tpu.memory_space<vmem_shared>> -> memref<8x128xf32, #tpu.memory_space<vmem_shared>>
      tpu.enqueue_dma source(%dma_start3A_767 : memref<8x128xf32, #tpu.memory_space<vmem_shared>>) target(%dma_start3A_764 : memref<8x128xf32, #tpu.memory_space<hbm>>) target_semaphore(%arg8 : memref<!tpu.dma_semaphore, #tpu.memory_space<semaphore_mem>>)
      %add3A_768 = arith.constant 1536 : i32
      %add3A_769 = arith.addi %sub3A_49, %add3A_768 : i32
      %multiple_of3A_770 = tpu.assume_multiple %add3A_769, 8 : i32
      %dma_start3A_771 = arith.constant 3 : i32
      %dma_start3A_772 = arith.constant 12 : i32
      %dma_start3A_773 = arith.constant 0 : i32
      %dma_start3A_774 = arith.constant 0 : i32
      %dma_start3A_775 = tpu.memref_slice %arg4[%while3A_45, %dma_start3A_771, %dma_start3A_772, %dma_start3A_773, %dma_start3A_774] : memref<2048x4x16x8x128xf32, #tpu.memory_space<hbm>> -> memref<1x1x1x8x128xf32, #tpu.memory_space<hbm>>
      %dma_start3A_776 = tpu.memref_squeeze %dma_start3A_775 : memref<1x1x1x8x128xf32, #tpu.memory_space<hbm>> -> memref<8x128xf32, #tpu.memory_space<hbm>>
      %dma_start3A_777 = arith.constant 24 : i32
      %dma_start3A_778 = tpu.memref_slice %arg6[%rem3A_48, %dma_start3A_777, %multiple_of3A_770] : memref<8x32x4096xf32, #tpu.memory_space<vmem_shared>> -> memref<1x8x128xf32, #tpu.memory_space<vmem_shared>>
      %dma_start3A_779 = tpu.memref_squeeze %dma_start3A_778 : memref<1x8x128xf32, #tpu.memory_space<vmem_shared>> -> memref<8x128xf32, #tpu.memory_space<vmem_shared>>
      tpu.enqueue_dma source(%dma_start3A_779 : memref<8x128xf32, #tpu.memory_space<vmem_shared>>) target(%dma_start3A_776 : memref<8x128xf32, #tpu.memory_space<hbm>>) target_semaphore(%arg8 : memref<!tpu.dma_semaphore, #tpu.memory_space<semaphore_mem>>)
      %add3A_780 = arith.constant 1664 : i32
      %add3A_781 = arith.addi %sub3A_49, %add3A_780 : i32
      %multiple_of3A_782 = tpu.assume_multiple %add3A_781, 8 : i32
      %dma_start3A_783 = arith.constant 3 : i32
      %dma_start3A_784 = arith.constant 13 : i32
      %dma_start3A_785 = arith.constant 0 : i32
      %dma_start3A_786 = arith.constant 0 : i32
      %dma_start3A_787 = tpu.memref_slice %arg4[%while3A_45, %dma_start3A_783, %dma_start3A_784, %dma_start3A_785, %dma_start3A_786] : memref<2048x4x16x8x128xf32, #tpu.memory_space<hbm>> -> memref<1x1x1x8x128xf32, #tpu.memory_space<hbm>>
      %dma_start3A_788 = tpu.memref_squeeze %dma_start3A_787 : memref<1x1x1x8x128xf32, #tpu.memory_space<hbm>> -> memref<8x128xf32, #tpu.memory_space<hbm>>
      %dma_start3A_789 = arith.constant 24 : i32
      %dma_start3A_790 = tpu.memref_slice %arg6[%rem3A_48, %dma_start3A_789, %multiple_of3A_782] : memref<8x32x4096xf32, #tpu.memory_space<vmem_shared>> -> memref<1x8x128xf32, #tpu.memory_space<vmem_shared>>
      %dma_start3A_791 = tpu.memref_squeeze %dma_start3A_790 : memref<1x8x128xf32, #tpu.memory_space<vmem_shared>> -> memref<8x128xf32, #tpu.memory_space<vmem_shared>>
      tpu.enqueue_dma source(%dma_start3A_791 : memref<8x128xf32, #tpu.memory_space<vmem_shared>>) target(%dma_start3A_788 : memref<8x128xf32, #tpu.memory_space<hbm>>) target_semaphore(%arg8 : memref<!tpu.dma_semaphore, #tpu.memory_space<semaphore_mem>>)
      %add3A_792 = arith.constant 1792 : i32
      %add3A_793 = arith.addi %sub3A_49, %add3A_792 : i32
      %multiple_of3A_794 = tpu.assume_multiple %add3A_793, 8 : i32
      %dma_start3A_795 = arith.constant 3 : i32
      %dma_start3A_796 = arith.constant 14 : i32
      %dma_start3A_797 = arith.constant 0 : i32
      %dma_start3A_798 = arith.constant 0 : i32
      %dma_start3A_799 = tpu.memref_slice %arg4[%while3A_45, %dma_start3A_795, %dma_start3A_796, %dma_start3A_797, %dma_start3A_798] : memref<2048x4x16x8x128xf32, #tpu.memory_space<hbm>> -> memref<1x1x1x8x128xf32, #tpu.memory_space<hbm>>
      %dma_start3A_800 = tpu.memref_squeeze %dma_start3A_799 : memref<1x1x1x8x128xf32, #tpu.memory_space<hbm>> -> memref<8x128xf32, #tpu.memory_space<hbm>>
      %dma_start3A_801 = arith.constant 24 : i32
      %dma_start3A_802 = tpu.memref_slice %arg6[%rem3A_48, %dma_start3A_801, %multiple_of3A_794] : memref<8x32x4096xf32, #tpu.memory_space<vmem_shared>> -> memref<1x8x128xf32, #tpu.memory_space<vmem_shared>>
      %dma_start3A_803 = tpu.memref_squeeze %dma_start3A_802 : memref<1x8x128xf32, #tpu.memory_space<vmem_shared>> -> memref<8x128xf32, #tpu.memory_space<vmem_shared>>
      tpu.enqueue_dma source(%dma_start3A_803 : memref<8x128xf32, #tpu.memory_space<vmem_shared>>) target(%dma_start3A_800 : memref<8x128xf32, #tpu.memory_space<hbm>>) target_semaphore(%arg8 : memref<!tpu.dma_semaphore, #tpu.memory_space<semaphore_mem>>)
      %add3A_804 = arith.constant 1920 : i32
      %add3A_805 = arith.addi %sub3A_49, %add3A_804 : i32
      %multiple_of3A_806 = tpu.assume_multiple %add3A_805, 8 : i32
      %dma_start3A_807 = arith.constant 3 : i32
      %dma_start3A_808 = arith.constant 15 : i32
      %dma_start3A_809 = arith.constant 0 : i32
      %dma_start3A_810 = arith.constant 0 : i32
      %dma_start3A_811 = tpu.memref_slice %arg4[%while3A_45, %dma_start3A_807, %dma_start3A_808, %dma_start3A_809, %dma_start3A_810] : memref<2048x4x16x8x128xf32, #tpu.memory_space<hbm>> -> memref<1x1x1x8x128xf32, #tpu.memory_space<hbm>>
      %dma_start3A_812 = tpu.memref_squeeze %dma_start3A_811 : memref<1x1x1x8x128xf32, #tpu.memory_space<hbm>> -> memref<8x128xf32, #tpu.memory_space<hbm>>
      %dma_start3A_813 = arith.constant 24 : i32
      %dma_start3A_814 = tpu.memref_slice %arg6[%rem3A_48, %dma_start3A_813, %multiple_of3A_806] : memref<8x32x4096xf32, #tpu.memory_space<vmem_shared>> -> memref<1x8x128xf32, #tpu.memory_space<vmem_shared>>
      %dma_start3A_815 = tpu.memref_squeeze %dma_start3A_814 : memref<1x8x128xf32, #tpu.memory_space<vmem_shared>> -> memref<8x128xf32, #tpu.memory_space<vmem_shared>>
      tpu.enqueue_dma source(%dma_start3A_815 : memref<8x128xf32, #tpu.memory_space<vmem_shared>>) target(%dma_start3A_812 : memref<8x128xf32, #tpu.memory_space<hbm>>) target_semaphore(%arg8 : memref<!tpu.dma_semaphore, #tpu.memory_space<semaphore_mem>>)
      %rem3A_816 = arith.constant 8 : i32
      %rem3A_817 = arith.remsi %while3A_45, %rem3A_816 : i32
      %eq3A_818 = arith.constant 0 : i32
      %eq3A_819 = arith.cmpi eq, %rem3A_817, %eq3A_818 : i32
      %convert_element_type3A_820 = arith.extui %eq3A_819 : i1 to i32
      %cond3A_821 = arith.constant 0 : i32
      %cond3A_822 = arith.cmpi ne, %convert_element_type3A_820, %cond3A_821 : i32
      scf.if %cond3A_822 {
        %sub3A_829 = arith.subi %while3A_45, %mul3A_2 : i32
        %div3A = arith.constant 8 : i32
        %div3A_830 = arith.divsi %sub3A_829, %div3A : i32
        %add3A_831 = arith.addi %mul3A_6, %div3A_830 : i32
        %div3A_832 = arith.constant 16 : i32
        %div3A_833 = arith.divsi %add3A_831, %div3A_832 : i32
        %rem3A_834 = arith.constant 16 : i32
        %rem3A_835 = arith.remsi %add3A_831, %rem3A_834 : i32
        %sub3A_836 = arith.constant 15 : i32
        %sub3A_837 = arith.subi %sub3A_836, %div3A_833 : i32
        %dma_start3A_838 = arith.constant 0 : i32
        %dma_start3A_839 = arith.constant 0 : i32
        %dma_start3A_840 = arith.constant 0 : i32
        %dma_start3A_841 = tpu.memref_slice %arg5[%add3A_831, %dma_start3A_838, %dma_start3A_839, %dma_start3A_840] : memref<256x16x8x128xf32, #tpu.memory_space<hbm>> -> memref<1x16x8x128xf32, #tpu.memory_space<hbm>>
        %dma_start3A_842 = tpu.memref_squeeze %dma_start3A_841 : memref<1x16x8x128xf32, #tpu.memory_space<hbm>> -> memref<16x8x128xf32, #tpu.memory_space<hbm>>
        %dma_start3A_843 = arith.constant 0 : i32
        %dma_start3A_844 = arith.constant 0 : i32
        %dma_start3A_845 = tpu.memref_slice %arg7[%rem3A_835, %sub3A_837, %dma_start3A_843, %dma_start3A_844] : memref<16x31x8x128xf32, #tpu.memory_space<vmem_shared>> -> memref<1x16x8x128xf32, #tpu.memory_space<vmem_shared>>
        %dma_start3A_846 = tpu.memref_squeeze %dma_start3A_845 : memref<1x16x8x128xf32, #tpu.memory_space<vmem_shared>> -> memref<16x8x128xf32, #tpu.memory_space<vmem_shared>>
        tpu.enqueue_dma source(%dma_start3A_846 : memref<16x8x128xf32, #tpu.memory_space<vmem_shared>>) target(%dma_start3A_842 : memref<16x8x128xf32, #tpu.memory_space<hbm>>) target_semaphore(%arg9 : memref<!tpu.dma_semaphore, #tpu.memory_space<semaphore_mem>>)
      } else {
      }
      %add3A_823 = arith.constant 2 : i32
      %add3A_824 = arith.addi %mul3A_2, %add3A_823 : i32
      %ge3A = arith.cmpi sge, %while3A_45, %add3A_824 : i32
      %convert_element_type3A_825 = arith.extui %ge3A : i1 to i32
      %cond3A_826 = arith.constant 0 : i32
      %cond3A_827 = arith.cmpi ne, %convert_element_type3A_825, %cond3A_826 : i32
      scf.if %cond3A_827 {
        %scan3A_829 = arith.constant 0 : i32
        %scan3A_830 = arith.constant 0 : i32
        %scan3A_831 = arith.constant 64 : i32
        %scan3A_832 = arith.addi %scan3A_830, %scan3A_831 : i32
        %scan3A_833 = arith.constant 8 : i32
        %scan3A_834 = scf.for %scan3A_836 = %scan3A_830 to %scan3A_832 step %scan3A_833 iter_args(%scan3A_837 = %scan3A_829) -> (i32)  : i32 {
          %dma_wait3A = arith.constant 0 : i32
          %dma_wait3A_838 = arith.constant 0 : i32
          %dma_wait3A_839 = arith.constant 0 : i32
          %dma_wait3A_840 = arith.constant 0 : i32
          %dma_wait3A_841 = arith.constant 0 : i32
          %dma_wait3A_842 = arith.constant 0 : i32
          %dma_wait3A_843 = tpu.memref_slice %arg4[%dma_wait3A_838, %dma_wait3A_839, %dma_wait3A_840, %dma_wait3A_841, %dma_wait3A_842] : memref<2048x4x16x8x128xf32, #tpu.memory_space<hbm>> -> memref<1x1x1x8x128xf32, #tpu.memory_space<hbm>>
          %dma_wait3A_844 = tpu.memref_squeeze %dma_wait3A_843 : memref<1x1x1x8x128xf32, #tpu.memory_space<hbm>> -> memref<8x128xf32, #tpu.memory_space<hbm>>
          %dma_wait3A_845 = arith.constant 0 : i32
          %dma_wait3A_846 = arith.constant 0 : i32
          %dma_wait3A_847 = tpu.memref_slice %arg6[%dma_wait3A, %dma_wait3A_845, %dma_wait3A_846] : memref<8x32x4096xf32, #tpu.memory_space<vmem_shared>> -> memref<1x8x128xf32, #tpu.memory_space<vmem_shared>>
          %dma_wait3A_848 = tpu.memref_squeeze %dma_wait3A_847 : memref<1x8x128xf32, #tpu.memory_space<vmem_shared>> -> memref<8x128xf32, #tpu.memory_space<vmem_shared>>
          tpu.wait_dma2 semaphore(%arg8 : memref<!tpu.dma_semaphore, #tpu.memory_space<semaphore_mem>>) src(%dma_wait3A_848 : memref<8x128xf32, #tpu.memory_space<vmem_shared>>) dst(%dma_wait3A_844 : memref<8x128xf32, #tpu.memory_space<hbm>>)
          %scan3A_849 = arith.constant 0 : i32
          %scan3A_850 = arith.constant 1 : i32
          %scan3A_851 = arith.addi %scan3A_836, %scan3A_850 : i32
          %dma_wait3A_852 = arith.constant 0 : i32
          %dma_wait3A_853 = arith.constant 0 : i32
          %dma_wait3A_854 = arith.constant 0 : i32
          %dma_wait3A_855 = arith.constant 0 : i32
          %dma_wait3A_856 = arith.constant 0 : i32
          %dma_wait3A_857 = arith.constant 0 : i32
          %dma_wait3A_858 = tpu.memref_slice %arg4[%dma_wait3A_853, %dma_wait3A_854, %dma_wait3A_855, %dma_wait3A_856, %dma_wait3A_857] : memref<2048x4x16x8x128xf32, #tpu.memory_space<hbm>> -> memref<1x1x1x8x128xf32, #tpu.memory_space<hbm>>
          %dma_wait3A_859 = tpu.memref_squeeze %dma_wait3A_858 : memref<1x1x1x8x128xf32, #tpu.memory_space<hbm>> -> memref<8x128xf32, #tpu.memory_space<hbm>>
          %dma_wait3A_860 = arith.constant 0 : i32
          %dma_wait3A_861 = arith.constant 0 : i32
          %dma_wait3A_862 = tpu.memref_slice %arg6[%dma_wait3A_852, %dma_wait3A_860, %dma_wait3A_861] : memref<8x32x4096xf32, #tpu.memory_space<vmem_shared>> -> memref<1x8x128xf32, #tpu.memory_space<vmem_shared>>
          %dma_wait3A_863 = tpu.memref_squeeze %dma_wait3A_862 : memref<1x8x128xf32, #tpu.memory_space<vmem_shared>> -> memref<8x128xf32, #tpu.memory_space<vmem_shared>>
          tpu.wait_dma2 semaphore(%arg8 : memref<!tpu.dma_semaphore, #tpu.memory_space<semaphore_mem>>) src(%dma_wait3A_863 : memref<8x128xf32, #tpu.memory_space<vmem_shared>>) dst(%dma_wait3A_859 : memref<8x128xf32, #tpu.memory_space<hbm>>)
          %scan3A_864 = arith.constant 0 : i32
          %scan3A_865 = arith.constant 2 : i32
          %scan3A_866 = arith.addi %scan3A_836, %scan3A_865 : i32
          %dma_wait3A_867 = arith.constant 0 : i32
          %dma_wait3A_868 = arith.constant 0 : i32
          %dma_wait3A_869 = arith.constant 0 : i32
          %dma_wait3A_870 = arith.constant 0 : i32
          %dma_wait3A_871 = arith.constant 0 : i32
          %dma_wait3A_872 = arith.constant 0 : i32
          %dma_wait3A_873 = tpu.memref_slice %arg4[%dma_wait3A_868, %dma_wait3A_869, %dma_wait3A_870, %dma_wait3A_871, %dma_wait3A_872] : memref<2048x4x16x8x128xf32, #tpu.memory_space<hbm>> -> memref<1x1x1x8x128xf32, #tpu.memory_space<hbm>>
          %dma_wait3A_874 = tpu.memref_squeeze %dma_wait3A_873 : memref<1x1x1x8x128xf32, #tpu.memory_space<hbm>> -> memref<8x128xf32, #tpu.memory_space<hbm>>
          %dma_wait3A_875 = arith.constant 0 : i32
          %dma_wait3A_876 = arith.constant 0 : i32
          %dma_wait3A_877 = tpu.memref_slice %arg6[%dma_wait3A_867, %dma_wait3A_875, %dma_wait3A_876] : memref<8x32x4096xf32, #tpu.memory_space<vmem_shared>> -> memref<1x8x128xf32, #tpu.memory_space<vmem_shared>>
          %dma_wait3A_878 = tpu.memref_squeeze %dma_wait3A_877 : memref<1x8x128xf32, #tpu.memory_space<vmem_shared>> -> memref<8x128xf32, #tpu.memory_space<vmem_shared>>
          tpu.wait_dma2 semaphore(%arg8 : memref<!tpu.dma_semaphore, #tpu.memory_space<semaphore_mem>>) src(%dma_wait3A_878 : memref<8x128xf32, #tpu.memory_space<vmem_shared>>) dst(%dma_wait3A_874 : memref<8x128xf32, #tpu.memory_space<hbm>>)
          %scan3A_879 = arith.constant 0 : i32
          %scan3A_880 = arith.constant 3 : i32
          %scan3A_881 = arith.addi %scan3A_836, %scan3A_880 : i32
          %dma_wait3A_882 = arith.constant 0 : i32
          %dma_wait3A_883 = arith.constant 0 : i32
          %dma_wait3A_884 = arith.constant 0 : i32
          %dma_wait3A_885 = arith.constant 0 : i32
          %dma_wait3A_886 = arith.constant 0 : i32
          %dma_wait3A_887 = arith.constant 0 : i32
          %dma_wait3A_888 = tpu.memref_slice %arg4[%dma_wait3A_883, %dma_wait3A_884, %dma_wait3A_885, %dma_wait3A_886, %dma_wait3A_887] : memref<2048x4x16x8x128xf32, #tpu.memory_space<hbm>> -> memref<1x1x1x8x128xf32, #tpu.memory_space<hbm>>
          %dma_wait3A_889 = tpu.memref_squeeze %dma_wait3A_888 : memref<1x1x1x8x128xf32, #tpu.memory_space<hbm>> -> memref<8x128xf32, #tpu.memory_space<hbm>>
          %dma_wait3A_890 = arith.constant 0 : i32
          %dma_wait3A_891 = arith.constant 0 : i32
          %dma_wait3A_892 = tpu.memref_slice %arg6[%dma_wait3A_882, %dma_wait3A_890, %dma_wait3A_891] : memref<8x32x4096xf32, #tpu.memory_space<vmem_shared>> -> memref<1x8x128xf32, #tpu.memory_space<vmem_shared>>
          %dma_wait3A_893 = tpu.memref_squeeze %dma_wait3A_892 : memref<1x8x128xf32, #tpu.memory_space<vmem_shared>> -> memref<8x128xf32, #tpu.memory_space<vmem_shared>>
          tpu.wait_dma2 semaphore(%arg8 : memref<!tpu.dma_semaphore, #tpu.memory_space<semaphore_mem>>) src(%dma_wait3A_893 : memref<8x128xf32, #tpu.memory_space<vmem_shared>>) dst(%dma_wait3A_889 : memref<8x128xf32, #tpu.memory_space<hbm>>)
          %scan3A_894 = arith.constant 0 : i32
          %scan3A_895 = arith.constant 4 : i32
          %scan3A_896 = arith.addi %scan3A_836, %scan3A_895 : i32
          %dma_wait3A_897 = arith.constant 0 : i32
          %dma_wait3A_898 = arith.constant 0 : i32
          %dma_wait3A_899 = arith.constant 0 : i32
          %dma_wait3A_900 = arith.constant 0 : i32
          %dma_wait3A_901 = arith.constant 0 : i32
          %dma_wait3A_902 = arith.constant 0 : i32
          %dma_wait3A_903 = tpu.memref_slice %arg4[%dma_wait3A_898, %dma_wait3A_899, %dma_wait3A_900, %dma_wait3A_901, %dma_wait3A_902] : memref<2048x4x16x8x128xf32, #tpu.memory_space<hbm>> -> memref<1x1x1x8x128xf32, #tpu.memory_space<hbm>>
          %dma_wait3A_904 = tpu.memref_squeeze %dma_wait3A_903 : memref<1x1x1x8x128xf32, #tpu.memory_space<hbm>> -> memref<8x128xf32, #tpu.memory_space<hbm>>
          %dma_wait3A_905 = arith.constant 0 : i32
          %dma_wait3A_906 = arith.constant 0 : i32
          %dma_wait3A_907 = tpu.memref_slice %arg6[%dma_wait3A_897, %dma_wait3A_905, %dma_wait3A_906] : memref<8x32x4096xf32, #tpu.memory_space<vmem_shared>> -> memref<1x8x128xf32, #tpu.memory_space<vmem_shared>>
          %dma_wait3A_908 = tpu.memref_squeeze %dma_wait3A_907 : memref<1x8x128xf32, #tpu.memory_space<vmem_shared>> -> memref<8x128xf32, #tpu.memory_space<vmem_shared>>
          tpu.wait_dma2 semaphore(%arg8 : memref<!tpu.dma_semaphore, #tpu.memory_space<semaphore_mem>>) src(%dma_wait3A_908 : memref<8x128xf32, #tpu.memory_space<vmem_shared>>) dst(%dma_wait3A_904 : memref<8x128xf32, #tpu.memory_space<hbm>>)
          %scan3A_909 = arith.constant 0 : i32
          %scan3A_910 = arith.constant 5 : i32
          %scan3A_911 = arith.addi %scan3A_836, %scan3A_910 : i32
          %dma_wait3A_912 = arith.constant 0 : i32
          %dma_wait3A_913 = arith.constant 0 : i32
          %dma_wait3A_914 = arith.constant 0 : i32
          %dma_wait3A_915 = arith.constant 0 : i32
          %dma_wait3A_916 = arith.constant 0 : i32
          %dma_wait3A_917 = arith.constant 0 : i32
          %dma_wait3A_918 = tpu.memref_slice %arg4[%dma_wait3A_913, %dma_wait3A_914, %dma_wait3A_915, %dma_wait3A_916, %dma_wait3A_917] : memref<2048x4x16x8x128xf32, #tpu.memory_space<hbm>> -> memref<1x1x1x8x128xf32, #tpu.memory_space<hbm>>
          %dma_wait3A_919 = tpu.memref_squeeze %dma_wait3A_918 : memref<1x1x1x8x128xf32, #tpu.memory_space<hbm>> -> memref<8x128xf32, #tpu.memory_space<hbm>>
          %dma_wait3A_920 = arith.constant 0 : i32
          %dma_wait3A_921 = arith.constant 0 : i32
          %dma_wait3A_922 = tpu.memref_slice %arg6[%dma_wait3A_912, %dma_wait3A_920, %dma_wait3A_921] : memref<8x32x4096xf32, #tpu.memory_space<vmem_shared>> -> memref<1x8x128xf32, #tpu.memory_space<vmem_shared>>
          %dma_wait3A_923 = tpu.memref_squeeze %dma_wait3A_922 : memref<1x8x128xf32, #tpu.memory_space<vmem_shared>> -> memref<8x128xf32, #tpu.memory_space<vmem_shared>>
          tpu.wait_dma2 semaphore(%arg8 : memref<!tpu.dma_semaphore, #tpu.memory_space<semaphore_mem>>) src(%dma_wait3A_923 : memref<8x128xf32, #tpu.memory_space<vmem_shared>>) dst(%dma_wait3A_919 : memref<8x128xf32, #tpu.memory_space<hbm>>)
          %scan3A_924 = arith.constant 0 : i32
          %scan3A_925 = arith.constant 6 : i32
          %scan3A_926 = arith.addi %scan3A_836, %scan3A_925 : i32
          %dma_wait3A_927 = arith.constant 0 : i32
          %dma_wait3A_928 = arith.constant 0 : i32
          %dma_wait3A_929 = arith.constant 0 : i32
          %dma_wait3A_930 = arith.constant 0 : i32
          %dma_wait3A_931 = arith.constant 0 : i32
          %dma_wait3A_932 = arith.constant 0 : i32
          %dma_wait3A_933 = tpu.memref_slice %arg4[%dma_wait3A_928, %dma_wait3A_929, %dma_wait3A_930, %dma_wait3A_931, %dma_wait3A_932] : memref<2048x4x16x8x128xf32, #tpu.memory_space<hbm>> -> memref<1x1x1x8x128xf32, #tpu.memory_space<hbm>>
          %dma_wait3A_934 = tpu.memref_squeeze %dma_wait3A_933 : memref<1x1x1x8x128xf32, #tpu.memory_space<hbm>> -> memref<8x128xf32, #tpu.memory_space<hbm>>
          %dma_wait3A_935 = arith.constant 0 : i32
          %dma_wait3A_936 = arith.constant 0 : i32
          %dma_wait3A_937 = tpu.memref_slice %arg6[%dma_wait3A_927, %dma_wait3A_935, %dma_wait3A_936] : memref<8x32x4096xf32, #tpu.memory_space<vmem_shared>> -> memref<1x8x128xf32, #tpu.memory_space<vmem_shared>>
          %dma_wait3A_938 = tpu.memref_squeeze %dma_wait3A_937 : memref<1x8x128xf32, #tpu.memory_space<vmem_shared>> -> memref<8x128xf32, #tpu.memory_space<vmem_shared>>
          tpu.wait_dma2 semaphore(%arg8 : memref<!tpu.dma_semaphore, #tpu.memory_space<semaphore_mem>>) src(%dma_wait3A_938 : memref<8x128xf32, #tpu.memory_space<vmem_shared>>) dst(%dma_wait3A_934 : memref<8x128xf32, #tpu.memory_space<hbm>>)
          %scan3A_939 = arith.constant 0 : i32
          %scan3A_940 = arith.constant 7 : i32
          %scan3A_941 = arith.addi %scan3A_836, %scan3A_940 : i32
          %dma_wait3A_942 = arith.constant 0 : i32
          %dma_wait3A_943 = arith.constant 0 : i32
          %dma_wait3A_944 = arith.constant 0 : i32
          %dma_wait3A_945 = arith.constant 0 : i32
          %dma_wait3A_946 = arith.constant 0 : i32
          %dma_wait3A_947 = arith.constant 0 : i32
          %dma_wait3A_948 = tpu.memref_slice %arg4[%dma_wait3A_943, %dma_wait3A_944, %dma_wait3A_945, %dma_wait3A_946, %dma_wait3A_947] : memref<2048x4x16x8x128xf32, #tpu.memory_space<hbm>> -> memref<1x1x1x8x128xf32, #tpu.memory_space<hbm>>
          %dma_wait3A_949 = tpu.memref_squeeze %dma_wait3A_948 : memref<1x1x1x8x128xf32, #tpu.memory_space<hbm>> -> memref<8x128xf32, #tpu.memory_space<hbm>>
          %dma_wait3A_950 = arith.constant 0 : i32
          %dma_wait3A_951 = arith.constant 0 : i32
          %dma_wait3A_952 = tpu.memref_slice %arg6[%dma_wait3A_942, %dma_wait3A_950, %dma_wait3A_951] : memref<8x32x4096xf32, #tpu.memory_space<vmem_shared>> -> memref<1x8x128xf32, #tpu.memory_space<vmem_shared>>
          %dma_wait3A_953 = tpu.memref_squeeze %dma_wait3A_952 : memref<1x8x128xf32, #tpu.memory_space<vmem_shared>> -> memref<8x128xf32, #tpu.memory_space<vmem_shared>>
          tpu.wait_dma2 semaphore(%arg8 : memref<!tpu.dma_semaphore, #tpu.memory_space<semaphore_mem>>) src(%dma_wait3A_953 : memref<8x128xf32, #tpu.memory_space<vmem_shared>>) dst(%dma_wait3A_949 : memref<8x128xf32, #tpu.memory_space<hbm>>)
          %scan3A_954 = arith.constant 0 : i32
          scf.yield %scan3A_954 : i32
        }
        %scan3A_835 = arith.constant 64 : i32
      } else {
      }
      %while3A_828 = arith.constant 0 : i32
      scf.yield %while3A_828 : i32
    }
    %scan3A = arith.constant 0 : i32
    %scan3A_19 = arith.constant 0 : i32
    %scan3A_20 = arith.constant 64 : i32
    %scan3A_21 = arith.addi %scan3A_19, %scan3A_20 : i32
    %scan3A_22 = arith.constant 8 : i32
    %scan3A_23 = scf.for %scan3A_45 = %scan3A_19 to %scan3A_21 step %scan3A_22 iter_args(%scan3A_46 = %scan3A) -> (i32)  : i32 {
      %dma_wait3A = arith.constant 0 : i32
      %dma_wait3A_47 = arith.constant 0 : i32
      %dma_wait3A_48 = arith.constant 0 : i32
      %dma_wait3A_49 = arith.constant 0 : i32
      %dma_wait3A_50 = arith.constant 0 : i32
      %dma_wait3A_51 = arith.constant 0 : i32
      %dma_wait3A_52 = tpu.memref_slice %arg4[%dma_wait3A_47, %dma_wait3A_48, %dma_wait3A_49, %dma_wait3A_50, %dma_wait3A_51] : memref<2048x4x16x8x128xf32, #tpu.memory_space<hbm>> -> memref<1x1x1x8x128xf32, #tpu.memory_space<hbm>>
      %dma_wait3A_53 = tpu.memref_squeeze %dma_wait3A_52 : memref<1x1x1x8x128xf32, #tpu.memory_space<hbm>> -> memref<8x128xf32, #tpu.memory_space<hbm>>
      %dma_wait3A_54 = arith.constant 0 : i32
      %dma_wait3A_55 = arith.constant 0 : i32
      %dma_wait3A_56 = tpu.memref_slice %arg6[%dma_wait3A, %dma_wait3A_54, %dma_wait3A_55] : memref<8x32x4096xf32, #tpu.memory_space<vmem_shared>> -> memref<1x8x128xf32, #tpu.memory_space<vmem_shared>>
      %dma_wait3A_57 = tpu.memref_squeeze %dma_wait3A_56 : memref<1x8x128xf32, #tpu.memory_space<vmem_shared>> -> memref<8x128xf32, #tpu.memory_space<vmem_shared>>
      tpu.wait_dma2 semaphore(%arg8 : memref<!tpu.dma_semaphore, #tpu.memory_space<semaphore_mem>>) src(%dma_wait3A_57 : memref<8x128xf32, #tpu.memory_space<vmem_shared>>) dst(%dma_wait3A_53 : memref<8x128xf32, #tpu.memory_space<hbm>>)
      %scan3A_58 = arith.constant 0 : i32
      %scan3A_59 = arith.constant 1 : i32
      %scan3A_60 = arith.addi %scan3A_45, %scan3A_59 : i32
      %dma_wait3A_61 = arith.constant 0 : i32
      %dma_wait3A_62 = arith.constant 0 : i32
      %dma_wait3A_63 = arith.constant 0 : i32
      %dma_wait3A_64 = arith.constant 0 : i32
      %dma_wait3A_65 = arith.constant 0 : i32
      %dma_wait3A_66 = arith.constant 0 : i32
      %dma_wait3A_67 = tpu.memref_slice %arg4[%dma_wait3A_62, %dma_wait3A_63, %dma_wait3A_64, %dma_wait3A_65, %dma_wait3A_66] : memref<2048x4x16x8x128xf32, #tpu.memory_space<hbm>> -> memref<1x1x1x8x128xf32, #tpu.memory_space<hbm>>
      %dma_wait3A_68 = tpu.memref_squeeze %dma_wait3A_67 : memref<1x1x1x8x128xf32, #tpu.memory_space<hbm>> -> memref<8x128xf32, #tpu.memory_space<hbm>>
      %dma_wait3A_69 = arith.constant 0 : i32
      %dma_wait3A_70 = arith.constant 0 : i32
      %dma_wait3A_71 = tpu.memref_slice %arg6[%dma_wait3A_61, %dma_wait3A_69, %dma_wait3A_70] : memref<8x32x4096xf32, #tpu.memory_space<vmem_shared>> -> memref<1x8x128xf32, #tpu.memory_space<vmem_shared>>
      %dma_wait3A_72 = tpu.memref_squeeze %dma_wait3A_71 : memref<1x8x128xf32, #tpu.memory_space<vmem_shared>> -> memref<8x128xf32, #tpu.memory_space<vmem_shared>>
      tpu.wait_dma2 semaphore(%arg8 : memref<!tpu.dma_semaphore, #tpu.memory_space<semaphore_mem>>) src(%dma_wait3A_72 : memref<8x128xf32, #tpu.memory_space<vmem_shared>>) dst(%dma_wait3A_68 : memref<8x128xf32, #tpu.memory_space<hbm>>)
      %scan3A_73 = arith.constant 0 : i32
      %scan3A_74 = arith.constant 2 : i32
      %scan3A_75 = arith.addi %scan3A_45, %scan3A_74 : i32
      %dma_wait3A_76 = arith.constant 0 : i32
      %dma_wait3A_77 = arith.constant 0 : i32
      %dma_wait3A_78 = arith.constant 0 : i32
      %dma_wait3A_79 = arith.constant 0 : i32
      %dma_wait3A_80 = arith.constant 0 : i32
      %dma_wait3A_81 = arith.constant 0 : i32
      %dma_wait3A_82 = tpu.memref_slice %arg4[%dma_wait3A_77, %dma_wait3A_78, %dma_wait3A_79, %dma_wait3A_80, %dma_wait3A_81] : memref<2048x4x16x8x128xf32, #tpu.memory_space<hbm>> -> memref<1x1x1x8x128xf32, #tpu.memory_space<hbm>>
      %dma_wait3A_83 = tpu.memref_squeeze %dma_wait3A_82 : memref<1x1x1x8x128xf32, #tpu.memory_space<hbm>> -> memref<8x128xf32, #tpu.memory_space<hbm>>
      %dma_wait3A_84 = arith.constant 0 : i32
      %dma_wait3A_85 = arith.constant 0 : i32
      %dma_wait3A_86 = tpu.memref_slice %arg6[%dma_wait3A_76, %dma_wait3A_84, %dma_wait3A_85] : memref<8x32x4096xf32, #tpu.memory_space<vmem_shared>> -> memref<1x8x128xf32, #tpu.memory_space<vmem_shared>>
      %dma_wait3A_87 = tpu.memref_squeeze %dma_wait3A_86 : memref<1x8x128xf32, #tpu.memory_space<vmem_shared>> -> memref<8x128xf32, #tpu.memory_space<vmem_shared>>
      tpu.wait_dma2 semaphore(%arg8 : memref<!tpu.dma_semaphore, #tpu.memory_space<semaphore_mem>>) src(%dma_wait3A_87 : memref<8x128xf32, #tpu.memory_space<vmem_shared>>) dst(%dma_wait3A_83 : memref<8x128xf32, #tpu.memory_space<hbm>>)
      %scan3A_88 = arith.constant 0 : i32
      %scan3A_89 = arith.constant 3 : i32
      %scan3A_90 = arith.addi %scan3A_45, %scan3A_89 : i32
      %dma_wait3A_91 = arith.constant 0 : i32
      %dma_wait3A_92 = arith.constant 0 : i32
      %dma_wait3A_93 = arith.constant 0 : i32
      %dma_wait3A_94 = arith.constant 0 : i32
      %dma_wait3A_95 = arith.constant 0 : i32
      %dma_wait3A_96 = arith.constant 0 : i32
      %dma_wait3A_97 = tpu.memref_slice %arg4[%dma_wait3A_92, %dma_wait3A_93, %dma_wait3A_94, %dma_wait3A_95, %dma_wait3A_96] : memref<2048x4x16x8x128xf32, #tpu.memory_space<hbm>> -> memref<1x1x1x8x128xf32, #tpu.memory_space<hbm>>
      %dma_wait3A_98 = tpu.memref_squeeze %dma_wait3A_97 : memref<1x1x1x8x128xf32, #tpu.memory_space<hbm>> -> memref<8x128xf32, #tpu.memory_space<hbm>>
      %dma_wait3A_99 = arith.constant 0 : i32
      %dma_wait3A_100 = arith.constant 0 : i32
      %dma_wait3A_101 = tpu.memref_slice %arg6[%dma_wait3A_91, %dma_wait3A_99, %dma_wait3A_100] : memref<8x32x4096xf32, #tpu.memory_space<vmem_shared>> -> memref<1x8x128xf32, #tpu.memory_space<vmem_shared>>
      %dma_wait3A_102 = tpu.memref_squeeze %dma_wait3A_101 : memref<1x8x128xf32, #tpu.memory_space<vmem_shared>> -> memref<8x128xf32, #tpu.memory_space<vmem_shared>>
      tpu.wait_dma2 semaphore(%arg8 : memref<!tpu.dma_semaphore, #tpu.memory_space<semaphore_mem>>) src(%dma_wait3A_102 : memref<8x128xf32, #tpu.memory_space<vmem_shared>>) dst(%dma_wait3A_98 : memref<8x128xf32, #tpu.memory_space<hbm>>)
      %scan3A_103 = arith.constant 0 : i32
      %scan3A_104 = arith.constant 4 : i32
      %scan3A_105 = arith.addi %scan3A_45, %scan3A_104 : i32
      %dma_wait3A_106 = arith.constant 0 : i32
      %dma_wait3A_107 = arith.constant 0 : i32
      %dma_wait3A_108 = arith.constant 0 : i32
      %dma_wait3A_109 = arith.constant 0 : i32
      %dma_wait3A_110 = arith.constant 0 : i32
      %dma_wait3A_111 = arith.constant 0 : i32
      %dma_wait3A_112 = tpu.memref_slice %arg4[%dma_wait3A_107, %dma_wait3A_108, %dma_wait3A_109, %dma_wait3A_110, %dma_wait3A_111] : memref<2048x4x16x8x128xf32, #tpu.memory_space<hbm>> -> memref<1x1x1x8x128xf32, #tpu.memory_space<hbm>>
      %dma_wait3A_113 = tpu.memref_squeeze %dma_wait3A_112 : memref<1x1x1x8x128xf32, #tpu.memory_space<hbm>> -> memref<8x128xf32, #tpu.memory_space<hbm>>
      %dma_wait3A_114 = arith.constant 0 : i32
      %dma_wait3A_115 = arith.constant 0 : i32
      %dma_wait3A_116 = tpu.memref_slice %arg6[%dma_wait3A_106, %dma_wait3A_114, %dma_wait3A_115] : memref<8x32x4096xf32, #tpu.memory_space<vmem_shared>> -> memref<1x8x128xf32, #tpu.memory_space<vmem_shared>>
      %dma_wait3A_117 = tpu.memref_squeeze %dma_wait3A_116 : memref<1x8x128xf32, #tpu.memory_space<vmem_shared>> -> memref<8x128xf32, #tpu.memory_space<vmem_shared>>
      tpu.wait_dma2 semaphore(%arg8 : memref<!tpu.dma_semaphore, #tpu.memory_space<semaphore_mem>>) src(%dma_wait3A_117 : memref<8x128xf32, #tpu.memory_space<vmem_shared>>) dst(%dma_wait3A_113 : memref<8x128xf32, #tpu.memory_space<hbm>>)
      %scan3A_118 = arith.constant 0 : i32
      %scan3A_119 = arith.constant 5 : i32
      %scan3A_120 = arith.addi %scan3A_45, %scan3A_119 : i32
      %dma_wait3A_121 = arith.constant 0 : i32
      %dma_wait3A_122 = arith.constant 0 : i32
      %dma_wait3A_123 = arith.constant 0 : i32
      %dma_wait3A_124 = arith.constant 0 : i32
      %dma_wait3A_125 = arith.constant 0 : i32
      %dma_wait3A_126 = arith.constant 0 : i32
      %dma_wait3A_127 = tpu.memref_slice %arg4[%dma_wait3A_122, %dma_wait3A_123, %dma_wait3A_124, %dma_wait3A_125, %dma_wait3A_126] : memref<2048x4x16x8x128xf32, #tpu.memory_space<hbm>> -> memref<1x1x1x8x128xf32, #tpu.memory_space<hbm>>
      %dma_wait3A_128 = tpu.memref_squeeze %dma_wait3A_127 : memref<1x1x1x8x128xf32, #tpu.memory_space<hbm>> -> memref<8x128xf32, #tpu.memory_space<hbm>>
      %dma_wait3A_129 = arith.constant 0 : i32
      %dma_wait3A_130 = arith.constant 0 : i32
      %dma_wait3A_131 = tpu.memref_slice %arg6[%dma_wait3A_121, %dma_wait3A_129, %dma_wait3A_130] : memref<8x32x4096xf32, #tpu.memory_space<vmem_shared>> -> memref<1x8x128xf32, #tpu.memory_space<vmem_shared>>
      %dma_wait3A_132 = tpu.memref_squeeze %dma_wait3A_131 : memref<1x8x128xf32, #tpu.memory_space<vmem_shared>> -> memref<8x128xf32, #tpu.memory_space<vmem_shared>>
      tpu.wait_dma2 semaphore(%arg8 : memref<!tpu.dma_semaphore, #tpu.memory_space<semaphore_mem>>) src(%dma_wait3A_132 : memref<8x128xf32, #tpu.memory_space<vmem_shared>>) dst(%dma_wait3A_128 : memref<8x128xf32, #tpu.memory_space<hbm>>)
      %scan3A_133 = arith.constant 0 : i32
      %scan3A_134 = arith.constant 6 : i32
      %scan3A_135 = arith.addi %scan3A_45, %scan3A_134 : i32
      %dma_wait3A_136 = arith.constant 0 : i32
      %dma_wait3A_137 = arith.constant 0 : i32
      %dma_wait3A_138 = arith.constant 0 : i32
      %dma_wait3A_139 = arith.constant 0 : i32
      %dma_wait3A_140 = arith.constant 0 : i32
      %dma_wait3A_141 = arith.constant 0 : i32
      %dma_wait3A_142 = tpu.memref_slice %arg4[%dma_wait3A_137, %dma_wait3A_138, %dma_wait3A_139, %dma_wait3A_140, %dma_wait3A_141] : memref<2048x4x16x8x128xf32, #tpu.memory_space<hbm>> -> memref<1x1x1x8x128xf32, #tpu.memory_space<hbm>>
      %dma_wait3A_143 = tpu.memref_squeeze %dma_wait3A_142 : memref<1x1x1x8x128xf32, #tpu.memory_space<hbm>> -> memref<8x128xf32, #tpu.memory_space<hbm>>
      %dma_wait3A_144 = arith.constant 0 : i32
      %dma_wait3A_145 = arith.constant 0 : i32
      %dma_wait3A_146 = tpu.memref_slice %arg6[%dma_wait3A_136, %dma_wait3A_144, %dma_wait3A_145] : memref<8x32x4096xf32, #tpu.memory_space<vmem_shared>> -> memref<1x8x128xf32, #tpu.memory_space<vmem_shared>>
      %dma_wait3A_147 = tpu.memref_squeeze %dma_wait3A_146 : memref<1x8x128xf32, #tpu.memory_space<vmem_shared>> -> memref<8x128xf32, #tpu.memory_space<vmem_shared>>
      tpu.wait_dma2 semaphore(%arg8 : memref<!tpu.dma_semaphore, #tpu.memory_space<semaphore_mem>>) src(%dma_wait3A_147 : memref<8x128xf32, #tpu.memory_space<vmem_shared>>) dst(%dma_wait3A_143 : memref<8x128xf32, #tpu.memory_space<hbm>>)
      %scan3A_148 = arith.constant 0 : i32
      %scan3A_149 = arith.constant 7 : i32
      %scan3A_150 = arith.addi %scan3A_45, %scan3A_149 : i32
      %dma_wait3A_151 = arith.constant 0 : i32
      %dma_wait3A_152 = arith.constant 0 : i32
      %dma_wait3A_153 = arith.constant 0 : i32
      %dma_wait3A_154 = arith.constant 0 : i32
      %dma_wait3A_155 = arith.constant 0 : i32
      %dma_wait3A_156 = arith.constant 0 : i32
      %dma_wait3A_157 = tpu.memref_slice %arg4[%dma_wait3A_152, %dma_wait3A_153, %dma_wait3A_154, %dma_wait3A_155, %dma_wait3A_156] : memref<2048x4x16x8x128xf32, #tpu.memory_space<hbm>> -> memref<1x1x1x8x128xf32, #tpu.memory_space<hbm>>
      %dma_wait3A_158 = tpu.memref_squeeze %dma_wait3A_157 : memref<1x1x1x8x128xf32, #tpu.memory_space<hbm>> -> memref<8x128xf32, #tpu.memory_space<hbm>>
      %dma_wait3A_159 = arith.constant 0 : i32
      %dma_wait3A_160 = arith.constant 0 : i32
      %dma_wait3A_161 = tpu.memref_slice %arg6[%dma_wait3A_151, %dma_wait3A_159, %dma_wait3A_160] : memref<8x32x4096xf32, #tpu.memory_space<vmem_shared>> -> memref<1x8x128xf32, #tpu.memory_space<vmem_shared>>
      %dma_wait3A_162 = tpu.memref_squeeze %dma_wait3A_161 : memref<1x8x128xf32, #tpu.memory_space<vmem_shared>> -> memref<8x128xf32, #tpu.memory_space<vmem_shared>>
      tpu.wait_dma2 semaphore(%arg8 : memref<!tpu.dma_semaphore, #tpu.memory_space<semaphore_mem>>) src(%dma_wait3A_162 : memref<8x128xf32, #tpu.memory_space<vmem_shared>>) dst(%dma_wait3A_158 : memref<8x128xf32, #tpu.memory_space<hbm>>)
      %scan3A_163 = arith.constant 0 : i32
      scf.yield %scan3A_163 : i32
    }
    %scan3A_24 = arith.constant 64 : i32
    %scan3A_25 = arith.constant 0 : i32
    %scan3A_26 = arith.constant 0 : i32
    %scan3A_27 = arith.constant 64 : i32
    %scan3A_28 = arith.addi %scan3A_26, %scan3A_27 : i32
    %scan3A_29 = arith.constant 8 : i32
    %scan3A_30 = scf.for %scan3A_45 = %scan3A_26 to %scan3A_28 step %scan3A_29 iter_args(%scan3A_46 = %scan3A_25) -> (i32)  : i32 {
      %dma_wait3A = arith.constant 0 : i32
      %dma_wait3A_47 = arith.constant 0 : i32
      %dma_wait3A_48 = arith.constant 0 : i32
      %dma_wait3A_49 = arith.constant 0 : i32
      %dma_wait3A_50 = arith.constant 0 : i32
      %dma_wait3A_51 = arith.constant 0 : i32
      %dma_wait3A_52 = tpu.memref_slice %arg4[%dma_wait3A_47, %dma_wait3A_48, %dma_wait3A_49, %dma_wait3A_50, %dma_wait3A_51] : memref<2048x4x16x8x128xf32, #tpu.memory_space<hbm>> -> memref<1x1x1x8x128xf32, #tpu.memory_space<hbm>>
      %dma_wait3A_53 = tpu.memref_squeeze %dma_wait3A_52 : memref<1x1x1x8x128xf32, #tpu.memory_space<hbm>> -> memref<8x128xf32, #tpu.memory_space<hbm>>
      %dma_wait3A_54 = arith.constant 0 : i32
      %dma_wait3A_55 = arith.constant 0 : i32
      %dma_wait3A_56 = tpu.memref_slice %arg6[%dma_wait3A, %dma_wait3A_54, %dma_wait3A_55] : memref<8x32x4096xf32, #tpu.memory_space<vmem_shared>> -> memref<1x8x128xf32, #tpu.memory_space<vmem_shared>>
      %dma_wait3A_57 = tpu.memref_squeeze %dma_wait3A_56 : memref<1x8x128xf32, #tpu.memory_space<vmem_shared>> -> memref<8x128xf32, #tpu.memory_space<vmem_shared>>
      tpu.wait_dma2 semaphore(%arg8 : memref<!tpu.dma_semaphore, #tpu.memory_space<semaphore_mem>>) src(%dma_wait3A_57 : memref<8x128xf32, #tpu.memory_space<vmem_shared>>) dst(%dma_wait3A_53 : memref<8x128xf32, #tpu.memory_space<hbm>>)
      %scan3A_58 = arith.constant 0 : i32
      %scan3A_59 = arith.constant 1 : i32
      %scan3A_60 = arith.addi %scan3A_45, %scan3A_59 : i32
      %dma_wait3A_61 = arith.constant 0 : i32
      %dma_wait3A_62 = arith.constant 0 : i32
      %dma_wait3A_63 = arith.constant 0 : i32
      %dma_wait3A_64 = arith.constant 0 : i32
      %dma_wait3A_65 = arith.constant 0 : i32
      %dma_wait3A_66 = arith.constant 0 : i32
      %dma_wait3A_67 = tpu.memref_slice %arg4[%dma_wait3A_62, %dma_wait3A_63, %dma_wait3A_64, %dma_wait3A_65, %dma_wait3A_66] : memref<2048x4x16x8x128xf32, #tpu.memory_space<hbm>> -> memref<1x1x1x8x128xf32, #tpu.memory_space<hbm>>
      %dma_wait3A_68 = tpu.memref_squeeze %dma_wait3A_67 : memref<1x1x1x8x128xf32, #tpu.memory_space<hbm>> -> memref<8x128xf32, #tpu.memory_space<hbm>>
      %dma_wait3A_69 = arith.constant 0 : i32
      %dma_wait3A_70 = arith.constant 0 : i32
      %dma_wait3A_71 = tpu.memref_slice %arg6[%dma_wait3A_61, %dma_wait3A_69, %dma_wait3A_70] : memref<8x32x4096xf32, #tpu.memory_space<vmem_shared>> -> memref<1x8x128xf32, #tpu.memory_space<vmem_shared>>
      %dma_wait3A_72 = tpu.memref_squeeze %dma_wait3A_71 : memref<1x8x128xf32, #tpu.memory_space<vmem_shared>> -> memref<8x128xf32, #tpu.memory_space<vmem_shared>>
      tpu.wait_dma2 semaphore(%arg8 : memref<!tpu.dma_semaphore, #tpu.memory_space<semaphore_mem>>) src(%dma_wait3A_72 : memref<8x128xf32, #tpu.memory_space<vmem_shared>>) dst(%dma_wait3A_68 : memref<8x128xf32, #tpu.memory_space<hbm>>)
      %scan3A_73 = arith.constant 0 : i32
      %scan3A_74 = arith.constant 2 : i32
      %scan3A_75 = arith.addi %scan3A_45, %scan3A_74 : i32
      %dma_wait3A_76 = arith.constant 0 : i32
      %dma_wait3A_77 = arith.constant 0 : i32
      %dma_wait3A_78 = arith.constant 0 : i32
      %dma_wait3A_79 = arith.constant 0 : i32
      %dma_wait3A_80 = arith.constant 0 : i32
      %dma_wait3A_81 = arith.constant 0 : i32
      %dma_wait3A_82 = tpu.memref_slice %arg4[%dma_wait3A_77, %dma_wait3A_78, %dma_wait3A_79, %dma_wait3A_80, %dma_wait3A_81] : memref<2048x4x16x8x128xf32, #tpu.memory_space<hbm>> -> memref<1x1x1x8x128xf32, #tpu.memory_space<hbm>>
      %dma_wait3A_83 = tpu.memref_squeeze %dma_wait3A_82 : memref<1x1x1x8x128xf32, #tpu.memory_space<hbm>> -> memref<8x128xf32, #tpu.memory_space<hbm>>
      %dma_wait3A_84 = arith.constant 0 : i32
      %dma_wait3A_85 = arith.constant 0 : i32
      %dma_wait3A_86 = tpu.memref_slice %arg6[%dma_wait3A_76, %dma_wait3A_84, %dma_wait3A_85] : memref<8x32x4096xf32, #tpu.memory_space<vmem_shared>> -> memref<1x8x128xf32, #tpu.memory_space<vmem_shared>>
      %dma_wait3A_87 = tpu.memref_squeeze %dma_wait3A_86 : memref<1x8x128xf32, #tpu.memory_space<vmem_shared>> -> memref<8x128xf32, #tpu.memory_space<vmem_shared>>
      tpu.wait_dma2 semaphore(%arg8 : memref<!tpu.dma_semaphore, #tpu.memory_space<semaphore_mem>>) src(%dma_wait3A_87 : memref<8x128xf32, #tpu.memory_space<vmem_shared>>) dst(%dma_wait3A_83 : memref<8x128xf32, #tpu.memory_space<hbm>>)
      %scan3A_88 = arith.constant 0 : i32
      %scan3A_89 = arith.constant 3 : i32
      %scan3A_90 = arith.addi %scan3A_45, %scan3A_89 : i32
      %dma_wait3A_91 = arith.constant 0 : i32
      %dma_wait3A_92 = arith.constant 0 : i32
      %dma_wait3A_93 = arith.constant 0 : i32
      %dma_wait3A_94 = arith.constant 0 : i32
      %dma_wait3A_95 = arith.constant 0 : i32
      %dma_wait3A_96 = arith.constant 0 : i32
      %dma_wait3A_97 = tpu.memref_slice %arg4[%dma_wait3A_92, %dma_wait3A_93, %dma_wait3A_94, %dma_wait3A_95, %dma_wait3A_96] : memref<2048x4x16x8x128xf32, #tpu.memory_space<hbm>> -> memref<1x1x1x8x128xf32, #tpu.memory_space<hbm>>
      %dma_wait3A_98 = tpu.memref_squeeze %dma_wait3A_97 : memref<1x1x1x8x128xf32, #tpu.memory_space<hbm>> -> memref<8x128xf32, #tpu.memory_space<hbm>>
      %dma_wait3A_99 = arith.constant 0 : i32
      %dma_wait3A_100 = arith.constant 0 : i32
      %dma_wait3A_101 = tpu.memref_slice %arg6[%dma_wait3A_91, %dma_wait3A_99, %dma_wait3A_100] : memref<8x32x4096xf32, #tpu.memory_space<vmem_shared>> -> memref<1x8x128xf32, #tpu.memory_space<vmem_shared>>
      %dma_wait3A_102 = tpu.memref_squeeze %dma_wait3A_101 : memref<1x8x128xf32, #tpu.memory_space<vmem_shared>> -> memref<8x128xf32, #tpu.memory_space<vmem_shared>>
      tpu.wait_dma2 semaphore(%arg8 : memref<!tpu.dma_semaphore, #tpu.memory_space<semaphore_mem>>) src(%dma_wait3A_102 : memref<8x128xf32, #tpu.memory_space<vmem_shared>>) dst(%dma_wait3A_98 : memref<8x128xf32, #tpu.memory_space<hbm>>)
      %scan3A_103 = arith.constant 0 : i32
      %scan3A_104 = arith.constant 4 : i32
      %scan3A_105 = arith.addi %scan3A_45, %scan3A_104 : i32
      %dma_wait3A_106 = arith.constant 0 : i32
      %dma_wait3A_107 = arith.constant 0 : i32
      %dma_wait3A_108 = arith.constant 0 : i32
      %dma_wait3A_109 = arith.constant 0 : i32
      %dma_wait3A_110 = arith.constant 0 : i32
      %dma_wait3A_111 = arith.constant 0 : i32
      %dma_wait3A_112 = tpu.memref_slice %arg4[%dma_wait3A_107, %dma_wait3A_108, %dma_wait3A_109, %dma_wait3A_110, %dma_wait3A_111] : memref<2048x4x16x8x128xf32, #tpu.memory_space<hbm>> -> memref<1x1x1x8x128xf32, #tpu.memory_space<hbm>>
      %dma_wait3A_113 = tpu.memref_squeeze %dma_wait3A_112 : memref<1x1x1x8x128xf32, #tpu.memory_space<hbm>> -> memref<8x128xf32, #tpu.memory_space<hbm>>
      %dma_wait3A_114 = arith.constant 0 : i32
      %dma_wait3A_115 = arith.constant 0 : i32
      %dma_wait3A_116 = tpu.memref_slice %arg6[%dma_wait3A_106, %dma_wait3A_114, %dma_wait3A_115] : memref<8x32x4096xf32, #tpu.memory_space<vmem_shared>> -> memref<1x8x128xf32, #tpu.memory_space<vmem_shared>>
      %dma_wait3A_117 = tpu.memref_squeeze %dma_wait3A_116 : memref<1x8x128xf32, #tpu.memory_space<vmem_shared>> -> memref<8x128xf32, #tpu.memory_space<vmem_shared>>
      tpu.wait_dma2 semaphore(%arg8 : memref<!tpu.dma_semaphore, #tpu.memory_space<semaphore_mem>>) src(%dma_wait3A_117 : memref<8x128xf32, #tpu.memory_space<vmem_shared>>) dst(%dma_wait3A_113 : memref<8x128xf32, #tpu.memory_space<hbm>>)
      %scan3A_118 = arith.constant 0 : i32
      %scan3A_119 = arith.constant 5 : i32
      %scan3A_120 = arith.addi %scan3A_45, %scan3A_119 : i32
      %dma_wait3A_121 = arith.constant 0 : i32
      %dma_wait3A_122 = arith.constant 0 : i32
      %dma_wait3A_123 = arith.constant 0 : i32
      %dma_wait3A_124 = arith.constant 0 : i32
      %dma_wait3A_125 = arith.constant 0 : i32
      %dma_wait3A_126 = arith.constant 0 : i32
      %dma_wait3A_127 = tpu.memref_slice %arg4[%dma_wait3A_122, %dma_wait3A_123, %dma_wait3A_124, %dma_wait3A_125, %dma_wait3A_126] : memref<2048x4x16x8x128xf32, #tpu.memory_space<hbm>> -> memref<1x1x1x8x128xf32, #tpu.memory_space<hbm>>
      %dma_wait3A_128 = tpu.memref_squeeze %dma_wait3A_127 : memref<1x1x1x8x128xf32, #tpu.memory_space<hbm>> -> memref<8x128xf32, #tpu.memory_space<hbm>>
      %dma_wait3A_129 = arith.constant 0 : i32
      %dma_wait3A_130 = arith.constant 0 : i32
      %dma_wait3A_131 = tpu.memref_slice %arg6[%dma_wait3A_121, %dma_wait3A_129, %dma_wait3A_130] : memref<8x32x4096xf32, #tpu.memory_space<vmem_shared>> -> memref<1x8x128xf32, #tpu.memory_space<vmem_shared>>
      %dma_wait3A_132 = tpu.memref_squeeze %dma_wait3A_131 : memref<1x8x128xf32, #tpu.memory_space<vmem_shared>> -> memref<8x128xf32, #tpu.memory_space<vmem_shared>>
      tpu.wait_dma2 semaphore(%arg8 : memref<!tpu.dma_semaphore, #tpu.memory_space<semaphore_mem>>) src(%dma_wait3A_132 : memref<8x128xf32, #tpu.memory_space<vmem_shared>>) dst(%dma_wait3A_128 : memref<8x128xf32, #tpu.memory_space<hbm>>)
      %scan3A_133 = arith.constant 0 : i32
      %scan3A_134 = arith.constant 6 : i32
      %scan3A_135 = arith.addi %scan3A_45, %scan3A_134 : i32
      %dma_wait3A_136 = arith.constant 0 : i32
      %dma_wait3A_137 = arith.constant 0 : i32
      %dma_wait3A_138 = arith.constant 0 : i32
      %dma_wait3A_139 = arith.constant 0 : i32
      %dma_wait3A_140 = arith.constant 0 : i32
      %dma_wait3A_141 = arith.constant 0 : i32
      %dma_wait3A_142 = tpu.memref_slice %arg4[%dma_wait3A_137, %dma_wait3A_138, %dma_wait3A_139, %dma_wait3A_140, %dma_wait3A_141] : memref<2048x4x16x8x128xf32, #tpu.memory_space<hbm>> -> memref<1x1x1x8x128xf32, #tpu.memory_space<hbm>>
      %dma_wait3A_143 = tpu.memref_squeeze %dma_wait3A_142 : memref<1x1x1x8x128xf32, #tpu.memory_space<hbm>> -> memref<8x128xf32, #tpu.memory_space<hbm>>
      %dma_wait3A_144 = arith.constant 0 : i32
      %dma_wait3A_145 = arith.constant 0 : i32
      %dma_wait3A_146 = tpu.memref_slice %arg6[%dma_wait3A_136, %dma_wait3A_144, %dma_wait3A_145] : memref<8x32x4096xf32, #tpu.memory_space<vmem_shared>> -> memref<1x8x128xf32, #tpu.memory_space<vmem_shared>>
      %dma_wait3A_147 = tpu.memref_squeeze %dma_wait3A_146 : memref<1x8x128xf32, #tpu.memory_space<vmem_shared>> -> memref<8x128xf32, #tpu.memory_space<vmem_shared>>
      tpu.wait_dma2 semaphore(%arg8 : memref<!tpu.dma_semaphore, #tpu.memory_space<semaphore_mem>>) src(%dma_wait3A_147 : memref<8x128xf32, #tpu.memory_space<vmem_shared>>) dst(%dma_wait3A_143 : memref<8x128xf32, #tpu.memory_space<hbm>>)
      %scan3A_148 = arith.constant 0 : i32
      %scan3A_149 = arith.constant 7 : i32
      %scan3A_150 = arith.addi %scan3A_45, %scan3A_149 : i32
      %dma_wait3A_151 = arith.constant 0 : i32
      %dma_wait3A_152 = arith.constant 0 : i32
      %dma_wait3A_153 = arith.constant 0 : i32
      %dma_wait3A_154 = arith.constant 0 : i32
      %dma_wait3A_155 = arith.constant 0 : i32
      %dma_wait3A_156 = arith.constant 0 : i32
      %dma_wait3A_157 = tpu.memref_slice %arg4[%dma_wait3A_152, %dma_wait3A_153, %dma_wait3A_154, %dma_wait3A_155, %dma_wait3A_156] : memref<2048x4x16x8x128xf32, #tpu.memory_space<hbm>> -> memref<1x1x1x8x128xf32, #tpu.memory_space<hbm>>
      %dma_wait3A_158 = tpu.memref_squeeze %dma_wait3A_157 : memref<1x1x1x8x128xf32, #tpu.memory_space<hbm>> -> memref<8x128xf32, #tpu.memory_space<hbm>>
      %dma_wait3A_159 = arith.constant 0 : i32
      %dma_wait3A_160 = arith.constant 0 : i32
      %dma_wait3A_161 = tpu.memref_slice %arg6[%dma_wait3A_151, %dma_wait3A_159, %dma_wait3A_160] : memref<8x32x4096xf32, #tpu.memory_space<vmem_shared>> -> memref<1x8x128xf32, #tpu.memory_space<vmem_shared>>
      %dma_wait3A_162 = tpu.memref_squeeze %dma_wait3A_161 : memref<1x8x128xf32, #tpu.memory_space<vmem_shared>> -> memref<8x128xf32, #tpu.memory_space<vmem_shared>>
      tpu.wait_dma2 semaphore(%arg8 : memref<!tpu.dma_semaphore, #tpu.memory_space<semaphore_mem>>) src(%dma_wait3A_162 : memref<8x128xf32, #tpu.memory_space<vmem_shared>>) dst(%dma_wait3A_158 : memref<8x128xf32, #tpu.memory_space<hbm>>)
      %scan3A_163 = arith.constant 0 : i32
      scf.yield %scan3A_163 : i32
    }
    %scan3A_31 = arith.constant 64 : i32
    %add3A_32 = arith.constant 8 : i32
    %add3A_33 = arith.addi %mul3A_6, %add3A_32 : i32
    %while3A_34 = arith.constant 0 : i32
    %while3A_35 = arith.subi %add3A_33, %mul3A_6 : i32
    %while3A_36 = arith.addi %mul3A_6, %while3A_35 : i32
    %while3A_37 = arith.constant 1 : i32
    %while3A_38 = arith.divsi %while3A_35, %while3A_37 : i32
    %while3A_39 = arith.muli %while3A_38, %while3A_37 : i32
    %while3A_40 = arith.addi %mul3A_6, %while3A_39 : i32
    %while3A_41 = arith.constant 1 : i32
    %while3A_42 = scf.for %while3A_45 = %mul3A_6 to %while3A_40 step %while3A_41 iter_args(%while3A_46 = %while3A_34) -> (i32)  : i32 {
      %div3A = arith.constant 16 : i32
      %div3A_47 = arith.divsi %while3A_45, %div3A : i32
      %rem3A = arith.constant 16 : i32
      %rem3A_48 = arith.remsi %while3A_45, %rem3A : i32
      %sub3A = arith.constant 15 : i32
      %sub3A_49 = arith.subi %sub3A, %div3A_47 : i32
      %dma_wait3A = arith.constant 0 : i32
      %dma_wait3A_50 = arith.constant 0 : i32
      %dma_wait3A_51 = arith.constant 0 : i32
      %dma_wait3A_52 = tpu.memref_slice %arg5[%while3A_45, %dma_wait3A, %dma_wait3A_50, %dma_wait3A_51] : memref<256x16x8x128xf32, #tpu.memory_space<hbm>> -> memref<1x16x8x128xf32, #tpu.memory_space<hbm>>
      %dma_wait3A_53 = tpu.memref_squeeze %dma_wait3A_52 : memref<1x16x8x128xf32, #tpu.memory_space<hbm>> -> memref<16x8x128xf32, #tpu.memory_space<hbm>>
      %dma_wait3A_54 = arith.constant 0 : i32
      %dma_wait3A_55 = arith.constant 0 : i32
      %dma_wait3A_56 = tpu.memref_slice %arg7[%rem3A_48, %sub3A_49, %dma_wait3A_54, %dma_wait3A_55] : memref<16x31x8x128xf32, #tpu.memory_space<vmem_shared>> -> memref<1x16x8x128xf32, #tpu.memory_space<vmem_shared>>
      %dma_wait3A_57 = tpu.memref_squeeze %dma_wait3A_56 : memref<1x16x8x128xf32, #tpu.memory_space<vmem_shared>> -> memref<16x8x128xf32, #tpu.memory_space<vmem_shared>>
      tpu.wait_dma2 semaphore(%arg9 : memref<!tpu.dma_semaphore, #tpu.memory_space<semaphore_mem>>) src(%dma_wait3A_57 : memref<16x8x128xf32, #tpu.memory_space<vmem_shared>>) dst(%dma_wait3A_53 : memref<16x8x128xf32, #tpu.memory_space<hbm>>)
      %while3A_58 = arith.constant 0 : i32
      scf.yield %while3A_58 : i32
    }
    %while3A_43 = arith.constant 1 : i32
    %while3A_44 = scf.for %while3A_45 = %while3A_40 to %while3A_36 step %while3A_43 iter_args(%while3A_46 = %while3A_42) -> (i32)  : i32 {
      %div3A = arith.constant 16 : i32
      %div3A_47 = arith.divsi %while3A_45, %div3A : i32
      %rem3A = arith.constant 16 : i32
      %rem3A_48 = arith.remsi %while3A_45, %rem3A : i32
      %sub3A = arith.constant 15 : i32
      %sub3A_49 = arith.subi %sub3A, %div3A_47 : i32
      %dma_wait3A = arith.constant 0 : i32
      %dma_wait3A_50 = arith.constant 0 : i32
      %dma_wait3A_51 = arith.constant 0 : i32
      %dma_wait3A_52 = tpu.memref_slice %arg5[%while3A_45, %dma_wait3A, %dma_wait3A_50, %dma_wait3A_51] : memref<256x16x8x128xf32, #tpu.memory_space<hbm>> -> memref<1x16x8x128xf32, #tpu.memory_space<hbm>>
      %dma_wait3A_53 = tpu.memref_squeeze %dma_wait3A_52 : memref<1x16x8x128xf32, #tpu.memory_space<hbm>> -> memref<16x8x128xf32, #tpu.memory_space<hbm>>
      %dma_wait3A_54 = arith.constant 0 : i32
      %dma_wait3A_55 = arith.constant 0 : i32
      %dma_wait3A_56 = tpu.memref_slice %arg7[%rem3A_48, %sub3A_49, %dma_wait3A_54, %dma_wait3A_55] : memref<16x31x8x128xf32, #tpu.memory_space<vmem_shared>> -> memref<1x16x8x128xf32, #tpu.memory_space<vmem_shared>>
      %dma_wait3A_57 = tpu.memref_squeeze %dma_wait3A_56 : memref<1x16x8x128xf32, #tpu.memory_space<vmem_shared>> -> memref<16x8x128xf32, #tpu.memory_space<vmem_shared>>
      tpu.wait_dma2 semaphore(%arg9 : memref<!tpu.dma_semaphore, #tpu.memory_space<semaphore_mem>>) src(%dma_wait3A_57 : memref<16x8x128xf32, #tpu.memory_space<vmem_shared>>) dst(%dma_wait3A_53 : memref<16x8x128xf32, #tpu.memory_space<hbm>>)
      %while3A_58 = arith.constant 0 : i32
      scf.yield %while3A_58 : i32
    }
    return
  }
}

</mosaic_0001>

<sc_bundles>
// kernel: kernel.3.cloned.1.call-start
scs
__scs_entry_jumppad:
0x0: {  	(pc) =	sbr.rel $0x88, $3  }
0x1: {  	(tag) =	ssettag $0x0;
	lr =	simm.s32 $0x1  }
0x2: {  	[smem:$0x3F9E] =	sst lr;
	_ =	strace $0xD0000000  }
0x3: {  	_ = 	snop  }
0x4: {  	_ = 	snop  }
0x5: {  	_ = 	snop  }
0x6: {  	_ = 	snop  }
0x7: {  	_ = 	snop  }
__scs_overlays_trampoline_lowered:
0x8: {  	[smem:$0x3FAD] =	sst s0  }
0x9: {  	[smem:$0x3FAE] =	sst s1  }
0xa: {  	[smem:$0x3FAF] =	sst s2  }
0xb: {  	[smem:$0x3FB0] =	sst s3  }
0xc: {  	[smem:$0x3FB1] =	sst s4  }
0xd: {  	[smem:$0x3FB2] =	sst s5  }
0xe: {  	[smem:$0x3FB3] =	sst s6  }
0xf: {  	[smem:$0x3FB4] =	sst s7  }
0x10: {  	[smem:$0x3FB5] =	sst s8  }
0x11: {  	[smem:$0x3FB6] =	sst s9;
	s0 =	simm.s32 @!p0 $0x0  }
0x12: {  	s1 =	sld [smem:$0x3F9C];
	s0 =	simm.s32 @p0 $0x1  }
0x13: {  	[smem:$0x3FB7] =	sst s0;
	s0 =	simm.s32 @!p1 $0x0  }
0x14: {  	s2 =	sld [smem:$0x3F9B];
	s0 =	simm.s32 @p1 $0x1  }
0x15: {  	[smem:$0x3FB8] =	sst s0;
	s0 =	simm.s32 @!p2 $0x0  }
0x16: {  	s3 =	sld [smem:$0x3FDB];
	s0 =	simm.s32 @p2 $0x1  }
0x17: {  	s4 =	simm.s32 $0x1BF5;
	[smem:$0x3FBA] =	sst s0  }
0x18: {  	s0 =	sld [smem:$0x3F9D];
	_ =	swait.ge [sflag:s4], $0x0  }
0x19: {  	s7 =	sld [smem:$0x3F9E]  }
0x1a: {  	s8 =	sadd.s32 $0xFFFFE003, lr  }
0x1b: {  	s9 =	sadd.s32 $0xFFFFFEF7, lr;
	s5 =	simm.s32 $0xFFFFFFFF;
	p2 =	slt.u32 s8, $0xFFFFF086  }
0x1c: {  	p1 =	slt.u32 s9, $0xF7A;
	s5 =	simm.s32 @!p2 $0x0  }
0x1d: {  	s5 =	simm.s32 @p1 $0x1;
	p0 =	seq.s32 s7, s2  }
0x1e: {  	s7 =	smul.u32 @!p0 $0xF7A, s2;
	p2 =	seq.s32 @!p0 s5, $0x0  }
0x1f: {  	s9 =	smul.u32 $0xF7A, s1;
	s8 =	simm.s32 @!p0 $0x1BF5;
	p2 =	por !p2, p0  }
0x20: {  	[sflag:s8] =	ssyncset.s32 @!p0 $0xFFFFF086;
	s6 =	sadd.s32 @!p0 s3, s7;
	s7 =	simm.s32 @!p0 $0x108  }
0x21: {  	s3 =	sadd.s32 s3, s9;
	s6 =	sadd.s32 @!p0 $0x88, s6;
	s7 =	simm.s32 @p2 $0x1082  }
0x22: {  	[simem:s7], [sflag:s8] =	dma.local @!p0 [hbm:s6], $0xF7A  }
0x23: {  	s9 =	sor.u32 $0xD0000000, s2;
	s6 =	simm.s32 $0x108;
	_ =	swait.ge @!p0 [sflag:s8], $0x0  }
0x24: {  	s3 =	sadd.s32 $0x88, s3;
	s6 =	simm.s32 @!p1 $0x1082;
	[sflag:s4] =	ssyncset.s32 $0xFFFFF086  }
0x25: {  	[simem:s6], [sflag:s4] =	dma.local [hbm:s3], $0xF7A  }
0x26: {  	[smem:$0x3F9E] =	sst s1;
	(tag) =	ssettag s2;
	_ =	strace s9  }
0x27: {  	s1 =	sld [smem:$0x3FAE]  }
0x28: {  	s2 =	sld [smem:$0x3FAF]  }
0x29: {  	s4 =	sld [smem:$0x3FB1]  }
0x2a: {  	p0 =	seq.s32 s5, $0x0;
	s5 =	sld [smem:$0x3FB2]  }
0x2b: {  	s6 =	sld [smem:$0x3FB3]  }
0x2c: {  	s7 =	sld [smem:$0x3FB4]  }
0x2d: {  	s3 =	simm.s32 $0x108;
	s8 =	sld [smem:$0x3FB5]  }
0x2e: {  	s3 =	simm.s32 @!p0 $0x1082;
	s9 =	sld [smem:$0x3FB6]  }
0x2f: {  	lr =	sadd.s32 s0, s3;
	s0 =	sld [smem:$0x3FAD]  }
0x30: {  	s3 =	sld [smem:$0x3FB0]  }
0x31: {  	[smem:$0x3FB9] =	sst s10  }
0x32: {  	s10 =	sld [smem:$0x3FB7];
	_ =	sdelay $0x3  }
0x33: {  	p0 =	seq.s32 s10, $0x1;
	s10 =	sld [smem:$0x3FB9];
	_ =	sdelay $0x3  }
0x34: {  	[smem:$0x3FB9] =	sst s10  }
0x35: {  	s10 =	sld [smem:$0x3FB8];
	_ =	sdelay $0x3  }
0x36: {  	p1 =	seq.s32 s10, $0x1;
	s10 =	sld [smem:$0x3FB9];
	_ =	sdelay $0x3  }
0x37: {  	[smem:$0x3FB9] =	sst s10  }
0x38: {  	s10 =	sld [smem:$0x3FBA]  }
0x39: {  	_ = 	snop;
	(pc) =	sbr.ind lr, $3  }
0x3a: {  	_ = 	snop  }
0x3b: {  	_ = 	snop  }
0x3c: {  	p2 =	seq.s32 s10, $0x1;
	s10 =	sld [smem:$0x3FB9]  }
0x3d: {  	_ =	shalt  }
0x3e: {  	_ =	shalt  }
0x3f: {  	_ =	shalt  }
0x40: {  	_ =	shalt  }
0x41: {  	_ =	shalt  }
0x42: {  	_ =	shalt  }
0x43: {  	_ =	shalt  }
0x44: {  	_ =	shalt  }
0x45: {  	_ =	shalt  }
0x46: {  	_ =	shalt  }
0x47: {  	_ =	shalt  }
0x48: {  	_ =	shalt  }
0x49: {  	_ =	shalt  }
0x4a: {  	_ =	shalt  }
0x4b: {  	_ =	shalt  }
0x4c: {  	_ =	shalt  }
0x4d: {  	_ =	shalt  }
0x4e: {  	_ =	shalt  }
0x4f: {  	_ =	shalt  }
0x50: {  	_ =	shalt  }
0x51: {  	_ =	shalt  }
0x52: {  	_ =	shalt  }
0x53: {  	_ =	shalt  }
0x54: {  	_ =	shalt  }
0x55: {  	_ =	shalt  }
0x56: {  	_ =	shalt  }
0x57: {  	_ =	shalt  }
0x58: {  	_ =	shalt  }
0x59: {  	_ =	shalt  }
0x5a: {  	_ =	shalt  }
0x5b: {  	_ =	shalt  }
0x5c: {  	_ =	shalt  }
0x5d: {  	_ =	shalt  }
0x5e: {  	_ =	shalt  }
0x5f: {  	_ =	shalt  }
0x60: {  	_ =	shalt  }
0x61: {  	_ =	shalt  }
0x62: {  	_ =	shalt  }
0x63: {  	_ =	shalt  }
0x64: {  	_ =	shalt  }
0x65: {  	_ =	shalt  }
0x66: {  	_ =	shalt  }
0x67: {  	_ =	shalt  }
0x68: {  	_ =	shalt  }
0x69: {  	_ =	shalt  }
0x6a: {  	_ =	shalt  }
0x6b: {  	_ =	shalt  }
0x6c: {  	_ =	shalt  }
0x6d: {  	_ =	shalt  }
0x6e: {  	_ =	shalt  }
0x6f: {  	_ =	shalt  }
0x70: {  	_ =	shalt  }
0x71: {  	_ =	shalt  }
0x72: {  	_ =	shalt  }
0x73: {  	_ =	shalt  }
0x74: {  	_ =	shalt  }
0x75: {  	_ =	shalt  }
0x76: {  	_ =	shalt  }
0x77: {  	_ =	shalt  }
0x78: {  	_ =	shalt  }
0x79: {  	_ =	shalt  }
0x7a: {  	_ =	shalt  }
0x7b: {  	_ =	shalt  }
0x7c: {  	_ =	shalt  }
0x7d: {  	_ =	shalt  }
0x7e: {  	_ =	shalt  }
0x7f: {  	_ =	shalt  }
0x80: {  	_ =	shalt  }
0x81: {  	_ =	shalt  }
0x82: {  	_ =	shalt  }
0x83: {  	_ =	shalt  }
0x84: {  	_ =	shalt  }
0x85: {  	_ =	shalt  }
0x86: {  	_ =	shalt  }
0x87: {  	_ =	shalt  }
.Lfunc_end0:
.L_simem_size_0:
called_computation_lowered:
.L_overlay_start_0:
0x88: {  	s2 =	sld [smem:$0x3FD9]  }
0x89: {  	s3 =	sld [smem:$0x3FFE];
	_ =	sdelay $0x1  }
0x8a: {  	s1 =	srdreg.scid  }
0x8b: {  	s0 =	sand.u32 $0x1, s1  }
0x8c: {  	s14 =	sshll.u32 s0, $0xA;
	s2 =	sadd.s32 s3, s2  }
0x8d: {  	s2 =	sadd.s32 s2, s14  }
0x8e: {  	[smem:$0x3FC5] =	sst s2  }
0x8f: {  	_ = 	snop  }
0x90: {  	s2 =	sld [smem:$0x3FD0];
	_ =	sdelay $0x2  }
0x91: {  	s15 =	simm.s32 $0xA;
	s4 =	simm.s32 $0x10  }
0x92: {  	[smem:s4], [sflag:s15] =	dma.local [hbm:s2], $0x1  }
0x93: {  	_ =	swait.eq [sflag:s15], $0x1  }
0x94: {  	[sflag:s15] =	ssyncset.done $0x0  }
0x95: {  	s16 =	sld [smem:$0x10];
	[sflag:s15] =	ssyncadd.s32 $0xFFFFFFFF  }
0x96: {  	s17 =	sld [smem:$0x11];
	(tm) =	ssettm $0x1  }
0x97: {  	s18 =	sld [smem:$0x3FFB];
	_ =	sdelay $0x3  }
0x98: {  	_ =	strace s18  }
0x99: {  	s4 =	sld [smem:$0x3FFC];
	_ =	sdelay $0x3  }
0x9a: {  	_ =	strace s4  }
0x9b: {  	s4 =	sld [smem:$0x3FFD];
	_ =	sdelay $0x3  }
0x9c: {  	_ =	strace s4  }
0x9d: {  	_ =	strace $0x8FFFFFFF  }
0x9e: {  	s19 =	sld [smem:$0x3FDB];
	_ =	sdelay $0x1  }
0x9f: {  	s5 =	simm.s32 $_scs_section_size  }
0xa0: {  	s6 =	simm.s32 $_size__tile_overlayer_lowered;
	s7 =	simm.s32 $_tile_overlayer_lowered  }
0xa1: {  	s22 =	simm.s32 $0x1BFF;
	s21 =	sshll.u32 s7, $0x1;
	s4 =	sadd.s32 s5, s19  }
0xa2: {  	s8 =	simm.s32 $0x0;
	s20 =	sshll.u32 s6, $0x1;
	s6 =	sadd.s32 s21, s4  }
0xa3: {  	[timem:s8], [sflag:s22] =	dma.local [hbm:s6], s20  }
0xa4: {  	_ =	swait.ge [sflag:s22], s20  }
0xa5: {  	s5 =	ssub.s32 $0x0, s20;
	[sflag:s22] =	ssyncset.done $0x0  }
0xa6: {  	[sflag:s22] =	ssyncadd.s32 s5;
	_ =	sdelay $0x1  }
0xa7: {  	s23 =	simm.s32 $0x1B8B  }
0xa8: {  	_ =	swait.ge [sflag:s23], $0x1  }
0xa9: {  	[sflag:s23] =	ssyncset.done $0x0  }
0xaa: {  	s25 =	simm.s32 $0x1B8E;
	s24 =	sld [smem:$0x3FFE];
	[sflag:s23] =	ssyncadd.s32 $0xFFFFFFFF  }
0xab: {  	s26 =	simm.s32 $execute0_lowered;
	[smem:$0x3FD2] =	sst s25  }
0xac: {  	s6 =	sshll.u32 s26, $0x1;
	_ =	strace $0x80000046;
	[dreg:$0x1] =	wrdreg $0xFFFFFFFF  }
0xad: {  	s28 =	simm.s32 $_size_execute0_lowered;
	s4 =	sadd.s32 s4, s6;
	[dreg:$0x0] =	wrdreg $0x0  }
0xae: {  	s6 =	sshll.u32 s28, $0x1;
	[dreg:$0x2] =	wrdreg s4  }
0xaf: {  	[dreg:$0x3] =	wrdreg s6  }
0xb0: {  	[dreg:$0x4] =	wrdreg $0xC0  }
0xb1: {  	_ =	task [dreg:s8], $0x5FFFF  }
0xb2: {  	[dreg:$0x1] =	wrdreg $0xFFFFFFFF  }
0xb3: {  	[dreg:$0x0] =	wrdreg $0x60  }
0xb4: {  	[dreg:$0x2] =	wrdreg s24  }
0xb5: {  	[dreg:$0x3] =	wrdreg s16  }
0xb6: {  	[dreg:$0x4] =	wrdreg s17  }
0xb7: {  	[dreg:$0x5] =	wrdreg $0x0  }
0xb8: {  	[dreg:$0x6] =	wrdreg $0x100000  }
0xb9: {  	[dreg:$0x7] =	wrdreg $0x9  }
0xba: {  	_ =	task.clear_ibuf [dreg:s8], $0x8FFFF;
	_ =	strace $0x90000046  }
0xbb: {  	s29 =	simm.s32 $0x9;
	_ =	strace $0x80000048  }
0xbc: {  	_ =	swait.ge [sflag:s29], $0x1  }
0xbd: {  	[sflag:s29] =	ssyncadd.s32 $0xFFFFFFFF  }
0xbe: {  	_ =	strace $0x90000048  }
0xbf: {  	_ =	sfence  }
0xc0: {  	s30 =	sld [smem:$0x0];
	_ =	sdelay $0x2  }
0xc1: {  	s31 =	sshll.u32 s1, $0xD;
	s1 =	sshrl.u32 s1, $0x2  }
0xc2: {  	s3 =	sand.u32 $0x4000, s31;
	s1 =	sadd.s32 s1, s30  }
0xc3: {  	s0 =	sor.u32 s3, s0;
	s1 =	sshll.u32 s1, $0x11  }
0xc4: {  	s0 =	sor.u32 s1, s0  }
0xc5: {  	s0 =	sadd.s32 $0x8F2B, s0  }
0xc6: {  	[sflag:s0] =	ssyncadd.remote.s32 $0x1  }
0xc7: {  	_ =	sfence.sel $0xFFFF  }
0xc8: {  	[dreg:$0x0] =	wrdreg $0xFFFFFFFF;
	(pc) =	sbr.abs _section_cstart, $3  }
0xc9: {  	[dreg:$0x1] =	wrdreg $0xFFFFFFFF  }
0xca: {  	_ =	task.clear_ibuf [dreg:s8], $0x2FFFF;
	_ =	strace $0x9FFFFFFF  }
0xcb: {  	(tm) =	ssettm $0x7FFFFFFF  }
tec
execute0_lowered:
.L_overlay_start_1:
0x0: {  	(tag) =	ssettag $0x1  }
0x1: {  	s0 =	rddreg [dreg:$0x0]  }
0x2: {  	s13 =	rddreg [dreg:$0x1];
	s18 =	simm.s32 $0x0  }
0x3: {  	[smem:$0x7FF] =	sst s18;
	s4 =	sadd.s32 $0x11000, s0  }
0x4: {  	s0 =	sadd.s32 $0x1800, s0;
	_ =	strace $0x80000047;
	[dreg:$0x7] =	wrdreg s4  }
0x5: {  	s6 =	sadd.s32 $0x200, s13;
	[dreg:$0x8] =	wrdreg s0  }
0x6: {  	s7 =	sadd.s32 $0x280, s13;
	[dreg:$0xe] =	wrdreg s6  }
0x7: {  	s8 =	sadd.s32 $0x300, s13;
	[dreg:$0xf] =	wrdreg s7  }
0x8: {  	s9 =	sadd.s32 $0x380, s13;
	[dreg:$0x10] =	wrdreg s8  }
0x9: {  	s10 =	sadd.s32 $0x400, s13;
	[dreg:$0x11] =	wrdreg s9  }
0xa: {  	s11 =	sadd.s32 $0x480, s13;
	[dreg:$0x12] =	wrdreg s10  }
0xb: {  	s12 =	sadd.s32 $0x500, s13;
	[dreg:$0x13] =	wrdreg s11  }
0xc: {  	s15 =	sadd.s32 $0x580, s13;
	[dreg:$0x14] =	wrdreg s12  }
0xd: {  	s16 =	sadd.s32 $0x600, s13;
	[dreg:$0x15] =	wrdreg s15  }
0xe: {  	s17 =	sadd.s32 $0x680, s13;
	[dreg:$0x16] =	wrdreg s16  }
0xf: {  	s1 =	srdreg.scid;
	s19 =	sadd.s32 $0x700, s13;
	[dreg:$0x17] =	wrdreg s17  }
0x10: {  	s5 =	stileid.u32;
	s20 =	sadd.s32 $0x780, s13;
	[dreg:$0x19] =	wrdreg s19  }
0x11: {  	s1 =	sand.u32 $0x1, s1;
	s21 =	sadd.s32 $0x800, s13;
	[dreg:$0x1a] =	wrdreg s20  }
0x12: {  	s3 =	sshll.u32 s5, $0x1;
	s22 =	sadd.s32 $0x880, s13;
	[dreg:$0x1b] =	wrdreg s21  }
0x13: {  	p0 =	sne.s32 s5, $0x0;
	s23 =	sadd.s32 $0x900, s13;
	[dreg:$0x1c] =	wrdreg s22  }
0x14: {  	s5 =	sadd.s32 $0xD00, s13;
	s2 =	ssub.s32 $0x2, s1;
	[dreg:$0x1d] =	wrdreg s23  }
0x15: {  	s1 =	sor.u32 s1, s3;
	s3 =	sadd.s32 $0x100, s13;
	[smem:$0x7EB] =	sst s5  }
0x16: {  	s4 =	sadd.s32 $0x180, s13;
	[dreg:$0xc] =	wrdreg s3  }
0x17: {  	s6 =	sadd.s32 $0xD80, s13;
	[dreg:$0xd] =	wrdreg s4  }
0x18: {  	s7 =	sadd.s32 $0xE00, s13;
	[smem:$0x7EC] =	sst s6  }
0x19: {  	s8 =	sadd.s32 $0xE80, s13;
	[smem:$0x7ED] =	sst s7  }
0x1a: {  	s9 =	sadd.s32 $0xF00, s13;
	[smem:$0x7EE] =	sst s8  }
0x1b: {  	s10 =	sadd.s32 $0xF80, s13;
	[smem:$0x7EF] =	sst s9  }
0x1c: {  	s11 =	sadd.s32 $0x1000, s13;
	[smem:$0x7F0] =	sst s10  }
0x1d: {  	s28 =	sadd.s32 $0x1680, s13;
	s12 =	sadd.s32 $0x1080, s13;
	[smem:$0x7F1] =	sst s11  }
0x1e: {  	s29 =	sadd.s32 $0x1700, s13;
	s15 =	sadd.s32 $0x1100, s13;
	[smem:$0x7F2] =	sst s12  }
0x1f: {  	s30 =	sadd.s32 $0x1780, s13;
	s16 =	sadd.s32 $0x1180, s13;
	[smem:$0x7F3] =	sst s15  }
0x20: {  	s31 =	sadd.s32 $0x1800, s13;
	s17 =	sadd.s32 $0x1200, s13;
	[smem:$0x7F4] =	sst s16  }
0x21: {  	s19 =	sadd.s32 $0x1280, s13;
	s20 =	sadd.s32 $0x1300, s13;
	[smem:$0x7F5] =	sst s17  }
0x22: {  	s21 =	sadd.s32 $0x1380, s13;
	s22 =	sadd.s32 $0x1400, s13;
	[smem:$0x7F6] =	sst s19  }
0x23: {  	s23 =	sadd.s32 $0x1480, s13;
	s5 =	sadd.s32 $0x1A80, s13;
	[smem:$0x7F7] =	sst s20  }
0x24: {  	s24 =	sshrl.u32 s2, $0x1;
	s14 =	sshll.u32 s1, $0x6;
	[smem:$0x7F8] =	sst s21  }
0x25: {  	s1 =	sshll.u32 s1, $0x3;
	s3 =	sadd.s32 $0xC00, s13;
	[smem:$0x7F9] =	sst s22  }
0x26: {  	s4 =	sadd.s32 $0xC80, s13;
	[smem:$0x7FA] =	sst s23;
	s7 =	sadd.s32 $0x1900, s13  }
0x27: {  	s8 =	sadd.s32 $0x1980, s13;
	s9 =	sadd.s32 $0x1B80, s13;
	[dreg:$0x9] =	wrdreg s1  }
0x28: {  	s6 =	sadd.s32 $0x1D80, s13;
	s10 =	sadd.s32 $0x1E00, s13;
	[smem:$0x7E9] =	sst s3  }
0x29: {  	s11 =	sadd.s32 $0x1E80, s13;
	s26 =	sadd.s32 $0x40, s14;
	[smem:$0x7EA] =	sst s4  }
0x2a: {  	s25 =	ssub.s32 s2, s24;
	s2 =	sadd.s32 $0x80, s13;
	[dreg:$0xa] =	wrdreg s26  }
0x2b: {  	s12 =	sadd.s32 $0x1F00, s13;
	s24 =	sadd.s32 $0x980, s13;
	[dreg:$0xb] =	wrdreg s2  }
0x2c: {  	s15 =	simm.s32 $0x1;
	s1 =	sadd.s32 $0xB00, s13;
	[dreg:$0x1e] =	wrdreg s24  }
0x2d: {  	s16 =	simm.s32 $0x10;
	s0 =	smax.u32 s25, $0x1;
	[smem:$0x7E7] =	sst s1  }
0x2e: {  	s17 =	simm.s32 $0x200;
	s25 =	sadd.s32 $0xA00, s13;
	[dreg:$0x18] =	wrdreg s0  }
0x2f: {  	s3 =	sadd.s32 $0x1C00, s13;
	s26 =	sadd.s32 $0xA80, s13;
	[dreg:$0x1f] =	wrdreg s25  }
0x30: {  	s4 =	sadd.s32 $0x1C80, s13;
	s2 =	sadd.s32 $0xB80, s13;
	[smem:$0x7E6] =	sst s26  }
0x31: {  	s24 =	sadd.s32 $0x1500, s13;
	s1 =	sadd.s32 $0x1D00, s13;
	[smem:$0x7E8] =	sst s2  }
0x32: {  	[smem:$0x7FB] =	sst s24;
	s25 =	sadd.s32 $0x1580, s13;
	s26 =	sadd.s32 $0x1600, s13  }
0x33: {  	s0 =	sadd.s32 $0x1880, s13;
	s2 =	sadd.s32 $0x1B00, s13;
	[smem:$0x7FC] =	sst s25  }
0x34: {  	s24 =	stileid.u32;
	[smem:$0x7FD] =	sst s26;
	s25 =	sadd.s32 $0x1A00, s13  }
0x35: {  	s13 =	sadd.s32 $0x1F80, s13;
	s26 =	smov.u32 s14;
	s14 =	sor.u32 $0x2, s14  }
.LBB2_1:
0x36: {  	[dreg:$0x6] =	wrdreg s18  }
0x37: {  	s18 =	rddreg [dreg:$0x3]  }
0x38: {  	s19 =	simm.s32 @!p0 $0x1C03;
	s20 =	rddreg [dreg:$0x7];
	s18 =	sshrl.u32 @!p0 s18, $0x3  }
0x39: {  	[spmem:s18], [sflag:s19] =	dma.local @!p0 [hbm:s20], $0x20000  }
0x3a: {  	s18 =	simm.s32 @!p0 $0x3  }
0x3b: {  	_ =	swait.ge @!p0 [sflag:s18], $0x20000  }
0x3c: {  	[sflag:s18] =	ssyncset.done @!p0 $0x0  }
0x3d: {  	[sflag:s18] =	ssyncadd.s32 @!p0 $0xFFFE0000  }
0x3e: {  	s20 =	rddreg [dreg:$0x4]  }
0x3f: {  	s21 =	rddreg [dreg:$0x8];
	s20 =	sshrl.u32 @!p0 s20, $0x3  }
0x40: {  	[spmem:s20], [sflag:s19] =	dma.local @!p0 [hbm:s21], $0xF800  }
.Ltmp0:
0x41: {  	_ =	swait.ge @!p0 [sflag:s18], $0xF800;
	(pc) =	sbr.rel .LBB2_2-.Ltmp0, $4  }
0x42: {  	[sflag:s18] =	ssyncset.done @!p0 $0x0  }
0x43: {  	[sflag:s18] =	ssyncadd.s32 @!p0 $0xFFFF0800  }
0x44: {  	[bflag:$0x0] =	sbarrier.arrive $0xFFFF  }
0x45: {  	s18 =	smov.u32 s26  }
.LBB2_6:
0x46: {  	s18 =	sadd.s32 $0x1, s18;
	s19 =	rddreg [dreg:$0xa]  }
0x47: {  	p1 =	slt.u32 s18, s19  }
.Ltmp1:
0x48: {  	_ = 	snop;
	(pc) =	sbr.rel @!p1 .LBB2_7-.Ltmp1, $2  }
0x49: {  	_ =	sdelay $0x2  }
0x4a: {  	s19 =	simm.s32 $0xFFFFFFF8  }
.LBB2_2:
0x4b: {  	s19 =	ssub.s32 $0x7FF, s18  }
0x4c: {  	s20 =	sshll.u32 s19, $0x11  }
0x4d: {  	s22 =	rddreg [dreg:$0x3];
	s20 =	sand.u32 $0xE0000, s20  }
0x4e: {  	s23 =	sshll.u32 s24, $0x6;
	s21 =	sand.u32 $0xFFFFFFF8, s19;
	s20 =	sadd.s32 s20, s22  }
0x4f: {  	s19 =	sshll.u32 s18, $0xD;
	s22 =	rddreg [dreg:$0x1];
	s20 =	sadd.s32 s21, s20  }
0x50: {  	s22 =	sadd.s32 s22, s19;
	s21 =	sor.u32 $0x1C01, s23;
	s23 =	sshrl.u32 s20, $0x3  }
0x51: {  	[hbm:s22@s16], [sflag:s21] =	dma.strided [spmem:s23@s17], $0x80, s15, $0x10   }
0x52: {  	s22 =	sadd.s32 $0x80, s20;
	s23 =	rddreg [dreg:$0xb]  }
0x53: {  	s22 =	sshrl.u32 s22, $0x3;
	s23 =	sadd.s32 s19, s23  }
0x54: {  	[hbm:s23@s16], [sflag:s21] =	dma.strided [spmem:s22@s17], $0x80, s15, $0x10   }
0x55: {  	s22 =	sadd.s32 $0x100, s20;
	s23 =	rddreg [dreg:$0xc]  }
0x56: {  	s22 =	sshrl.u32 s22, $0x3;
	s23 =	sadd.s32 s19, s23  }
0x57: {  	[hbm:s23@s16], [sflag:s21] =	dma.strided [spmem:s22@s17], $0x80, s15, $0x10   }
0x58: {  	s22 =	sadd.s32 $0x180, s20;
	s23 =	rddreg [dreg:$0xd]  }
0x59: {  	s22 =	sshrl.u32 s22, $0x3;
	s23 =	sadd.s32 s19, s23  }
0x5a: {  	[hbm:s23@s16], [sflag:s21] =	dma.strided [spmem:s22@s17], $0x80, s15, $0x10   }
0x5b: {  	s22 =	sadd.s32 $0x200, s20;
	s23 =	rddreg [dreg:$0xe]  }
0x5c: {  	s22 =	sshrl.u32 s22, $0x3;
	s23 =	sadd.s32 s19, s23  }
0x5d: {  	[hbm:s23@s16], [sflag:s21] =	dma.strided [spmem:s22@s17], $0x80, s15, $0x10   }
0x5e: {  	s22 =	sadd.s32 $0x280, s20;
	s23 =	rddreg [dreg:$0xf]  }
0x5f: {  	s22 =	sshrl.u32 s22, $0x3;
	s23 =	sadd.s32 s19, s23  }
0x60: {  	[hbm:s23@s16], [sflag:s21] =	dma.strided [spmem:s22@s17], $0x80, s15, $0x10   }
0x61: {  	s22 =	sadd.s32 $0x300, s20;
	s23 =	rddreg [dreg:$0x10]  }
0x62: {  	s22 =	sshrl.u32 s22, $0x3;
	s23 =	sadd.s32 s19, s23  }
0x63: {  	[hbm:s23@s16], [sflag:s21] =	dma.strided [spmem:s22@s17], $0x80, s15, $0x10   }
0x64: {  	s22 =	sadd.s32 $0x380, s20;
	s23 =	rddreg [dreg:$0x11]  }
0x65: {  	s22 =	sshrl.u32 s22, $0x3;
	s23 =	sadd.s32 s19, s23  }
0x66: {  	[hbm:s23@s16], [sflag:s21] =	dma.strided [spmem:s22@s17], $0x80, s15, $0x10   }
0x67: {  	s22 =	sadd.s32 $0x400, s20;
	s23 =	rddreg [dreg:$0x12]  }
0x68: {  	s22 =	sshrl.u32 s22, $0x3;
	s23 =	sadd.s32 s19, s23  }
0x69: {  	[hbm:s23@s16], [sflag:s21] =	dma.strided [spmem:s22@s17], $0x80, s15, $0x10   }
0x6a: {  	s22 =	sadd.s32 $0x480, s20;
	s23 =	rddreg [dreg:$0x13]  }
0x6b: {  	s22 =	sshrl.u32 s22, $0x3;
	s23 =	sadd.s32 s19, s23  }
0x6c: {  	[hbm:s23@s16], [sflag:s21] =	dma.strided [spmem:s22@s17], $0x80, s15, $0x10   }
0x6d: {  	s22 =	sadd.s32 $0x500, s20;
	s23 =	rddreg [dreg:$0x14]  }
0x6e: {  	s22 =	sshrl.u32 s22, $0x3;
	s23 =	sadd.s32 s19, s23  }
0x6f: {  	[hbm:s23@s16], [sflag:s21] =	dma.strided [spmem:s22@s17], $0x80, s15, $0x10   }
0x70: {  	s22 =	sadd.s32 $0x580, s20;
	s23 =	rddreg [dreg:$0x15]  }
0x71: {  	s22 =	sshrl.u32 s22, $0x3;
	s23 =	sadd.s32 s19, s23  }
0x72: {  	[hbm:s23@s16], [sflag:s21] =	dma.strided [spmem:s22@s17], $0x80, s15, $0x10   }
0x73: {  	s22 =	sadd.s32 $0x600, s20;
	s23 =	rddreg [dreg:$0x16]  }
0x74: {  	s22 =	sshrl.u32 s22, $0x3;
	s23 =	sadd.s32 s19, s23  }
0x75: {  	[hbm:s23@s16], [sflag:s21] =	dma.strided [spmem:s22@s17], $0x80, s15, $0x10   }
0x76: {  	s22 =	sadd.s32 $0x680, s20;
	s23 =	rddreg [dreg:$0x17]  }
0x77: {  	s22 =	sshrl.u32 s22, $0x3;
	s23 =	sadd.s32 s19, s23  }
0x78: {  	[hbm:s23@s16], [sflag:s21] =	dma.strided [spmem:s22@s17], $0x80, s15, $0x10   }
0x79: {  	s22 =	sadd.s32 $0x700, s20;
	s23 =	rddreg [dreg:$0x19]  }
0x7a: {  	s22 =	sshrl.u32 s22, $0x3;
	s23 =	sadd.s32 s19, s23  }
0x7b: {  	[hbm:s23@s16], [sflag:s21] =	dma.strided [spmem:s22@s17], $0x80, s15, $0x10   }
0x7c: {  	s22 =	sadd.s32 $0x780, s20;
	s23 =	rddreg [dreg:$0x1a]  }
0x7d: {  	s22 =	sshrl.u32 s22, $0x3;
	s23 =	sadd.s32 s19, s23  }
0x7e: {  	[hbm:s23@s16], [sflag:s21] =	dma.strided [spmem:s22@s17], $0x80, s15, $0x10   }
0x7f: {  	s22 =	sadd.s32 $0x8000, s20;
	s23 =	rddreg [dreg:$0x1b]  }
0x80: {  	s22 =	sshrl.u32 s22, $0x3;
	s23 =	sadd.s32 s19, s23  }
0x81: {  	[hbm:s23@s16], [sflag:s21] =	dma.strided [spmem:s22@s17], $0x80, s15, $0x10   }
0x82: {  	s22 =	sadd.s32 $0x8080, s20;
	s23 =	rddreg [dreg:$0x1c]  }
0x83: {  	s22 =	sshrl.u32 s22, $0x3;
	s23 =	sadd.s32 s19, s23  }
0x84: {  	[hbm:s23@s16], [sflag:s21] =	dma.strided [spmem:s22@s17], $0x80, s15, $0x10   }
0x85: {  	s22 =	sadd.s32 $0x8100, s20;
	s23 =	rddreg [dreg:$0x1d]  }
0x86: {  	s22 =	sshrl.u32 s22, $0x3;
	s23 =	sadd.s32 s19, s23  }
0x87: {  	[hbm:s23@s16], [sflag:s21] =	dma.strided [spmem:s22@s17], $0x80, s15, $0x10   }
0x88: {  	s22 =	sadd.s32 $0x8180, s20;
	s23 =	rddreg [dreg:$0x1e]  }
0x89: {  	s22 =	sshrl.u32 s22, $0x3;
	s23 =	sadd.s32 s19, s23  }
0x8a: {  	[hbm:s23@s16], [sflag:s21] =	dma.strided [spmem:s22@s17], $0x80, s15, $0x10   }
0x8b: {  	s22 =	sadd.s32 $0x8200, s20;
	s23 =	rddreg [dreg:$0x1f]  }
0x8c: {  	s22 =	sshrl.u32 s22, $0x3;
	s23 =	sadd.s32 s19, s23  }
0x8d: {  	[hbm:s23@s16], [sflag:s21] =	dma.strided [spmem:s22@s17], $0x80, s15, $0x10   }
0x8e: {  	s23 =	sld [smem:$0x7E6];
	_ =	sdelay $0x1  }
0x8f: {  	s22 =	sadd.s32 $0x8280, s20  }
0x90: {  	s22 =	sshrl.u32 s22, $0x3;
	s23 =	sadd.s32 s19, s23  }
0x91: {  	[hbm:s23@s16], [sflag:s21] =	dma.strided [spmem:s22@s17], $0x80, s15, $0x10   }
0x92: {  	s23 =	sld [smem:$0x7E7];
	_ =	sdelay $0x1  }
0x93: {  	s22 =	sadd.s32 $0x8300, s20  }
0x94: {  	s22 =	sshrl.u32 s22, $0x3;
	s23 =	sadd.s32 s19, s23  }
0x95: {  	[hbm:s23@s16], [sflag:s21] =	dma.strided [spmem:s22@s17], $0x80, s15, $0x10   }
0x96: {  	s23 =	sld [smem:$0x7E8];
	_ =	sdelay $0x1  }
0x97: {  	s22 =	sadd.s32 $0x8380, s20  }
0x98: {  	s22 =	sshrl.u32 s22, $0x3;
	s23 =	sadd.s32 s19, s23  }
0x99: {  	[hbm:s23@s16], [sflag:s21] =	dma.strided [spmem:s22@s17], $0x80, s15, $0x10   }
0x9a: {  	s23 =	sld [smem:$0x7E9];
	_ =	sdelay $0x1  }
0x9b: {  	s22 =	sadd.s32 $0x8400, s20  }
0x9c: {  	s22 =	sshrl.u32 s22, $0x3;
	s23 =	sadd.s32 s19, s23  }
0x9d: {  	[hbm:s23@s16], [sflag:s21] =	dma.strided [spmem:s22@s17], $0x80, s15, $0x10   }
0x9e: {  	s23 =	sld [smem:$0x7EA];
	_ =	sdelay $0x1  }
0x9f: {  	s22 =	sadd.s32 $0x8480, s20  }
0xa0: {  	s22 =	sshrl.u32 s22, $0x3;
	s23 =	sadd.s32 s19, s23  }
0xa1: {  	[hbm:s23@s16], [sflag:s21] =	dma.strided [spmem:s22@s17], $0x80, s15, $0x10   }
0xa2: {  	s23 =	sld [smem:$0x7EB];
	_ =	sdelay $0x1  }
0xa3: {  	s22 =	sadd.s32 $0x8500, s20  }
0xa4: {  	s22 =	sshrl.u32 s22, $0x3;
	s23 =	sadd.s32 s19, s23  }
0xa5: {  	[hbm:s23@s16], [sflag:s21] =	dma.strided [spmem:s22@s17], $0x80, s15, $0x10   }
0xa6: {  	s23 =	sld [smem:$0x7EC];
	_ =	sdelay $0x1  }
0xa7: {  	s22 =	sadd.s32 $0x8580, s20  }
0xa8: {  	s22 =	sshrl.u32 s22, $0x3;
	s23 =	sadd.s32 s19, s23  }
0xa9: {  	[hbm:s23@s16], [sflag:s21] =	dma.strided [spmem:s22@s17], $0x80, s15, $0x10   }
0xaa: {  	s23 =	sld [smem:$0x7ED];
	_ =	sdelay $0x1  }
0xab: {  	s22 =	sadd.s32 $0x8600, s20  }
0xac: {  	s22 =	sshrl.u32 s22, $0x3;
	s23 =	sadd.s32 s19, s23  }
0xad: {  	[hbm:s23@s16], [sflag:s21] =	dma.strided [spmem:s22@s17], $0x80, s15, $0x10   }
0xae: {  	s23 =	sld [smem:$0x7EE];
	_ =	sdelay $0x1  }
0xaf: {  	s22 =	sadd.s32 $0x8680, s20  }
0xb0: {  	s22 =	sshrl.u32 s22, $0x3;
	s23 =	sadd.s32 s19, s23  }
0xb1: {  	[hbm:s23@s16], [sflag:s21] =	dma.strided [spmem:s22@s17], $0x80, s15, $0x10   }
0xb2: {  	s23 =	sld [smem:$0x7EF];
	_ =	sdelay $0x1  }
0xb3: {  	s22 =	sadd.s32 $0x8700, s20  }
0xb4: {  	s22 =	sshrl.u32 s22, $0x3;
	s23 =	sadd.s32 s19, s23  }
0xb5: {  	[hbm:s23@s16], [sflag:s21] =	dma.strided [spmem:s22@s17], $0x80, s15, $0x10   }
0xb6: {  	s23 =	sld [smem:$0x7F0];
	_ =	sdelay $0x1  }
0xb7: {  	s22 =	sadd.s32 $0x8780, s20  }
0xb8: {  	s22 =	sshrl.u32 s22, $0x3;
	s23 =	sadd.s32 s19, s23  }
0xb9: {  	[hbm:s23@s16], [sflag:s21] =	dma.strided [spmem:s22@s17], $0x80, s15, $0x10   }
0xba: {  	s23 =	sld [smem:$0x7F1];
	_ =	sdelay $0x1  }
0xbb: {  	s22 =	sadd.s32 $0x10000, s20  }
0xbc: {  	s22 =	sshrl.u32 s22, $0x3;
	s23 =	sadd.s32 s19, s23  }
0xbd: {  	[hbm:s23@s16], [sflag:s21] =	dma.strided [spmem:s22@s17], $0x80, s15, $0x10   }
0xbe: {  	s23 =	sld [smem:$0x7F2];
	_ =	sdelay $0x1  }
0xbf: {  	s22 =	sadd.s32 $0x10080, s20  }
0xc0: {  	s22 =	sshrl.u32 s22, $0x3;
	s23 =	sadd.s32 s19, s23  }
0xc1: {  	[hbm:s23@s16], [sflag:s21] =	dma.strided [spmem:s22@s17], $0x80, s15, $0x10   }
0xc2: {  	s23 =	sld [smem:$0x7F3];
	_ =	sdelay $0x1  }
0xc3: {  	s22 =	sadd.s32 $0x10100, s20  }
0xc4: {  	s22 =	sshrl.u32 s22, $0x3;
	s23 =	sadd.s32 s19, s23  }
0xc5: {  	[hbm:s23@s16], [sflag:s21] =	dma.strided [spmem:s22@s17], $0x80, s15, $0x10   }
0xc6: {  	s23 =	sld [smem:$0x7F4];
	_ =	sdelay $0x1  }
0xc7: {  	s22 =	sadd.s32 $0x10180, s20  }
0xc8: {  	s22 =	sshrl.u32 s22, $0x3;
	s23 =	sadd.s32 s19, s23  }
0xc9: {  	[hbm:s23@s16], [sflag:s21] =	dma.strided [spmem:s22@s17], $0x80, s15, $0x10   }
0xca: {  	s23 =	sld [smem:$0x7F5];
	_ =	sdelay $0x1  }
0xcb: {  	s22 =	sadd.s32 $0x10200, s20  }
0xcc: {  	s22 =	sshrl.u32 s22, $0x3;
	s23 =	sadd.s32 s19, s23  }
0xcd: {  	[hbm:s23@s16], [sflag:s21] =	dma.strided [spmem:s22@s17], $0x80, s15, $0x10   }
0xce: {  	s23 =	sld [smem:$0x7F6];
	_ =	sdelay $0x1  }
0xcf: {  	s22 =	sadd.s32 $0x10280, s20  }
0xd0: {  	s22 =	sshrl.u32 s22, $0x3;
	s23 =	sadd.s32 s19, s23  }
0xd1: {  	[hbm:s23@s16], [sflag:s21] =	dma.strided [spmem:s22@s17], $0x80, s15, $0x10   }
0xd2: {  	s23 =	sld [smem:$0x7F7];
	_ =	sdelay $0x1  }
0xd3: {  	s22 =	sadd.s32 $0x10300, s20  }
0xd4: {  	s22 =	sshrl.u32 s22, $0x3;
	s23 =	sadd.s32 s19, s23  }
0xd5: {  	[hbm:s23@s16], [sflag:s21] =	dma.strided [spmem:s22@s17], $0x80, s15, $0x10   }
0xd6: {  	s23 =	sld [smem:$0x7F8];
	_ =	sdelay $0x1  }
0xd7: {  	s22 =	sadd.s32 $0x10380, s20  }
0xd8: {  	s22 =	sshrl.u32 s22, $0x3;
	s23 =	sadd.s32 s19, s23  }
0xd9: {  	[hbm:s23@s16], [sflag:s21] =	dma.strided [spmem:s22@s17], $0x80, s15, $0x10   }
0xda: {  	s23 =	sld [smem:$0x7F9];
	_ =	sdelay $0x1  }
0xdb: {  	s22 =	sadd.s32 $0x10400, s20  }
0xdc: {  	s22 =	sshrl.u32 s22, $0x3;
	s23 =	sadd.s32 s19, s23  }
0xdd: {  	[hbm:s23@s16], [sflag:s21] =	dma.strided [spmem:s22@s17], $0x80, s15, $0x10   }
0xde: {  	s23 =	sld [smem:$0x7FA];
	_ =	sdelay $0x1  }
0xdf: {  	s22 =	sadd.s32 $0x10480, s20  }
0xe0: {  	s22 =	sshrl.u32 s22, $0x3;
	s23 =	sadd.s32 s19, s23  }
0xe1: {  	[hbm:s23@s16], [sflag:s21] =	dma.strided [spmem:s22@s17], $0x80, s15, $0x10   }
0xe2: {  	s23 =	sld [smem:$0x7FB];
	_ =	sdelay $0x1  }
0xe3: {  	s22 =	sadd.s32 $0x10500, s20  }
0xe4: {  	s22 =	sshrl.u32 s22, $0x3;
	s23 =	sadd.s32 s19, s23  }
0xe5: {  	[hbm:s23@s16], [sflag:s21] =	dma.strided [spmem:s22@s17], $0x80, s15, $0x10   }
0xe6: {  	s23 =	sld [smem:$0x7FC];
	_ =	sdelay $0x1  }
0xe7: {  	s22 =	sadd.s32 $0x10580, s20  }
0xe8: {  	s22 =	sshrl.u32 s22, $0x3;
	s23 =	sadd.s32 s19, s23  }
0xe9: {  	[hbm:s23@s16], [sflag:s21] =	dma.strided [spmem:s22@s17], $0x80, s15, $0x10   }
0xea: {  	s23 =	sld [smem:$0x7FD];
	_ =	sdelay $0x1  }
0xeb: {  	s22 =	sadd.s32 $0x10600, s20  }
0xec: {  	s22 =	sshrl.u32 s22, $0x3;
	s23 =	sadd.s32 s19, s23  }
0xed: {  	[hbm:s23@s16], [sflag:s21] =	dma.strided [spmem:s22@s17], $0x80, s15, $0x10   }
0xee: {  	s22 =	sadd.s32 $0x10680, s20  }
0xef: {  	s23 =	sadd.s32 s19, s28;
	s22 =	sshrl.u32 s22, $0x3  }
0xf0: {  	[hbm:s23@s16], [sflag:s21] =	dma.strided [spmem:s22@s17], $0x80, s15, $0x10   }
0xf1: {  	s22 =	sadd.s32 $0x10700, s20  }
0xf2: {  	s23 =	sadd.s32 s19, s29;
	s22 =	sshrl.u32 s22, $0x3  }
0xf3: {  	[hbm:s23@s16], [sflag:s21] =	dma.strided [spmem:s22@s17], $0x80, s15, $0x10   }
0xf4: {  	s22 =	sadd.s32 $0x10780, s20  }
0xf5: {  	s23 =	sadd.s32 s19, s30;
	s22 =	sshrl.u32 s22, $0x3  }
0xf6: {  	[hbm:s23@s16], [sflag:s21] =	dma.strided [spmem:s22@s17], $0x80, s15, $0x10   }
0xf7: {  	s22 =	sadd.s32 $0x18000, s20  }
0xf8: {  	s23 =	sadd.s32 s19, s31;
	s22 =	sshrl.u32 s22, $0x3  }
0xf9: {  	[hbm:s23@s16], [sflag:s21] =	dma.strided [spmem:s22@s17], $0x80, s15, $0x10   }
0xfa: {  	s22 =	sadd.s32 $0x18080, s20  }
0xfb: {  	s23 =	sadd.s32 s19, s0;
	s22 =	sshrl.u32 s22, $0x3  }
0xfc: {  	[hbm:s23@s16], [sflag:s21] =	dma.strided [spmem:s22@s17], $0x80, s15, $0x10   }
0xfd: {  	s22 =	sadd.s32 $0x18100, s20  }
0xfe: {  	s23 =	sadd.s32 s19, s7;
	s22 =	sshrl.u32 s22, $0x3  }
0xff: {  	[hbm:s23@s16], [sflag:s21] =	dma.strided [spmem:s22@s17], $0x80, s15, $0x10   }
0x100: {  	s22 =	sadd.s32 $0x18180, s20  }
0x101: {  	s23 =	sadd.s32 s19, s8;
	s22 =	sshrl.u32 s22, $0x3  }
0x102: {  	[hbm:s23@s16], [sflag:s21] =	dma.strided [spmem:s22@s17], $0x80, s15, $0x10   }
0x103: {  	s22 =	sadd.s32 $0x18200, s20  }
0x104: {  	s23 =	sadd.s32 s19, s25;
	s22 =	sshrl.u32 s22, $0x3  }
0x105: {  	[hbm:s23@s16], [sflag:s21] =	dma.strided [spmem:s22@s17], $0x80, s15, $0x10   }
0x106: {  	s22 =	sadd.s32 $0x18280, s20  }
0x107: {  	s23 =	sadd.s32 s19, s5;
	s22 =	sshrl.u32 s22, $0x3  }
0x108: {  	[hbm:s23@s16], [sflag:s21] =	dma.strided [spmem:s22@s17], $0x80, s15, $0x10   }
0x109: {  	s22 =	sadd.s32 $0x18300, s20  }
0x10a: {  	s23 =	sadd.s32 s19, s2;
	s22 =	sshrl.u32 s22, $0x3  }
0x10b: {  	[hbm:s23@s16], [sflag:s21] =	dma.strided [spmem:s22@s17], $0x80, s15, $0x10   }
0x10c: {  	s22 =	sadd.s32 $0x18380, s20  }
0x10d: {  	s23 =	sadd.s32 s19, s9;
	s22 =	sshrl.u32 s22, $0x3  }
0x10e: {  	[hbm:s23@s16], [sflag:s21] =	dma.strided [spmem:s22@s17], $0x80, s15, $0x10   }
0x10f: {  	s22 =	sadd.s32 $0x18400, s20  }
0x110: {  	s23 =	sadd.s32 s19, s3;
	s22 =	sshrl.u32 s22, $0x3  }
0x111: {  	[hbm:s23@s16], [sflag:s21] =	dma.strided [spmem:s22@s17], $0x80, s15, $0x10   }
0x112: {  	s22 =	sadd.s32 $0x18480, s20  }
0x113: {  	s23 =	sadd.s32 s19, s4;
	s22 =	sshrl.u32 s22, $0x3  }
0x114: {  	[hbm:s23@s16], [sflag:s21] =	dma.strided [spmem:s22@s17], $0x80, s15, $0x10   }
0x115: {  	s22 =	sadd.s32 $0x18500, s20  }
0x116: {  	s23 =	sadd.s32 s19, s1;
	s22 =	sshrl.u32 s22, $0x3  }
0x117: {  	[hbm:s23@s16], [sflag:s21] =	dma.strided [spmem:s22@s17], $0x80, s15, $0x10   }
0x118: {  	s22 =	sadd.s32 $0x18580, s20  }
0x119: {  	s23 =	sadd.s32 s19, s6;
	s22 =	sshrl.u32 s22, $0x3  }
0x11a: {  	[hbm:s23@s16], [sflag:s21] =	dma.strided [spmem:s22@s17], $0x80, s15, $0x10   }
0x11b: {  	s22 =	sadd.s32 $0x18600, s20  }
0x11c: {  	s23 =	sadd.s32 s19, s10;
	s22 =	sshrl.u32 s22, $0x3  }
0x11d: {  	[hbm:s23@s16], [sflag:s21] =	dma.strided [spmem:s22@s17], $0x80, s15, $0x10   }
0x11e: {  	s22 =	sadd.s32 $0x18680, s20  }
0x11f: {  	s23 =	sadd.s32 s19, s11;
	s22 =	sshrl.u32 s22, $0x3  }
0x120: {  	[hbm:s23@s16], [sflag:s21] =	dma.strided [spmem:s22@s17], $0x80, s15, $0x10   }
0x121: {  	s22 =	sadd.s32 $0x18700, s20  }
0x122: {  	s23 =	sadd.s32 s19, s12;
	s20 =	sadd.s32 $0x18780, s20;
	s22 =	sshrl.u32 s22, $0x3  }
0x123: {  	[hbm:s23@s16], [sflag:s21] =	dma.strided [spmem:s22@s17], $0x80, s15, $0x10   }
0x124: {  	s19 =	sadd.s32 s19, s13;
	s20 =	sshrl.u32 s20, $0x3;
	s23 =	sand.u32 $0x7, s18  }
0x125: {  	[hbm:s19@s16], [sflag:s21] =	dma.strided [spmem:s20@s17], $0x80, s15, $0x10   }
0x126: {  	p1 =	sne.s32 s23, $0x0  }
0x127: {  	s19 =	ssub.s32 @!p1 s18, s26  }
0x128: {  	s20 =	rddreg [dreg:$0x9];
	s19 =	sshrl.u32 @!p1 s19, $0x3  }
0x129: {  	s19 =	sadd.s32 @!p1 s20, s19  }
0x12a: {  	s20 =	sand.u32 @!p1 $0xF, s19  }
0x12b: {  	s21 =	sshll.u32 @!p1 s19, $0x8;
	s20 =	smul.u32 @!p1 $0x1F000, s20  }
0x12c: {  	s21 =	sand.u32 @!p1 $0xFFFFF000, s21  }
0x12d: {  	s22 =	rddreg [dreg:$0x4];
	s21 =	ssub.s32 @!p1 $0x0, s21;
	s20 =	sshrl.u32 @!p1 s20, $0x2  }
0x12e: {  	s19 =	sshll.u32 @!p1 s19, $0xB;
	s21 =	sshra.s32 @!p1 s21, $0x2;
	s20 =	sadd.s32 @!p1 s20, s22  }
0x12f: {  	s19 =	sand.u32 @!p1 $0x1FFFF800, s19;
	s20 =	sadd.s32 @!p1 s21, s20  }
0x130: {  	s22 =	rddreg [dreg:$0x2];
	s21 =	sshll.u32 @!p1 s24, $0x6;
	s20 =	sadd.s32 @!p1 $0x3C00, s20  }
0x131: {  	s19 =	sadd.s32 @!p1 s22, s19;
	s21 =	sor.u32 @!p1 $0x1C02, s21;
	s20 =	sshrl.u32 @!p1 s20, $0x3  }
0x132: {  	[hbm:s19], [sflag:s21] =	dma.local @!p1 [spmem:s20], $0x800  }
0x133: {  	p1 =	slt.u32 s18, s14  }
.Ltmp2:
0x134: {  	_ = 	snop;
	(pc) =	sbr.rel @p1 .LBB2_6-.Ltmp2, $2  }
0x135: {  	_ =	sdelay $0x2  }
0x136: {  	s19 =	simm.s32 $0xFFFFFFF8  }
0x137: {  	_ =	swait.ge [sflag:s15], $0x80  }
0x138: {  	[sflag:s15] =	ssyncset.done $0x0  }
0x139: {  	[sflag:s15] =	ssyncadd.s32 $0xFFFFFF80  }
0x13a: {  	_ =	swait.ge [sflag:s15], $0x80  }
0x13b: {  	[sflag:s15] =	ssyncset.done $0x0  }
0x13c: {  	[sflag:s15] =	ssyncadd.s32 $0xFFFFFF80  }
0x13d: {  	_ =	swait.ge [sflag:s15], $0x80  }
0x13e: {  	[sflag:s15] =	ssyncset.done $0x0  }
0x13f: {  	[sflag:s15] =	ssyncadd.s32 $0xFFFFFF80  }
0x140: {  	_ =	swait.ge [sflag:s15], $0x80  }
0x141: {  	[sflag:s15] =	ssyncset.done $0x0  }
0x142: {  	[sflag:s15] =	ssyncadd.s32 $0xFFFFFF80  }
0x143: {  	_ =	swait.ge [sflag:s15], $0x80  }
0x144: {  	[sflag:s15] =	ssyncset.done $0x0  }
0x145: {  	[sflag:s15] =	ssyncadd.s32 $0xFFFFFF80  }
0x146: {  	_ =	swait.ge [sflag:s15], $0x80  }
0x147: {  	[sflag:s15] =	ssyncset.done $0x0  }
0x148: {  	[sflag:s15] =	ssyncadd.s32 $0xFFFFFF80  }
0x149: {  	_ =	swait.ge [sflag:s15], $0x80  }
0x14a: {  	[sflag:s15] =	ssyncset.done $0x0  }
0x14b: {  	[sflag:s15] =	ssyncadd.s32 $0xFFFFFF80  }
0x14c: {  	_ =	swait.ge [sflag:s15], $0x80  }
0x14d: {  	s19 =	sadd.s32 $0x8, s19;
	[sflag:s15] =	ssyncset.done $0x0  }
.LBB2_4:
0x14e: {  	s19 =	sadd.s32 $0x8, s19;
	[sflag:s15] =	ssyncadd.s32 $0xFFFFFF80  }
0x14f: {  	_ =	swait.ge [sflag:s15], $0x80;
	p1 =	slt.u32 s19, $0x38  }
0x150: {  	[sflag:s15] =	ssyncset.done $0x0  }
0x151: {  	[sflag:s15] =	ssyncadd.s32 $0xFFFFFF80  }
0x152: {  	_ =	swait.ge [sflag:s15], $0x80  }
0x153: {  	[sflag:s15] =	ssyncset.done $0x0  }
0x154: {  	[sflag:s15] =	ssyncadd.s32 $0xFFFFFF80  }
0x155: {  	_ =	swait.ge [sflag:s15], $0x80  }
0x156: {  	[sflag:s15] =	ssyncset.done $0x0  }
0x157: {  	[sflag:s15] =	ssyncadd.s32 $0xFFFFFF80  }
0x158: {  	_ =	swait.ge [sflag:s15], $0x80  }
0x159: {  	[sflag:s15] =	ssyncset.done $0x0  }
0x15a: {  	[sflag:s15] =	ssyncadd.s32 $0xFFFFFF80  }
0x15b: {  	_ =	swait.ge [sflag:s15], $0x80  }
0x15c: {  	[sflag:s15] =	ssyncset.done $0x0  }
0x15d: {  	[sflag:s15] =	ssyncadd.s32 $0xFFFFFF80  }
0x15e: {  	_ =	swait.ge [sflag:s15], $0x80  }
0x15f: {  	[sflag:s15] =	ssyncset.done $0x0  }
0x160: {  	[sflag:s15] =	ssyncadd.s32 $0xFFFFFF80  }
.Ltmp3:
0x161: {  	_ =	swait.ge [sflag:s15], $0x80;
	(pc) =	sbr.rel @p1 .LBB2_4-.Ltmp3, $4  }
0x162: {  	[sflag:s15] =	ssyncset.done $0x0  }
0x163: {  	[sflag:s15] =	ssyncadd.s32 $0xFFFFFF80  }
0x164: {  	_ =	swait.ge [sflag:s15], $0x80  }
0x165: {  	[sflag:s15] =	ssyncset.done $0x0  }
.Ltmp4:
0x166: {  	(pc) =	sbr.rel .LBB2_6-.Ltmp4, $2  }
0x167: {  	_ =	sdelay $0x2  }
0x168: {  	[sflag:s15] =	ssyncadd.s32 $0xFFFFFF80  }
.LBB2_7:
0x169: {  	_ =	swait.ge [sflag:s15], $0x80  }
0x16a: {  	[sflag:s15] =	ssyncset.done $0x0  }
0x16b: {  	[sflag:s15] =	ssyncadd.s32 $0xFFFFFF80  }
0x16c: {  	_ =	swait.ge [sflag:s15], $0x80  }
0x16d: {  	[sflag:s15] =	ssyncset.done $0x0  }
0x16e: {  	[sflag:s15] =	ssyncadd.s32 $0xFFFFFF80  }
0x16f: {  	_ =	swait.ge [sflag:s15], $0x80  }
0x170: {  	[sflag:s15] =	ssyncset.done $0x0  }
0x171: {  	[sflag:s15] =	ssyncadd.s32 $0xFFFFFF80  }
0x172: {  	_ =	swait.ge [sflag:s15], $0x80  }
0x173: {  	[sflag:s15] =	ssyncset.done $0x0  }
0x174: {  	[sflag:s15] =	ssyncadd.s32 $0xFFFFFF80  }
0x175: {  	_ =	swait.ge [sflag:s15], $0x80  }
0x176: {  	[sflag:s15] =	ssyncset.done $0x0  }
0x177: {  	[sflag:s15] =	ssyncadd.s32 $0xFFFFFF80  }
0x178: {  	_ =	swait.ge [sflag:s15], $0x80  }
0x179: {  	[sflag:s15] =	ssyncset.done $0x0  }
0x17a: {  	[sflag:s15] =	ssyncadd.s32 $0xFFFFFF80  }
0x17b: {  	_ =	swait.ge [sflag:s15], $0x80  }
0x17c: {  	[sflag:s15] =	ssyncset.done $0x0  }
0x17d: {  	[sflag:s15] =	ssyncadd.s32 $0xFFFFFF80  }
0x17e: {  	_ =	swait.ge [sflag:s15], $0x80  }
0x17f: {  	s18 =	sadd.s32 $0x8, s19;
	[sflag:s15] =	ssyncset.done $0x0  }
.LBB2_8:
0x180: {  	s18 =	sadd.s32 $0x8, s18;
	[sflag:s15] =	ssyncadd.s32 $0xFFFFFF80  }
0x181: {  	_ =	swait.ge [sflag:s15], $0x80;
	p1 =	slt.u32 s18, $0x38  }
0x182: {  	[sflag:s15] =	ssyncset.done $0x0  }
0x183: {  	[sflag:s15] =	ssyncadd.s32 $0xFFFFFF80  }
0x184: {  	_ =	swait.ge [sflag:s15], $0x80  }
0x185: {  	[sflag:s15] =	ssyncset.done $0x0  }
0x186: {  	[sflag:s15] =	ssyncadd.s32 $0xFFFFFF80  }
0x187: {  	_ =	swait.ge [sflag:s15], $0x80  }
0x188: {  	[sflag:s15] =	ssyncset.done $0x0  }
0x189: {  	[sflag:s15] =	ssyncadd.s32 $0xFFFFFF80  }
0x18a: {  	_ =	swait.ge [sflag:s15], $0x80  }
0x18b: {  	[sflag:s15] =	ssyncset.done $0x0  }
0x18c: {  	[sflag:s15] =	ssyncadd.s32 $0xFFFFFF80  }
0x18d: {  	_ =	swait.ge [sflag:s15], $0x80  }
0x18e: {  	[sflag:s15] =	ssyncset.done $0x0  }
0x18f: {  	[sflag:s15] =	ssyncadd.s32 $0xFFFFFF80  }
0x190: {  	_ =	swait.ge [sflag:s15], $0x80  }
0x191: {  	[sflag:s15] =	ssyncset.done $0x0  }
0x192: {  	[sflag:s15] =	ssyncadd.s32 $0xFFFFFF80  }
.Ltmp5:
0x193: {  	_ =	swait.ge [sflag:s15], $0x80;
	(pc) =	sbr.rel @p1 .LBB2_8-.Ltmp5, $4  }
0x194: {  	[sflag:s15] =	ssyncset.done $0x0  }
0x195: {  	[sflag:s15] =	ssyncadd.s32 $0xFFFFFF80  }
0x196: {  	_ =	swait.ge [sflag:s15], $0x80  }
0x197: {  	[sflag:s15] =	ssyncset.done $0x0  }
0x198: {  	[sflag:s15] =	ssyncadd.s32 $0xFFFFFF80  }
0x199: {  	_ =	swait.ge [sflag:s15], $0x80  }
0x19a: {  	[sflag:s15] =	ssyncset.done $0x0  }
0x19b: {  	[sflag:s15] =	ssyncadd.s32 $0xFFFFFF80  }
0x19c: {  	_ =	swait.ge [sflag:s15], $0x80  }
0x19d: {  	[sflag:s15] =	ssyncset.done $0x0  }
0x19e: {  	[sflag:s15] =	ssyncadd.s32 $0xFFFFFF80  }
0x19f: {  	_ =	swait.ge [sflag:s15], $0x80  }
0x1a0: {  	[sflag:s15] =	ssyncset.done $0x0  }
0x1a1: {  	[sflag:s15] =	ssyncadd.s32 $0xFFFFFF80  }
0x1a2: {  	_ =	swait.ge [sflag:s15], $0x80  }
0x1a3: {  	[sflag:s15] =	ssyncset.done $0x0  }
0x1a4: {  	[sflag:s15] =	ssyncadd.s32 $0xFFFFFF80  }
0x1a5: {  	_ =	swait.ge [sflag:s15], $0x80  }
0x1a6: {  	[sflag:s15] =	ssyncset.done $0x0  }
0x1a7: {  	[sflag:s15] =	ssyncadd.s32 $0xFFFFFF80  }
0x1a8: {  	_ =	swait.ge [sflag:s15], $0x80  }
0x1a9: {  	[sflag:s15] =	ssyncset.done $0x0  }
0x1aa: {  	[sflag:s15] =	ssyncadd.s32 $0xFFFFFF80  }
0x1ab: {  	_ =	swait.ge [sflag:s15], $0x80  }
0x1ac: {  	[sflag:s15] =	ssyncset.done $0x0  }
0x1ad: {  	[sflag:s15] =	ssyncadd.s32 $0xFFFFFF80  }
0x1ae: {  	_ =	swait.ge [sflag:s15], $0x80  }
0x1af: {  	s18 =	simm.s32 $0x0;
	[sflag:s15] =	ssyncset.done $0x0  }
.LBB2_10:
0x1b0: {  	s18 =	sadd.s32 $0x8, s18;
	[sflag:s15] =	ssyncadd.s32 $0xFFFFFF80  }
0x1b1: {  	_ =	swait.ge [sflag:s15], $0x80;
	p1 =	slt.u32 s18, $0x38  }
0x1b2: {  	[sflag:s15] =	ssyncset.done $0x0  }
0x1b3: {  	[sflag:s15] =	ssyncadd.s32 $0xFFFFFF80  }
0x1b4: {  	_ =	swait.ge [sflag:s15], $0x80  }
0x1b5: {  	[sflag:s15] =	ssyncset.done $0x0  }
0x1b6: {  	[sflag:s15] =	ssyncadd.s32 $0xFFFFFF80  }
0x1b7: {  	_ =	swait.ge [sflag:s15], $0x80  }
0x1b8: {  	[sflag:s15] =	ssyncset.done $0x0  }
0x1b9: {  	[sflag:s15] =	ssyncadd.s32 $0xFFFFFF80  }
0x1ba: {  	_ =	swait.ge [sflag:s15], $0x80  }
0x1bb: {  	[sflag:s15] =	ssyncset.done $0x0  }
0x1bc: {  	[sflag:s15] =	ssyncadd.s32 $0xFFFFFF80  }
0x1bd: {  	_ =	swait.ge [sflag:s15], $0x80  }
0x1be: {  	[sflag:s15] =	ssyncset.done $0x0  }
0x1bf: {  	[sflag:s15] =	ssyncadd.s32 $0xFFFFFF80  }
0x1c0: {  	_ =	swait.ge [sflag:s15], $0x80  }
0x1c1: {  	[sflag:s15] =	ssyncset.done $0x0  }
0x1c2: {  	[sflag:s15] =	ssyncadd.s32 $0xFFFFFF80  }
.Ltmp6:
0x1c3: {  	_ =	swait.ge [sflag:s15], $0x80;
	(pc) =	sbr.rel @p1 .LBB2_10-.Ltmp6, $4  }
0x1c4: {  	[sflag:s15] =	ssyncset.done $0x0  }
0x1c5: {  	[sflag:s15] =	ssyncadd.s32 $0xFFFFFF80  }
0x1c6: {  	_ =	swait.ge [sflag:s15], $0x80  }
0x1c7: {  	[sflag:s15] =	ssyncset.done $0x0  }
0x1c8: {  	[sflag:s15] =	ssyncadd.s32 $0xFFFFFF80;
	s20 =	simm.s32 $0x2  }
0x1c9: {  	_ =	swait.ge [sflag:s20], $0x800  }
0x1ca: {  	[sflag:s20] =	ssyncset.done $0x0  }
0x1cb: {  	[sflag:s20] =	ssyncadd.s32 $0xFFFFF800  }
0x1cc: {  	_ =	swait.ge [sflag:s20], $0x800  }
0x1cd: {  	[sflag:s20] =	ssyncset.done $0x0  }
0x1ce: {  	[sflag:s20] =	ssyncadd.s32 $0xFFFFF800  }
0x1cf: {  	_ =	swait.ge [sflag:s20], $0x800  }
0x1d0: {  	[sflag:s20] =	ssyncset.done $0x0  }
0x1d1: {  	[sflag:s20] =	ssyncadd.s32 $0xFFFFF800  }
0x1d2: {  	_ =	swait.ge [sflag:s20], $0x800  }
0x1d3: {  	[sflag:s20] =	ssyncset.done $0x0  }
0x1d4: {  	[sflag:s20] =	ssyncadd.s32 $0xFFFFF800  }
0x1d5: {  	_ =	swait.ge [sflag:s20], $0x800  }
0x1d6: {  	[sflag:s20] =	ssyncset.done $0x0  }
0x1d7: {  	[sflag:s20] =	ssyncadd.s32 $0xFFFFF800  }
0x1d8: {  	_ =	swait.ge [sflag:s20], $0x800  }
0x1d9: {  	[sflag:s20] =	ssyncset.done $0x0  }
0x1da: {  	[sflag:s20] =	ssyncadd.s32 $0xFFFFF800  }
0x1db: {  	_ =	swait.ge [sflag:s20], $0x800  }
0x1dc: {  	[sflag:s20] =	ssyncset.done $0x0  }
0x1dd: {  	[sflag:s20] =	ssyncadd.s32 $0xFFFFF800  }
0x1de: {  	_ =	swait.ge [sflag:s20], $0x800  }
0x1df: {  	s18 =	rddreg [dreg:$0x6]  }
0x1e0: {  	s19 =	rddreg [dreg:$0x18];
	s18 =	sadd.s32 $0x1, s18  }
0x1e1: {  	p1 =	sne.s32 s18, s19  }
.Ltmp7:
0x1e2: {  	_ = 	snop;
	(pc) =	sbr.rel @p1 .LBB2_1-.Ltmp7, $3  }
0x1e3: {  	_ =	sdelay $0x1  }
0x1e4: {  	[sflag:s20] =	ssyncset.done $0x0  }
0x1e5: {  	[sflag:s20] =	ssyncadd.s32 $0xFFFFF800  }
0x1e6: {  	_ =	sfence.sel $0x180000  }
0x1e7: {  	[bflag:$0x0] =	sbarrier.arrive $0xFFFF  }
0x1e8: {  	_ =	strace $0x90000047  }
0x1e9: {  	[bflag:$0x2] =	sbarrier.arrive $0xFFFF  }
0x1ea: {  	s0 =	rddreg [dreg:$0x5]  }
0x1eb: {  	s0 =	sadd.s32 @!p0 $0x100000, s0  }
0x1ec: {  	[sflag:s0] =	ssyncadd.tile.s32 @!p0 $0x1;
	_ =	shalt  }
.Lfunc_end2:
_tile_overlayer_lowered:
.L_overlay_start_2:
0x1ed: {  	(tag) =	ssettag $0x2  }
0x1ee: {  	s0 =	rddreg [dreg:$0x0];
	s2 =	stileid.u32  }
0x1ef: {  	s1 =	rddreg [dreg:$0x1];
	p0 =	sne.s32 s2, $0x0  }
0x1f0: {  	s3 =	rddreg [dreg:$0x2];
	[bflag:$0x3] =	sbarrier.arrive $0xFFFF;
	s2 =	simm.s32 @!p0 $0x1C03  }
0x1f1: {  	[timem:s3], [sflag:s2] =	dma.local @!p0 [hbm:s0], s1  }
0x1f2: {  	s0 =	simm.s32 @!p0 $0x3  }
0x1f3: {  	_ =	swait.ge @!p0 [sflag:s0], s1  }
0x1f4: {  	s1 =	ssub.s32 @!p0 $0x0, s1;
	[sflag:s0] =	ssyncset.done @!p0 $0x0  }
0x1f5: {  	[sflag:s0] =	ssyncadd.s32 @!p0 s1  }
0x1f6: {  	[bflag:$0x3] =	sbarrier.arrive $0xFFFF  }
0x1f7: {  	_ =	shalt  }

</sc_bundles>
